<compile_context>
chip_gen: v7x
topology: tpu7x:2x2x1
jax: 0.10.2.dev20260603
libtpu: 0.0.44.dev20260713+nightly
codegen_flags: <defaults>
</compile_context>

<pallas_src>
import functools

import jax
import jax.numpy as jnp
from jax import lax
from jax.experimental import pallas as pl
from jax.experimental.pallas import tpu as pltpu
from jax.experimental.pallas import tpu_sc as plsc

N_NODES = 10000
N_PAD = 10240
F = 256
FH = 128
OUT_F = 128
NC, NS = 2, 16
CHUNK = 128
AGG_CHUNKS = 80
DEG_CHUNKS = 40
E_PAD = NS * AGG_CHUNKS * CHUNK
ROWS_PER_TILE = N_PAD // NS
DEG_W = 16



def _deg_body(srcp, dstp, ones_hbm, zeros_hbm, out_hbm, idx_v, const_v, deg_s):
    c = lax.axis_index("c")
    s = lax.axis_index("s")
    base = s * ROWS_PER_TILE
    pltpu.sync_copy(zeros_hbm, const_v)
    for k in range(ROWS_PER_TILE // CHUNK):
        pltpu.sync_copy(const_v, deg_s.at[pl.ds(base + k * CHUNK, CHUNK)])

    @pl.when(c == 0)
    def _():
        pltpu.sync_copy(srcp.at[s], idx_v)

    @pl.when(c == 1)
    def _():
        pltpu.sync_copy(dstp.at[s], idx_v)

    pltpu.sync_copy(ones_hbm, const_v)
    plsc.subcore_barrier()

    def body(j, carry):
        pltpu.sync_copy(const_v, deg_s.at[idx_v.at[j]], add=True)
        return carry

    lax.fori_loop(0, AGG_CHUNKS, body, 0)
    plsc.subcore_barrier()
    for k in range(ROWS_PER_TILE // CHUNK):
        sl = pl.ds(base + k * CHUNK, CHUNK)
        pltpu.sync_copy(deg_s.at[sl], const_v)

        @pl.when(c == 0)
        def _():
            pltpu.sync_copy(const_v, out_hbm.at[0, sl])

        @pl.when(c == 1)
        def _():
            pltpu.sync_copy(const_v, out_hbm.at[1, sl])


def _agg_body(h0, h1, srcp, dstp, zeros_hbm, out0, out1,
              src_v, dst_v, rows_v, agg_s):
    c = lax.axis_index("c")
    s = lax.axis_index("s")
    base = s * ROWS_PER_TILE
    pltpu.sync_copy(zeros_hbm, rows_v)
    for k in range(ROWS_PER_TILE // CHUNK):
        pltpu.sync_copy(rows_v, agg_s.at[pl.ds(base + k * CHUNK, CHUNK)])
    pltpu.sync_copy(srcp.at[s], src_v)
    pltpu.sync_copy(dstp.at[s], dst_v)
    plsc.subcore_barrier()

    def make_body(h_ref):
        def body(j, carry):
            pltpu.sync_copy(h_ref.at[src_v.at[j]], rows_v)
            pltpu.sync_copy(rows_v, agg_s.at[dst_v.at[j]], add=True)
            return carry
        return body

    @pl.when(c == 0)
    def _():
        lax.fori_loop(0, AGG_CHUNKS, make_body(h0), 0)

    @pl.when(c == 1)
    def _():
        lax.fori_loop(0, AGG_CHUNKS, make_body(h1), 0)

    plsc.subcore_barrier()
    for k in range(ROWS_PER_TILE // CHUNK):
        sl = pl.ds(base + k * CHUNK, CHUNK)
        pltpu.sync_copy(agg_s.at[sl], rows_v)

        @pl.when(c == 0)
        def _():
            pltpu.sync_copy(rows_v, out0.at[sl])

        @pl.when(c == 1)
        def _():
            pltpu.sync_copy(rows_v, out1.at[sl])


@functools.lru_cache(maxsize=None)
def _sc_calls():
    mesh = plsc.VectorSubcoreMesh(core_axis_name="c", subcore_axis_name="s",
                                  num_cores=NC, num_subcores=NS)
    deg = pl.kernel(
        _deg_body,
        out_type=jax.ShapeDtypeStruct((2, N_PAD, CHUNK), jnp.float32),
        mesh=mesh,
        scratch_types=[
            pltpu.VMEM((AGG_CHUNKS, CHUNK), jnp.int32),
            pltpu.VMEM((CHUNK, CHUNK), jnp.float32),
            pltpu.VMEM_SHARED((N_PAD, CHUNK), jnp.float32),
        ],
    )
    agg = pl.kernel(
        _agg_body,
        out_type=[jax.ShapeDtypeStruct((N_PAD, FH), jnp.float32),
                  jax.ShapeDtypeStruct((N_PAD, FH), jnp.float32)],
        mesh=mesh,
        scratch_types=[
            pltpu.VMEM((AGG_CHUNKS, CHUNK), jnp.int32),
            pltpu.VMEM((AGG_CHUNKS, CHUNK), jnp.int32),
            pltpu.VMEM((CHUNK, FH), jnp.float32),
            pltpu.VMEM_SHARED((N_PAD, FH), jnp.float32),
        ],
    )
    return deg, agg



_BR = 256


def _scale_out(deg_ref):
    return lax.rsqrt(jnp.maximum(deg_ref[0, :, 0], 1.0)).reshape(-1, 1)


def _scale_in(deg_ref):
    return lax.rsqrt(jnp.maximum(deg_ref[1, :, 0], 1.0)).reshape(-1, 1)


def _b1_kernel(x_ref, w_ref, deg_ref, out0_ref, out1_ref):
    h = jnp.dot(x_ref[:], w_ref[:], preferred_element_type=jnp.float32)
    h = h * _scale_out(deg_ref)
    out0_ref[:] = h[:, :FH]
    out1_ref[:] = h[:, FH:]


def _b2_kernel(a0_ref, a1_ref, deg_ref, b_ref, w_ref, out0_ref, out1_ref):
    s_i = _scale_in(deg_ref)
    s_o = _scale_out(deg_ref)
    y0 = jnp.maximum(a0_ref[:] * s_i + b_ref[0, :FH], 0.0) * s_o
    y1 = jnp.maximum(a1_ref[:] * s_i + b_ref[0, FH:], 0.0) * s_o
    h = (jnp.dot(y0, w_ref[:FH, :], preferred_element_type=jnp.float32)
         + jnp.dot(y1, w_ref[FH:, :], preferred_element_type=jnp.float32))
    out0_ref[:] = h[:, :FH]
    out1_ref[:] = h[:, FH:]


def _d_kernel(a0_ref, a1_ref, deg_ref, b_ref, wd_ref, bd_ref, out_ref, acc_ref):
    i = pl.program_id(0)

    @pl.when(i == 0)
    def _():
        acc_ref[:] = jnp.zeros_like(acc_ref)

    s_i = _scale_in(deg_ref)
    rows = i * _BR + lax.broadcasted_iota(jnp.int32, (_BR, 1), 0)
    mask = (rows < N_NODES).astype(jnp.float32)
    y0 = jnp.maximum(a0_ref[:] * s_i + b_ref[0, :FH], 0.0) * mask
    y1 = jnp.maximum(a1_ref[:] * s_i + b_ref[0, FH:], 0.0) * mask
    acc_ref[:, :FH] += jnp.sum(y0, axis=0, keepdims=True)
    acc_ref[:, FH:] += jnp.sum(y1, axis=0, keepdims=True)

    @pl.when(i == N_PAD // _BR - 1)
    def _():
        hg = acc_ref[:] * (1.0 / N_NODES)
        out_ref[:] = (jnp.dot(hg, wd_ref[:], preferred_element_type=jnp.float32)
                      + bd_ref[:])


@functools.lru_cache(maxsize=None)
def _tc_calls():
    nblk = N_PAD // _BR
    deg_spec = pl.BlockSpec((2, _BR, CHUNK), lambda i: (0, i, 0))
    half = pl.BlockSpec((_BR, FH), lambda i: (i, 0))
    full = pl.BlockSpec((_BR, F), lambda i: (i, 0))
    w_spec = pl.BlockSpec((F, F), lambda i: (0, 0))
    b_spec = pl.BlockSpec((1, F), lambda i: (0, 0))
    b1 = pl.pallas_call(
        _b1_kernel,
        grid=(nblk,),
        in_specs=[full, w_spec, deg_spec],
        out_specs=[half, half],
        out_shape=[jax.ShapeDtypeStruct((N_PAD, FH), jnp.float32)] * 2,
    )
    b2 = pl.pallas_call(
        _b2_kernel,
        grid=(nblk,),
        in_specs=[half, half, deg_spec, b_spec, w_spec],
        out_specs=[half, half],
        out_shape=[jax.ShapeDtypeStruct((N_PAD, FH), jnp.float32)] * 2,
    )
    d = pl.pallas_call(
        _d_kernel,
        grid=(nblk,),
        in_specs=[half, half, deg_spec, b_spec,
                  pl.BlockSpec((F, OUT_F), lambda i: (0, 0)),
                  pl.BlockSpec((1, OUT_F), lambda i: (0, 0))],
        out_specs=pl.BlockSpec((1, OUT_F), lambda i: (0, 0)),
        out_shape=jax.ShapeDtypeStruct((1, OUT_F), jnp.float32),
        scratch_shapes=[pltpu.VMEM((1, F), jnp.float32)],
    )
    return b1, b2, d



@jax.jit
def kernel(x, edge_index, W1, b1, W2, b2, Wd, bd):
    n_edges = edge_index.shape[1]
    src = edge_index[0].astype(jnp.int32)
    dst = edge_index[1].astype(jnp.int32)
    pad = jnp.full((E_PAD - n_edges,), N_NODES, jnp.int32)
    srcp = jnp.concatenate([src, pad]).reshape(NS, AGG_CHUNKS, CHUNK)
    dstp = jnp.concatenate([dst, pad]).reshape(NS, AGG_CHUNKS, CHUNK)
    xp = jnp.zeros((N_PAD, F), jnp.float32).at[:N_NODES].set(x)
    ones128 = jnp.ones((CHUNK, CHUNK), jnp.float32)
    zeros128 = jnp.zeros((CHUNK, FH), jnp.float32)

    deg_call, agg_call = _sc_calls()
    b1_call, b2_call, d_call = _tc_calls()

    degp = deg_call(srcp, dstp, ones128, zeros128)
    h10, h11 = b1_call(xp, W1, degp)
    a10, a11 = agg_call(h10, h11, srcp, dstp, zeros128)
    h20, h21 = b2_call(a10, a11, degp, b1.reshape(1, F), W2)
    a20, a21 = agg_call(h20, h21, srcp, dstp, zeros128)
    out = d_call(a20, a21, degp, b2.reshape(1, F), Wd, bd.reshape(1, OUT_F))
    return out

# --- scband reference (transcript-rebuilt; emitter-appended) ---
"""Pipeline reference for scband-graph-transformer-68161130987920 (READ-ONLY COPY).

The authoritative reference and input builder live on the scoring server;
editing this copy changes nothing except your own understanding.
"""

import jax, jax.numpy as jnp
import numpy as np

N_NODES = 10000
IN_FEATS = 256
HIDDEN_FEATS = 256
OUT_FEATS = 128
N_EDGES = 160000


def _graph_conv(x, src, dst, W, b, n_nodes):
    # DGL GraphConv with norm='both': pre-normalize by out-degree^{-1/2} of src,
    # sum-aggregate over edges, post-normalize by in-degree^{-1/2} of dst,
    # then weight + bias (weight applied before aggregation; math-equivalent).
    deg_out = jnp.clip(jnp.zeros((n_nodes,), dtype=x.dtype).at[src].add(1.0), 1.0, None)
    deg_in = jnp.clip(jnp.zeros((n_nodes,), dtype=x.dtype).at[dst].add(1.0), 1.0, None)
    h = x * (deg_out ** -0.5)[:, None]
    h = h @ W
    msgs = jnp.take(h, src, axis=0)
    agg = jnp.zeros((n_nodes, h.shape[1]), dtype=h.dtype).at[dst].add(msgs)
    agg = agg * (deg_in ** -0.5)[:, None]
    return agg + b


def setup_inputs(seed: int = 0) -> dict:
    key = jax.random.key(seed)
    k = jax.random.split(key, 8)
    x = jax.random.normal(k[0], (N_NODES, IN_FEATS), dtype=jnp.float32)
    edge_index = jax.random.randint(k[1], (2, N_EDGES), 0, N_NODES, dtype=jnp.int64)
    s1 = 1.0 / np.sqrt(IN_FEATS)
    s2 = 1.0 / np.sqrt(HIDDEN_FEATS)
    W1 = jax.random.uniform(k[2], (IN_FEATS, HIDDEN_FEATS), jnp.float32, -s1, s1)
    b1 = jnp.zeros((HIDDEN_FEATS,), dtype=jnp.float32)
    W2 = jax.random.uniform(k[3], (HIDDEN_FEATS, HIDDEN_FEATS), jnp.float32, -s2, s2)
    b2 = jnp.zeros((HIDDEN_FEATS,), dtype=jnp.float32)
    Wd = jax.random.uniform(k[4], (HIDDEN_FEATS, OUT_FEATS), jnp.float32, -s2, s2)
    bd = jax.random.uniform(k[5], (OUT_FEATS,), jnp.float32, -s2, s2)
    return {"x": x, "edge_index": edge_index, "W1": W1, "b1": b1, "W2": W2, "b2": b2, "Wd": Wd, "bd": bd}


def reference(x, edge_index, W1, b1, W2, b2, Wd, bd):
    src = edge_index[0]
    dst = edge_index[1]
    n_nodes = x.shape[0]
    h = _graph_conv(x, src, dst, W1, b1, n_nodes)
    h = jax.nn.relu(h)
    h = _graph_conv(h, src, dst, W2, b2, n_nodes)
    h = jax.nn.relu(h)
    hg = jnp.mean(h, axis=0, keepdims=True)  # dgl.mean_nodes over single graph -> [1, hidden]
    out = hg @ Wd + bd
    return out

if __name__ == "__main__":
    import jax
    _d = setup_inputs()
    print(jax.jit(kernel)(*tuple(_d.values())))

</pallas_src>

<mosaic_0001>
#map = affine_map<(d0, d1) -> (0, 0)>
#map1 = affine_map<(d0, d1) -> (0, 0, 0)>
module attributes {stable_mosaic.version = 14 : i64} {
  func.func @_agg_body(%arg0: i32, %arg1: i32, %arg2: memref<10240x128xf32, #tpu.memory_space<hbm>>, %arg3: memref<10240x128xf32, #tpu.memory_space<hbm>>, %arg4: memref<16x80x128xi32, #tpu.memory_space<hbm>>, %arg5: memref<16x80x128xi32, #tpu.memory_space<hbm>>, %arg6: memref<128x128xf32, #tpu.memory_space<hbm>>, %arg7: memref<10240x128xf32, #tpu.memory_space<hbm>>, %arg8: memref<10240x128xf32, #tpu.memory_space<hbm>>, %arg9: memref<80x128xi32, #tpu.memory_space<vmem>>, %arg10: memref<80x128xi32, #tpu.memory_space<vmem>>, %arg11: memref<128x128xf32, #tpu.memory_space<vmem>>, %arg12: memref<10240x128xf32, #tpu.memory_space<vmem_shared>>) attributes {dimension_semantics = [#tpu.dimension_semantics<core_parallel>, #tpu.dimension_semantics<subcore_parallel>], iteration_bounds = array<i64: 2, 16>, scalar_prefetch = 0 : i64, scratch_operands = 4 : i64, tpu.core_type = #tpu.core_type<sc_vector_subcore>, window_params = [{transform_indices = #map}, {transform_indices = #map}, {transform_indices = #map1}, {transform_indices = #map1}, {transform_indices = #map}, {transform_indices = #map}, {transform_indices = #map}]} {
    %mul3A = arith.constant 640 : i32
    %mul3A_0 = arith.muli %arg1, %mul3A : i32
    "tpu.region"() ({
      %run_scoped3A = tpu.sem_alloc : memref<!tpu.dma_semaphore, #tpu.memory_space<semaphore_mem>>
      tpu.enqueue_dma source(%arg6 : memref<128x128xf32, #tpu.memory_space<hbm>>) target(%arg11 : memref<128x128xf32, #tpu.memory_space<vmem>>) target_semaphore(%run_scoped3A : memref<!tpu.dma_semaphore, #tpu.memory_space<semaphore_mem>>)
      tpu.wait_dma2 semaphore(%run_scoped3A : memref<!tpu.dma_semaphore, #tpu.memory_space<semaphore_mem>>) src(%arg6 : memref<128x128xf32, #tpu.memory_space<hbm>>) dst(%arg11 : memref<128x128xf32, #tpu.memory_space<vmem>>)
      tpu.yield
    }) : () -> ()
    %add3A = arith.constant 0 : i32
    %add3A_1 = arith.addi %mul3A_0, %add3A : i32
    "tpu.region"() ({
      %run_scoped3A = tpu.sem_alloc : memref<!tpu.dma_semaphore, #tpu.memory_space<semaphore_mem>>
      %dma_start3A = arith.constant 0 : i32
      %dma_start3A_78 = tpu.memref_slice %arg12[%add3A_1, %dma_start3A] : memref<10240x128xf32, #tpu.memory_space<vmem_shared>> -> memref<128x128xf32, #tpu.memory_space<vmem_shared>>
      %dma_start3A_79 = arith.constant 0 : i32
      %dma_start3A_80 = tpu.memref_slice %arg12[%add3A_1, %dma_start3A_79] : memref<10240x128xf32, #tpu.memory_space<vmem_shared>> -> memref<128x128xf32, #tpu.memory_space<vmem_shared>>
      tpu.enqueue_dma source(%arg11 : memref<128x128xf32, #tpu.memory_space<vmem>>) target(%dma_start3A_80 : memref<128x128xf32, #tpu.memory_space<vmem_shared>>) target_semaphore(%run_scoped3A : memref<!tpu.dma_semaphore, #tpu.memory_space<semaphore_mem>>)
      %dma_wait3A = arith.constant 0 : i32
      %dma_wait3A_81 = tpu.memref_slice %arg12[%add3A_1, %dma_wait3A] : memref<10240x128xf32, #tpu.memory_space<vmem_shared>> -> memref<128x128xf32, #tpu.memory_space<vmem_shared>>
      %dma_wait3A_82 = arith.constant 0 : i32
      %dma_wait3A_83 = tpu.memref_slice %arg12[%add3A_1, %dma_wait3A_82] : memref<10240x128xf32, #tpu.memory_space<vmem_shared>> -> memref<128x128xf32, #tpu.memory_space<vmem_shared>>
      tpu.wait_dma2 semaphore(%run_scoped3A : memref<!tpu.dma_semaphore, #tpu.memory_space<semaphore_mem>>) src(%arg11 : memref<128x128xf32, #tpu.memory_space<vmem>>) dst(%dma_wait3A_83 : memref<128x128xf32, #tpu.memory_space<vmem_shared>>)
      tpu.yield
    }) : () -> ()
    %add3A_2 = arith.constant 128 : i32
    %add3A_3 = arith.addi %mul3A_0, %add3A_2 : i32
    "tpu.region"() ({
      %run_scoped3A = tpu.sem_alloc : memref<!tpu.dma_semaphore, #tpu.memory_space<semaphore_mem>>
      %dma_start3A = arith.constant 0 : i32
      %dma_start3A_78 = tpu.memref_slice %arg12[%add3A_3, %dma_start3A] : memref<10240x128xf32, #tpu.memory_space<vmem_shared>> -> memref<128x128xf32, #tpu.memory_space<vmem_shared>>
      %dma_start3A_79 = arith.constant 0 : i32
      %dma_start3A_80 = tpu.memref_slice %arg12[%add3A_3, %dma_start3A_79] : memref<10240x128xf32, #tpu.memory_space<vmem_shared>> -> memref<128x128xf32, #tpu.memory_space<vmem_shared>>
      tpu.enqueue_dma source(%arg11 : memref<128x128xf32, #tpu.memory_space<vmem>>) target(%dma_start3A_80 : memref<128x128xf32, #tpu.memory_space<vmem_shared>>) target_semaphore(%run_scoped3A : memref<!tpu.dma_semaphore, #tpu.memory_space<semaphore_mem>>)
      %dma_wait3A = arith.constant 0 : i32
      %dma_wait3A_81 = tpu.memref_slice %arg12[%add3A_3, %dma_wait3A] : memref<10240x128xf32, #tpu.memory_space<vmem_shared>> -> memref<128x128xf32, #tpu.memory_space<vmem_shared>>
      %dma_wait3A_82 = arith.constant 0 : i32
      %dma_wait3A_83 = tpu.memref_slice %arg12[%add3A_3, %dma_wait3A_82] : memref<10240x128xf32, #tpu.memory_space<vmem_shared>> -> memref<128x128xf32, #tpu.memory_space<vmem_shared>>
      tpu.wait_dma2 semaphore(%run_scoped3A : memref<!tpu.dma_semaphore, #tpu.memory_space<semaphore_mem>>) src(%arg11 : memref<128x128xf32, #tpu.memory_space<vmem>>) dst(%dma_wait3A_83 : memref<128x128xf32, #tpu.memory_space<vmem_shared>>)
      tpu.yield
    }) : () -> ()
    %add3A_4 = arith.constant 256 : i32
    %add3A_5 = arith.addi %mul3A_0, %add3A_4 : i32
    "tpu.region"() ({
      %run_scoped3A = tpu.sem_alloc : memref<!tpu.dma_semaphore, #tpu.memory_space<semaphore_mem>>
      %dma_start3A = arith.constant 0 : i32
      %dma_start3A_78 = tpu.memref_slice %arg12[%add3A_5, %dma_start3A] : memref<10240x128xf32, #tpu.memory_space<vmem_shared>> -> memref<128x128xf32, #tpu.memory_space<vmem_shared>>
      %dma_start3A_79 = arith.constant 0 : i32
      %dma_start3A_80 = tpu.memref_slice %arg12[%add3A_5, %dma_start3A_79] : memref<10240x128xf32, #tpu.memory_space<vmem_shared>> -> memref<128x128xf32, #tpu.memory_space<vmem_shared>>
      tpu.enqueue_dma source(%arg11 : memref<128x128xf32, #tpu.memory_space<vmem>>) target(%dma_start3A_80 : memref<128x128xf32, #tpu.memory_space<vmem_shared>>) target_semaphore(%run_scoped3A : memref<!tpu.dma_semaphore, #tpu.memory_space<semaphore_mem>>)
      %dma_wait3A = arith.constant 0 : i32
      %dma_wait3A_81 = tpu.memref_slice %arg12[%add3A_5, %dma_wait3A] : memref<10240x128xf32, #tpu.memory_space<vmem_shared>> -> memref<128x128xf32, #tpu.memory_space<vmem_shared>>
      %dma_wait3A_82 = arith.constant 0 : i32
      %dma_wait3A_83 = tpu.memref_slice %arg12[%add3A_5, %dma_wait3A_82] : memref<10240x128xf32, #tpu.memory_space<vmem_shared>> -> memref<128x128xf32, #tpu.memory_space<vmem_shared>>
      tpu.wait_dma2 semaphore(%run_scoped3A : memref<!tpu.dma_semaphore, #tpu.memory_space<semaphore_mem>>) src(%arg11 : memref<128x128xf32, #tpu.memory_space<vmem>>) dst(%dma_wait3A_83 : memref<128x128xf32, #tpu.memory_space<vmem_shared>>)
      tpu.yield
    }) : () -> ()
    %add3A_6 = arith.constant 384 : i32
    %add3A_7 = arith.addi %mul3A_0, %add3A_6 : i32
    "tpu.region"() ({
      %run_scoped3A = tpu.sem_alloc : memref<!tpu.dma_semaphore, #tpu.memory_space<semaphore_mem>>
      %dma_start3A = arith.constant 0 : i32
      %dma_start3A_78 = tpu.memref_slice %arg12[%add3A_7, %dma_start3A] : memref<10240x128xf32, #tpu.memory_space<vmem_shared>> -> memref<128x128xf32, #tpu.memory_space<vmem_shared>>
      %dma_start3A_79 = arith.constant 0 : i32
      %dma_start3A_80 = tpu.memref_slice %arg12[%add3A_7, %dma_start3A_79] : memref<10240x128xf32, #tpu.memory_space<vmem_shared>> -> memref<128x128xf32, #tpu.memory_space<vmem_shared>>
      tpu.enqueue_dma source(%arg11 : memref<128x128xf32, #tpu.memory_space<vmem>>) target(%dma_start3A_80 : memref<128x128xf32, #tpu.memory_space<vmem_shared>>) target_semaphore(%run_scoped3A : memref<!tpu.dma_semaphore, #tpu.memory_space<semaphore_mem>>)
      %dma_wait3A = arith.constant 0 : i32
      %dma_wait3A_81 = tpu.memref_slice %arg12[%add3A_7, %dma_wait3A] : memref<10240x128xf32, #tpu.memory_space<vmem_shared>> -> memref<128x128xf32, #tpu.memory_space<vmem_shared>>
      %dma_wait3A_82 = arith.constant 0 : i32
      %dma_wait3A_83 = tpu.memref_slice %arg12[%add3A_7, %dma_wait3A_82] : memref<10240x128xf32, #tpu.memory_space<vmem_shared>> -> memref<128x128xf32, #tpu.memory_space<vmem_shared>>
      tpu.wait_dma2 semaphore(%run_scoped3A : memref<!tpu.dma_semaphore, #tpu.memory_space<semaphore_mem>>) src(%arg11 : memref<128x128xf32, #tpu.memory_space<vmem>>) dst(%dma_wait3A_83 : memref<128x128xf32, #tpu.memory_space<vmem_shared>>)
      tpu.yield
    }) : () -> ()
    %add3A_8 = arith.constant 512 : i32
    %add3A_9 = arith.addi %mul3A_0, %add3A_8 : i32
    "tpu.region"() ({
      %run_scoped3A = tpu.sem_alloc : memref<!tpu.dma_semaphore, #tpu.memory_space<semaphore_mem>>
      %dma_start3A = arith.constant 0 : i32
      %dma_start3A_78 = tpu.memref_slice %arg12[%add3A_9, %dma_start3A] : memref<10240x128xf32, #tpu.memory_space<vmem_shared>> -> memref<128x128xf32, #tpu.memory_space<vmem_shared>>
      %dma_start3A_79 = arith.constant 0 : i32
      %dma_start3A_80 = tpu.memref_slice %arg12[%add3A_9, %dma_start3A_79] : memref<10240x128xf32, #tpu.memory_space<vmem_shared>> -> memref<128x128xf32, #tpu.memory_space<vmem_shared>>
      tpu.enqueue_dma source(%arg11 : memref<128x128xf32, #tpu.memory_space<vmem>>) target(%dma_start3A_80 : memref<128x128xf32, #tpu.memory_space<vmem_shared>>) target_semaphore(%run_scoped3A : memref<!tpu.dma_semaphore, #tpu.memory_space<semaphore_mem>>)
      %dma_wait3A = arith.constant 0 : i32
      %dma_wait3A_81 = tpu.memref_slice %arg12[%add3A_9, %dma_wait3A] : memref<10240x128xf32, #tpu.memory_space<vmem_shared>> -> memref<128x128xf32, #tpu.memory_space<vmem_shared>>
      %dma_wait3A_82 = arith.constant 0 : i32
      %dma_wait3A_83 = tpu.memref_slice %arg12[%add3A_9, %dma_wait3A_82] : memref<10240x128xf32, #tpu.memory_space<vmem_shared>> -> memref<128x128xf32, #tpu.memory_space<vmem_shared>>
      tpu.wait_dma2 semaphore(%run_scoped3A : memref<!tpu.dma_semaphore, #tpu.memory_space<semaphore_mem>>) src(%arg11 : memref<128x128xf32, #tpu.memory_space<vmem>>) dst(%dma_wait3A_83 : memref<128x128xf32, #tpu.memory_space<vmem_shared>>)
      tpu.yield
    }) : () -> ()
    "tpu.region"() ({
      %run_scoped3A = tpu.sem_alloc : memref<!tpu.dma_semaphore, #tpu.memory_space<semaphore_mem>>
      %dma_start3A = arith.constant 0 : i32
      %dma_start3A_78 = arith.constant 0 : i32
      %dma_start3A_79 = tpu.memref_slice %arg4[%arg1, %dma_start3A, %dma_start3A_78] : memref<16x80x128xi32, #tpu.memory_space<hbm>> -> memref<1x80x128xi32, #tpu.memory_space<hbm>>
      %dma_start3A_80 = tpu.memref_squeeze %dma_start3A_79 : memref<1x80x128xi32, #tpu.memory_space<hbm>> -> memref<80x128xi32, #tpu.memory_space<hbm>>
      %dma_start3A_81 = arith.constant 0 : i32
      %dma_start3A_82 = arith.constant 0 : i32
      %dma_start3A_83 = tpu.memref_slice %arg4[%arg1, %dma_start3A_81, %dma_start3A_82] : memref<16x80x128xi32, #tpu.memory_space<hbm>> -> memref<1x80x128xi32, #tpu.memory_space<hbm>>
      %dma_start3A_84 = tpu.memref_squeeze %dma_start3A_83 : memref<1x80x128xi32, #tpu.memory_space<hbm>> -> memref<80x128xi32, #tpu.memory_space<hbm>>
      tpu.enqueue_dma source(%dma_start3A_84 : memref<80x128xi32, #tpu.memory_space<hbm>>) target(%arg9 : memref<80x128xi32, #tpu.memory_space<vmem>>) target_semaphore(%run_scoped3A : memref<!tpu.dma_semaphore, #tpu.memory_space<semaphore_mem>>)
      %dma_wait3A = arith.constant 0 : i32
      %dma_wait3A_85 = arith.constant 0 : i32
      %dma_wait3A_86 = tpu.memref_slice %arg4[%arg1, %dma_wait3A, %dma_wait3A_85] : memref<16x80x128xi32, #tpu.memory_space<hbm>> -> memref<1x80x128xi32, #tpu.memory_space<hbm>>
      %dma_wait3A_87 = tpu.memref_squeeze %dma_wait3A_86 : memref<1x80x128xi32, #tpu.memory_space<hbm>> -> memref<80x128xi32, #tpu.memory_space<hbm>>
      %dma_wait3A_88 = arith.constant 0 : i32
      %dma_wait3A_89 = arith.constant 0 : i32
      %dma_wait3A_90 = tpu.memref_slice %arg4[%arg1, %dma_wait3A_88, %dma_wait3A_89] : memref<16x80x128xi32, #tpu.memory_space<hbm>> -> memref<1x80x128xi32, #tpu.memory_space<hbm>>
      %dma_wait3A_91 = tpu.memref_squeeze %dma_wait3A_90 : memref<1x80x128xi32, #tpu.memory_space<hbm>> -> memref<80x128xi32, #tpu.memory_space<hbm>>
      tpu.wait_dma2 semaphore(%run_scoped3A : memref<!tpu.dma_semaphore, #tpu.memory_space<semaphore_mem>>) src(%dma_wait3A_91 : memref<80x128xi32, #tpu.memory_space<hbm>>) dst(%arg9 : memref<80x128xi32, #tpu.memory_space<vmem>>)
      tpu.yield
    }) : () -> ()
    "tpu.region"() ({
      %run_scoped3A = tpu.sem_alloc : memref<!tpu.dma_semaphore, #tpu.memory_space<semaphore_mem>>
      %dma_start3A = arith.constant 0 : i32
      %dma_start3A_78 = arith.constant 0 : i32
      %dma_start3A_79 = tpu.memref_slice %arg5[%arg1, %dma_start3A, %dma_start3A_78] : memref<16x80x128xi32, #tpu.memory_space<hbm>> -> memref<1x80x128xi32, #tpu.memory_space<hbm>>
      %dma_start3A_80 = tpu.memref_squeeze %dma_start3A_79 : memref<1x80x128xi32, #tpu.memory_space<hbm>> -> memref<80x128xi32, #tpu.memory_space<hbm>>
      %dma_start3A_81 = arith.constant 0 : i32
      %dma_start3A_82 = arith.constant 0 : i32
      %dma_start3A_83 = tpu.memref_slice %arg5[%arg1, %dma_start3A_81, %dma_start3A_82] : memref<16x80x128xi32, #tpu.memory_space<hbm>> -> memref<1x80x128xi32, #tpu.memory_space<hbm>>
      %dma_start3A_84 = tpu.memref_squeeze %dma_start3A_83 : memref<1x80x128xi32, #tpu.memory_space<hbm>> -> memref<80x128xi32, #tpu.memory_space<hbm>>
      tpu.enqueue_dma source(%dma_start3A_84 : memref<80x128xi32, #tpu.memory_space<hbm>>) target(%arg10 : memref<80x128xi32, #tpu.memory_space<vmem>>) target_semaphore(%run_scoped3A : memref<!tpu.dma_semaphore, #tpu.memory_space<semaphore_mem>>)
      %dma_wait3A = arith.constant 0 : i32
      %dma_wait3A_85 = arith.constant 0 : i32
      %dma_wait3A_86 = tpu.memref_slice %arg5[%arg1, %dma_wait3A, %dma_wait3A_85] : memref<16x80x128xi32, #tpu.memory_space<hbm>> -> memref<1x80x128xi32, #tpu.memory_space<hbm>>
      %dma_wait3A_87 = tpu.memref_squeeze %dma_wait3A_86 : memref<1x80x128xi32, #tpu.memory_space<hbm>> -> memref<80x128xi32, #tpu.memory_space<hbm>>
      %dma_wait3A_88 = arith.constant 0 : i32
      %dma_wait3A_89 = arith.constant 0 : i32
      %dma_wait3A_90 = tpu.memref_slice %arg5[%arg1, %dma_wait3A_88, %dma_wait3A_89] : memref<16x80x128xi32, #tpu.memory_space<hbm>> -> memref<1x80x128xi32, #tpu.memory_space<hbm>>
      %dma_wait3A_91 = tpu.memref_squeeze %dma_wait3A_90 : memref<1x80x128xi32, #tpu.memory_space<hbm>> -> memref<80x128xi32, #tpu.memory_space<hbm>>
      tpu.wait_dma2 semaphore(%run_scoped3A : memref<!tpu.dma_semaphore, #tpu.memory_space<semaphore_mem>>) src(%dma_wait3A_91 : memref<80x128xi32, #tpu.memory_space<hbm>>) dst(%arg10 : memref<80x128xi32, #tpu.memory_space<vmem>>)
      tpu.yield
    }) : () -> ()
    %barrier3A = arith.constant 0 : index
    tpu.barrier barrier_id(%barrier3A)
    %eq3A = arith.constant 0 : i32
    %eq3A_10 = arith.cmpi eq, %arg0, %eq3A : i32
    %convert_element_type3A = arith.extui %eq3A_10 : i1 to i32
    %cond3A = arith.constant 0 : i32
    %cond3A_11 = arith.cmpi ne, %convert_element_type3A, %cond3A : i32
    scf.if %cond3A_11 {
      %scan3A = arith.constant 0 : i32
      %scan3A_78 = arith.constant 0 : i32
      %scan3A_79 = arith.constant 80 : i32
      %scan3A_80 = arith.addi %scan3A_78, %scan3A_79 : i32
      %scan3A_81 = arith.constant 1 : i32
      scf.for %scan3A_83 = %scan3A_78 to %scan3A_80 step %scan3A_81  : i32 {
        "tpu.region"() ({
          %run_scoped3A = tpu.sem_alloc : memref<!tpu.dma_semaphore, #tpu.memory_space<semaphore_mem>>
          %dma_start3A = arith.constant 0 : i32
          %dma_start3A_84 = tpu.memref_slice %arg9[%scan3A_83, %dma_start3A] : memref<80x128xi32, #tpu.memory_space<vmem>> -> memref<1x128xi32, #tpu.memory_space<vmem>>
          %dma_start3A_85 = tpu.memref_squeeze %dma_start3A_84 : memref<1x128xi32, #tpu.memory_space<vmem>> -> memref<128xi32, #tpu.memory_space<vmem>>
          %dma_start3A_86 = arith.constant 0 : i32
          %dma_start3A_87 = arith.constant 0 : i32
          %dma_start3A_88 = tpu.memref_slice %arg2[%dma_start3A_86, %dma_start3A_87] : memref<10240x128xf32, #tpu.memory_space<hbm>> -> memref<10240x128xf32, #tpu.memory_space<hbm>>
          tpu.enqueue_indirect_dma source(%dma_start3A_88 : memref<10240x128xf32, #tpu.memory_space<hbm>>) target(%arg11 : memref<128x128xf32, #tpu.memory_space<vmem>>) offsets(%dma_start3A_85 : memref<128xi32, #tpu.memory_space<vmem>>) semaphore(%run_scoped3A : memref<!tpu.dma_semaphore, #tpu.memory_space<semaphore_mem>>)
          %dma_wait3A = arith.constant 0 : i32
          %dma_wait3A_89 = tpu.memref_slice %arg9[%scan3A_83, %dma_wait3A] : memref<80x128xi32, #tpu.memory_space<vmem>> -> memref<1x128xi32, #tpu.memory_space<vmem>>
          %dma_wait3A_90 = tpu.memref_squeeze %dma_wait3A_89 : memref<1x128xi32, #tpu.memory_space<vmem>> -> memref<128xi32, #tpu.memory_space<vmem>>
          %dma_wait3A_91 = arith.constant 0 : i32
          %dma_wait3A_92 = arith.constant 0 : i32
          %dma_wait3A_93 = tpu.memref_slice %arg2[%dma_wait3A_91, %dma_wait3A_92] : memref<10240x128xf32, #tpu.memory_space<hbm>> -> memref<10240x128xf32, #tpu.memory_space<hbm>>
          tpu.wait_indirect_dma semaphore(%run_scoped3A : memref<!tpu.dma_semaphore, #tpu.memory_space<semaphore_mem>>) src(%dma_wait3A_93 : memref<10240x128xf32, #tpu.memory_space<hbm>>) dst(%arg11 : memref<128x128xf32, #tpu.memory_space<vmem>>)
          tpu.yield
        }) : () -> ()
        "tpu.region"() ({
          %run_scoped3A = tpu.sem_alloc : memref<!tpu.dma_semaphore, #tpu.memory_space<semaphore_mem>>
          %dma_start3A = arith.constant 0 : i32
          %dma_start3A_84 = tpu.memref_slice %arg10[%scan3A_83, %dma_start3A] : memref<80x128xi32, #tpu.memory_space<vmem>> -> memref<1x128xi32, #tpu.memory_space<vmem>>
          %dma_start3A_85 = tpu.memref_squeeze %dma_start3A_84 : memref<1x128xi32, #tpu.memory_space<vmem>> -> memref<128xi32, #tpu.memory_space<vmem>>
          %dma_start3A_86 = arith.constant 0 : i32
          %dma_start3A_87 = arith.constant 0 : i32
          %dma_start3A_88 = tpu.memref_slice %arg12[%dma_start3A_86, %dma_start3A_87] : memref<10240x128xf32, #tpu.memory_space<vmem_shared>> -> memref<10240x128xf32, #tpu.memory_space<vmem_shared>>
          tpu.enqueue_indirect_dma source(%arg11 : memref<128x128xf32, #tpu.memory_space<vmem>>) target(%dma_start3A_88 : memref<10240x128xf32, #tpu.memory_space<vmem_shared>>) offsets(%dma_start3A_85 : memref<128xi32, #tpu.memory_space<vmem>>) semaphore(%run_scoped3A : memref<!tpu.dma_semaphore, #tpu.memory_space<semaphore_mem>>) {add = true}
          %dma_wait3A = arith.constant 0 : i32
          %dma_wait3A_89 = tpu.memref_slice %arg10[%scan3A_83, %dma_wait3A] : memref<80x128xi32, #tpu.memory_space<vmem>> -> memref<1x128xi32, #tpu.memory_space<vmem>>
          %dma_wait3A_90 = tpu.memref_squeeze %dma_wait3A_89 : memref<1x128xi32, #tpu.memory_space<vmem>> -> memref<128xi32, #tpu.memory_space<vmem>>
          %dma_wait3A_91 = arith.constant 0 : i32
          %dma_wait3A_92 = arith.constant 0 : i32
          %dma_wait3A_93 = tpu.memref_slice %arg12[%dma_wait3A_91, %dma_wait3A_92] : memref<10240x128xf32, #tpu.memory_space<vmem_shared>> -> memref<10240x128xf32, #tpu.memory_space<vmem_shared>>
          tpu.wait_indirect_dma semaphore(%run_scoped3A : memref<!tpu.dma_semaphore, #tpu.memory_space<semaphore_mem>>) src(%arg11 : memref<128x128xf32, #tpu.memory_space<vmem>>) dst(%dma_wait3A_93 : memref<10240x128xf32, #tpu.memory_space<vmem_shared>>)
          tpu.yield
        }) : () -> ()
      }
      %scan3A_82 = arith.constant 80 : i32
    } else {
    }
    %eq3A_12 = arith.constant 1 : i32
    %eq3A_13 = arith.cmpi eq, %arg0, %eq3A_12 : i32
    %convert_element_type3A_14 = arith.extui %eq3A_13 : i1 to i32
    %cond3A_15 = arith.constant 0 : i32
    %cond3A_16 = arith.cmpi ne, %convert_element_type3A_14, %cond3A_15 : i32
    scf.if %cond3A_16 {
      %scan3A = arith.constant 0 : i32
      %scan3A_78 = arith.constant 0 : i32
      %scan3A_79 = arith.constant 80 : i32
      %scan3A_80 = arith.addi %scan3A_78, %scan3A_79 : i32
      %scan3A_81 = arith.constant 1 : i32
      scf.for %scan3A_83 = %scan3A_78 to %scan3A_80 step %scan3A_81  : i32 {
        "tpu.region"() ({
          %run_scoped3A = tpu.sem_alloc : memref<!tpu.dma_semaphore, #tpu.memory_space<semaphore_mem>>
          %dma_start3A = arith.constant 0 : i32
          %dma_start3A_84 = tpu.memref_slice %arg9[%scan3A_83, %dma_start3A] : memref<80x128xi32, #tpu.memory_space<vmem>> -> memref<1x128xi32, #tpu.memory_space<vmem>>
          %dma_start3A_85 = tpu.memref_squeeze %dma_start3A_84 : memref<1x128xi32, #tpu.memory_space<vmem>> -> memref<128xi32, #tpu.memory_space<vmem>>
          %dma_start3A_86 = arith.constant 0 : i32
          %dma_start3A_87 = arith.constant 0 : i32
          %dma_start3A_88 = tpu.memref_slice %arg3[%dma_start3A_86, %dma_start3A_87] : memref<10240x128xf32, #tpu.memory_space<hbm>> -> memref<10240x128xf32, #tpu.memory_space<hbm>>
          tpu.enqueue_indirect_dma source(%dma_start3A_88 : memref<10240x128xf32, #tpu.memory_space<hbm>>) target(%arg11 : memref<128x128xf32, #tpu.memory_space<vmem>>) offsets(%dma_start3A_85 : memref<128xi32, #tpu.memory_space<vmem>>) semaphore(%run_scoped3A : memref<!tpu.dma_semaphore, #tpu.memory_space<semaphore_mem>>)
          %dma_wait3A = arith.constant 0 : i32
          %dma_wait3A_89 = tpu.memref_slice %arg9[%scan3A_83, %dma_wait3A] : memref<80x128xi32, #tpu.memory_space<vmem>> -> memref<1x128xi32, #tpu.memory_space<vmem>>
          %dma_wait3A_90 = tpu.memref_squeeze %dma_wait3A_89 : memref<1x128xi32, #tpu.memory_space<vmem>> -> memref<128xi32, #tpu.memory_space<vmem>>
          %dma_wait3A_91 = arith.constant 0 : i32
          %dma_wait3A_92 = arith.constant 0 : i32
          %dma_wait3A_93 = tpu.memref_slice %arg3[%dma_wait3A_91, %dma_wait3A_92] : memref<10240x128xf32, #tpu.memory_space<hbm>> -> memref<10240x128xf32, #tpu.memory_space<hbm>>
          tpu.wait_indirect_dma semaphore(%run_scoped3A : memref<!tpu.dma_semaphore, #tpu.memory_space<semaphore_mem>>) src(%dma_wait3A_93 : memref<10240x128xf32, #tpu.memory_space<hbm>>) dst(%arg11 : memref<128x128xf32, #tpu.memory_space<vmem>>)
          tpu.yield
        }) : () -> ()
        "tpu.region"() ({
          %run_scoped3A = tpu.sem_alloc : memref<!tpu.dma_semaphore, #tpu.memory_space<semaphore_mem>>
          %dma_start3A = arith.constant 0 : i32
          %dma_start3A_84 = tpu.memref_slice %arg10[%scan3A_83, %dma_start3A] : memref<80x128xi32, #tpu.memory_space<vmem>> -> memref<1x128xi32, #tpu.memory_space<vmem>>
          %dma_start3A_85 = tpu.memref_squeeze %dma_start3A_84 : memref<1x128xi32, #tpu.memory_space<vmem>> -> memref<128xi32, #tpu.memory_space<vmem>>
          %dma_start3A_86 = arith.constant 0 : i32
          %dma_start3A_87 = arith.constant 0 : i32
          %dma_start3A_88 = tpu.memref_slice %arg12[%dma_start3A_86, %dma_start3A_87] : memref<10240x128xf32, #tpu.memory_space<vmem_shared>> -> memref<10240x128xf32, #tpu.memory_space<vmem_shared>>
          tpu.enqueue_indirect_dma source(%arg11 : memref<128x128xf32, #tpu.memory_space<vmem>>) target(%dma_start3A_88 : memref<10240x128xf32, #tpu.memory_space<vmem_shared>>) offsets(%dma_start3A_85 : memref<128xi32, #tpu.memory_space<vmem>>) semaphore(%run_scoped3A : memref<!tpu.dma_semaphore, #tpu.memory_space<semaphore_mem>>) {add = true}
          %dma_wait3A = arith.constant 0 : i32
          %dma_wait3A_89 = tpu.memref_slice %arg10[%scan3A_83, %dma_wait3A] : memref<80x128xi32, #tpu.memory_space<vmem>> -> memref<1x128xi32, #tpu.memory_space<vmem>>
          %dma_wait3A_90 = tpu.memref_squeeze %dma_wait3A_89 : memref<1x128xi32, #tpu.memory_space<vmem>> -> memref<128xi32, #tpu.memory_space<vmem>>
          %dma_wait3A_91 = arith.constant 0 : i32
          %dma_wait3A_92 = arith.constant 0 : i32
          %dma_wait3A_93 = tpu.memref_slice %arg12[%dma_wait3A_91, %dma_wait3A_92] : memref<10240x128xf32, #tpu.memory_space<vmem_shared>> -> memref<10240x128xf32, #tpu.memory_space<vmem_shared>>
          tpu.wait_indirect_dma semaphore(%run_scoped3A : memref<!tpu.dma_semaphore, #tpu.memory_space<semaphore_mem>>) src(%arg11 : memref<128x128xf32, #tpu.memory_space<vmem>>) dst(%dma_wait3A_93 : memref<10240x128xf32, #tpu.memory_space<vmem_shared>>)
          tpu.yield
        }) : () -> ()
      }
      %scan3A_82 = arith.constant 80 : i32
    } else {
    }
    %barrier3A_17 = arith.constant 0 : index
    tpu.barrier barrier_id(%barrier3A_17)
    %add3A_18 = arith.constant 0 : i32
    %add3A_19 = arith.addi %mul3A_0, %add3A_18 : i32
    "tpu.region"() ({
      %run_scoped3A = tpu.sem_alloc : memref<!tpu.dma_semaphore, #tpu.memory_space<semaphore_mem>>
      %dma_start3A = arith.constant 0 : i32
      %dma_start3A_78 = tpu.memref_slice %arg12[%add3A_19, %dma_start3A] : memref<10240x128xf32, #tpu.memory_space<vmem_shared>> -> memref<128x128xf32, #tpu.memory_space<vmem_shared>>
      %dma_start3A_79 = arith.constant 0 : i32
      %dma_start3A_80 = tpu.memref_slice %arg12[%add3A_19, %dma_start3A_79] : memref<10240x128xf32, #tpu.memory_space<vmem_shared>> -> memref<128x128xf32, #tpu.memory_space<vmem_shared>>
      tpu.enqueue_dma source(%dma_start3A_80 : memref<128x128xf32, #tpu.memory_space<vmem_shared>>) target(%arg11 : memref<128x128xf32, #tpu.memory_space<vmem>>) target_semaphore(%run_scoped3A : memref<!tpu.dma_semaphore, #tpu.memory_space<semaphore_mem>>)
      %dma_wait3A = arith.constant 0 : i32
      %dma_wait3A_81 = tpu.memref_slice %arg12[%add3A_19, %dma_wait3A] : memref<10240x128xf32, #tpu.memory_space<vmem_shared>> -> memref<128x128xf32, #tpu.memory_space<vmem_shared>>
      %dma_wait3A_82 = arith.constant 0 : i32
      %dma_wait3A_83 = tpu.memref_slice %arg12[%add3A_19, %dma_wait3A_82] : memref<10240x128xf32, #tpu.memory_space<vmem_shared>> -> memref<128x128xf32, #tpu.memory_space<vmem_shared>>
      tpu.wait_dma2 semaphore(%run_scoped3A : memref<!tpu.dma_semaphore, #tpu.memory_space<semaphore_mem>>) src(%dma_wait3A_83 : memref<128x128xf32, #tpu.memory_space<vmem_shared>>) dst(%arg11 : memref<128x128xf32, #tpu.memory_space<vmem>>)
      tpu.yield
    }) : () -> ()
    %eq3A_20 = arith.constant 0 : i32
    %eq3A_21 = arith.cmpi eq, %arg0, %eq3A_20 : i32
    %convert_element_type3A_22 = arith.extui %eq3A_21 : i1 to i32
    %cond3A_23 = arith.constant 0 : i32
    %cond3A_24 = arith.cmpi ne, %convert_element_type3A_22, %cond3A_23 : i32
    scf.if %cond3A_24 {
      "tpu.region"() ({
        %run_scoped3A = tpu.sem_alloc : memref<!tpu.dma_semaphore, #tpu.memory_space<semaphore_mem>>
        %dma_start3A = arith.constant 0 : i32
        %dma_start3A_78 = tpu.memref_slice %arg7[%add3A_19, %dma_start3A] : memref<10240x128xf32, #tpu.memory_space<hbm>> -> memref<128x128xf32, #tpu.memory_space<hbm>>
        %dma_start3A_79 = arith.constant 0 : i32
        %dma_start3A_80 = tpu.memref_slice %arg7[%add3A_19, %dma_start3A_79] : memref<10240x128xf32, #tpu.memory_space<hbm>> -> memref<128x128xf32, #tpu.memory_space<hbm>>
        tpu.enqueue_dma source(%arg11 : memref<128x128xf32, #tpu.memory_space<vmem>>) target(%dma_start3A_80 : memref<128x128xf32, #tpu.memory_space<hbm>>) target_semaphore(%run_scoped3A : memref<!tpu.dma_semaphore, #tpu.memory_space<semaphore_mem>>)
        %dma_wait3A = arith.constant 0 : i32
        %dma_wait3A_81 = tpu.memref_slice %arg7[%add3A_19, %dma_wait3A] : memref<10240x128xf32, #tpu.memory_space<hbm>> -> memref<128x128xf32, #tpu.memory_space<hbm>>
        %dma_wait3A_82 = arith.constant 0 : i32
        %dma_wait3A_83 = tpu.memref_slice %arg7[%add3A_19, %dma_wait3A_82] : memref<10240x128xf32, #tpu.memory_space<hbm>> -> memref<128x128xf32, #tpu.memory_space<hbm>>
        tpu.wait_dma2 semaphore(%run_scoped3A : memref<!tpu.dma_semaphore, #tpu.memory_space<semaphore_mem>>) src(%arg11 : memref<128x128xf32, #tpu.memory_space<vmem>>) dst(%dma_wait3A_83 : memref<128x128xf32, #tpu.memory_space<hbm>>)
        tpu.yield
      }) : () -> ()
    } else {
    }
    %eq3A_25 = arith.constant 1 : i32
    %eq3A_26 = arith.cmpi eq, %arg0, %eq3A_25 : i32
    %convert_element_type3A_27 = arith.extui %eq3A_26 : i1 to i32
    %cond3A_28 = arith.constant 0 : i32
    %cond3A_29 = arith.cmpi ne, %convert_element_type3A_27, %cond3A_28 : i32
    scf.if %cond3A_29 {
      "tpu.region"() ({
        %run_scoped3A = tpu.sem_alloc : memref<!tpu.dma_semaphore, #tpu.memory_space<semaphore_mem>>
        %dma_start3A = arith.constant 0 : i32
        %dma_start3A_78 = tpu.memref_slice %arg8[%add3A_19, %dma_start3A] : memref<10240x128xf32, #tpu.memory_space<hbm>> -> memref<128x128xf32, #tpu.memory_space<hbm>>
        %dma_start3A_79 = arith.constant 0 : i32
        %dma_start3A_80 = tpu.memref_slice %arg8[%add3A_19, %dma_start3A_79] : memref<10240x128xf32, #tpu.memory_space<hbm>> -> memref<128x128xf32, #tpu.memory_space<hbm>>
        tpu.enqueue_dma source(%arg11 : memref<128x128xf32, #tpu.memory_space<vmem>>) target(%dma_start3A_80 : memref<128x128xf32, #tpu.memory_space<hbm>>) target_semaphore(%run_scoped3A : memref<!tpu.dma_semaphore, #tpu.memory_space<semaphore_mem>>)
        %dma_wait3A = arith.constant 0 : i32
        %dma_wait3A_81 = tpu.memref_slice %arg8[%add3A_19, %dma_wait3A] : memref<10240x128xf32, #tpu.memory_space<hbm>> -> memref<128x128xf32, #tpu.memory_space<hbm>>
        %dma_wait3A_82 = arith.constant 0 : i32
        %dma_wait3A_83 = tpu.memref_slice %arg8[%add3A_19, %dma_wait3A_82] : memref<10240x128xf32, #tpu.memory_space<hbm>> -> memref<128x128xf32, #tpu.memory_space<hbm>>
        tpu.wait_dma2 semaphore(%run_scoped3A : memref<!tpu.dma_semaphore, #tpu.memory_space<semaphore_mem>>) src(%arg11 : memref<128x128xf32, #tpu.memory_space<vmem>>) dst(%dma_wait3A_83 : memref<128x128xf32, #tpu.memory_space<hbm>>)
        tpu.yield
      }) : () -> ()
    } else {
    }
    %add3A_30 = arith.constant 128 : i32
    %add3A_31 = arith.addi %mul3A_0, %add3A_30 : i32
    "tpu.region"() ({
      %run_scoped3A = tpu.sem_alloc : memref<!tpu.dma_semaphore, #tpu.memory_space<semaphore_mem>>
      %dma_start3A = arith.constant 0 : i32
      %dma_start3A_78 = tpu.memref_slice %arg12[%add3A_31, %dma_start3A] : memref<10240x128xf32, #tpu.memory_space<vmem_shared>> -> memref<128x128xf32, #tpu.memory_space<vmem_shared>>
      %dma_start3A_79 = arith.constant 0 : i32
      %dma_start3A_80 = tpu.memref_slice %arg12[%add3A_31, %dma_start3A_79] : memref<10240x128xf32, #tpu.memory_space<vmem_shared>> -> memref<128x128xf32, #tpu.memory_space<vmem_shared>>
      tpu.enqueue_dma source(%dma_start3A_80 : memref<128x128xf32, #tpu.memory_space<vmem_shared>>) target(%arg11 : memref<128x128xf32, #tpu.memory_space<vmem>>) target_semaphore(%run_scoped3A : memref<!tpu.dma_semaphore, #tpu.memory_space<semaphore_mem>>)
      %dma_wait3A = arith.constant 0 : i32
      %dma_wait3A_81 = tpu.memref_slice %arg12[%add3A_31, %dma_wait3A] : memref<10240x128xf32, #tpu.memory_space<vmem_shared>> -> memref<128x128xf32, #tpu.memory_space<vmem_shared>>
      %dma_wait3A_82 = arith.constant 0 : i32
      %dma_wait3A_83 = tpu.memref_slice %arg12[%add3A_31, %dma_wait3A_82] : memref<10240x128xf32, #tpu.memory_space<vmem_shared>> -> memref<128x128xf32, #tpu.memory_space<vmem_shared>>
      tpu.wait_dma2 semaphore(%run_scoped3A : memref<!tpu.dma_semaphore, #tpu.memory_space<semaphore_mem>>) src(%dma_wait3A_83 : memref<128x128xf32, #tpu.memory_space<vmem_shared>>) dst(%arg11 : memref<128x128xf32, #tpu.memory_space<vmem>>)
      tpu.yield
    }) : () -> ()
    %eq3A_32 = arith.constant 0 : i32
    %eq3A_33 = arith.cmpi eq, %arg0, %eq3A_32 : i32
    %convert_element_type3A_34 = arith.extui %eq3A_33 : i1 to i32
    %cond3A_35 = arith.constant 0 : i32
    %cond3A_36 = arith.cmpi ne, %convert_element_type3A_34, %cond3A_35 : i32
    scf.if %cond3A_36 {
      "tpu.region"() ({
        %run_scoped3A = tpu.sem_alloc : memref<!tpu.dma_semaphore, #tpu.memory_space<semaphore_mem>>
        %dma_start3A = arith.constant 0 : i32
        %dma_start3A_78 = tpu.memref_slice %arg7[%add3A_31, %dma_start3A] : memref<10240x128xf32, #tpu.memory_space<hbm>> -> memref<128x128xf32, #tpu.memory_space<hbm>>
        %dma_start3A_79 = arith.constant 0 : i32
        %dma_start3A_80 = tpu.memref_slice %arg7[%add3A_31, %dma_start3A_79] : memref<10240x128xf32, #tpu.memory_space<hbm>> -> memref<128x128xf32, #tpu.memory_space<hbm>>
        tpu.enqueue_dma source(%arg11 : memref<128x128xf32, #tpu.memory_space<vmem>>) target(%dma_start3A_80 : memref<128x128xf32, #tpu.memory_space<hbm>>) target_semaphore(%run_scoped3A : memref<!tpu.dma_semaphore, #tpu.memory_space<semaphore_mem>>)
        %dma_wait3A = arith.constant 0 : i32
        %dma_wait3A_81 = tpu.memref_slice %arg7[%add3A_31, %dma_wait3A] : memref<10240x128xf32, #tpu.memory_space<hbm>> -> memref<128x128xf32, #tpu.memory_space<hbm>>
        %dma_wait3A_82 = arith.constant 0 : i32
        %dma_wait3A_83 = tpu.memref_slice %arg7[%add3A_31, %dma_wait3A_82] : memref<10240x128xf32, #tpu.memory_space<hbm>> -> memref<128x128xf32, #tpu.memory_space<hbm>>
        tpu.wait_dma2 semaphore(%run_scoped3A : memref<!tpu.dma_semaphore, #tpu.memory_space<semaphore_mem>>) src(%arg11 : memref<128x128xf32, #tpu.memory_space<vmem>>) dst(%dma_wait3A_83 : memref<128x128xf32, #tpu.memory_space<hbm>>)
        tpu.yield
      }) : () -> ()
    } else {
    }
    %eq3A_37 = arith.constant 1 : i32
    %eq3A_38 = arith.cmpi eq, %arg0, %eq3A_37 : i32
    %convert_element_type3A_39 = arith.extui %eq3A_38 : i1 to i32
    %cond3A_40 = arith.constant 0 : i32
    %cond3A_41 = arith.cmpi ne, %convert_element_type3A_39, %cond3A_40 : i32
    scf.if %cond3A_41 {
      "tpu.region"() ({
        %run_scoped3A = tpu.sem_alloc : memref<!tpu.dma_semaphore, #tpu.memory_space<semaphore_mem>>
        %dma_start3A = arith.constant 0 : i32
        %dma_start3A_78 = tpu.memref_slice %arg8[%add3A_31, %dma_start3A] : memref<10240x128xf32, #tpu.memory_space<hbm>> -> memref<128x128xf32, #tpu.memory_space<hbm>>
        %dma_start3A_79 = arith.constant 0 : i32
        %dma_start3A_80 = tpu.memref_slice %arg8[%add3A_31, %dma_start3A_79] : memref<10240x128xf32, #tpu.memory_space<hbm>> -> memref<128x128xf32, #tpu.memory_space<hbm>>
        tpu.enqueue_dma source(%arg11 : memref<128x128xf32, #tpu.memory_space<vmem>>) target(%dma_start3A_80 : memref<128x128xf32, #tpu.memory_space<hbm>>) target_semaphore(%run_scoped3A : memref<!tpu.dma_semaphore, #tpu.memory_space<semaphore_mem>>)
        %dma_wait3A = arith.constant 0 : i32
        %dma_wait3A_81 = tpu.memref_slice %arg8[%add3A_31, %dma_wait3A] : memref<10240x128xf32, #tpu.memory_space<hbm>> -> memref<128x128xf32, #tpu.memory_space<hbm>>
        %dma_wait3A_82 = arith.constant 0 : i32
        %dma_wait3A_83 = tpu.memref_slice %arg8[%add3A_31, %dma_wait3A_82] : memref<10240x128xf32, #tpu.memory_space<hbm>> -> memref<128x128xf32, #tpu.memory_space<hbm>>
        tpu.wait_dma2 semaphore(%run_scoped3A : memref<!tpu.dma_semaphore, #tpu.memory_space<semaphore_mem>>) src(%arg11 : memref<128x128xf32, #tpu.memory_space<vmem>>) dst(%dma_wait3A_83 : memref<128x128xf32, #tpu.memory_space<hbm>>)
        tpu.yield
      }) : () -> ()
    } else {
    }
    %add3A_42 = arith.constant 256 : i32
    %add3A_43 = arith.addi %mul3A_0, %add3A_42 : i32
    "tpu.region"() ({
      %run_scoped3A = tpu.sem_alloc : memref<!tpu.dma_semaphore, #tpu.memory_space<semaphore_mem>>
      %dma_start3A = arith.constant 0 : i32
      %dma_start3A_78 = tpu.memref_slice %arg12[%add3A_43, %dma_start3A] : memref<10240x128xf32, #tpu.memory_space<vmem_shared>> -> memref<128x128xf32, #tpu.memory_space<vmem_shared>>
      %dma_start3A_79 = arith.constant 0 : i32
      %dma_start3A_80 = tpu.memref_slice %arg12[%add3A_43, %dma_start3A_79] : memref<10240x128xf32, #tpu.memory_space<vmem_shared>> -> memref<128x128xf32, #tpu.memory_space<vmem_shared>>
      tpu.enqueue_dma source(%dma_start3A_80 : memref<128x128xf32, #tpu.memory_space<vmem_shared>>) target(%arg11 : memref<128x128xf32, #tpu.memory_space<vmem>>) target_semaphore(%run_scoped3A : memref<!tpu.dma_semaphore, #tpu.memory_space<semaphore_mem>>)
      %dma_wait3A = arith.constant 0 : i32
      %dma_wait3A_81 = tpu.memref_slice %arg12[%add3A_43, %dma_wait3A] : memref<10240x128xf32, #tpu.memory_space<vmem_shared>> -> memref<128x128xf32, #tpu.memory_space<vmem_shared>>
      %dma_wait3A_82 = arith.constant 0 : i32
      %dma_wait3A_83 = tpu.memref_slice %arg12[%add3A_43, %dma_wait3A_82] : memref<10240x128xf32, #tpu.memory_space<vmem_shared>> -> memref<128x128xf32, #tpu.memory_space<vmem_shared>>
      tpu.wait_dma2 semaphore(%run_scoped3A : memref<!tpu.dma_semaphore, #tpu.memory_space<semaphore_mem>>) src(%dma_wait3A_83 : memref<128x128xf32, #tpu.memory_space<vmem_shared>>) dst(%arg11 : memref<128x128xf32, #tpu.memory_space<vmem>>)
      tpu.yield
    }) : () -> ()
    %eq3A_44 = arith.constant 0 : i32
    %eq3A_45 = arith.cmpi eq, %arg0, %eq3A_44 : i32
    %convert_element_type3A_46 = arith.extui %eq3A_45 : i1 to i32
    %cond3A_47 = arith.constant 0 : i32
    %cond3A_48 = arith.cmpi ne, %convert_element_type3A_46, %cond3A_47 : i32
    scf.if %cond3A_48 {
      "tpu.region"() ({
        %run_scoped3A = tpu.sem_alloc : memref<!tpu.dma_semaphore, #tpu.memory_space<semaphore_mem>>
        %dma_start3A = arith.constant 0 : i32
        %dma_start3A_78 = tpu.memref_slice %arg7[%add3A_43, %dma_start3A] : memref<10240x128xf32, #tpu.memory_space<hbm>> -> memref<128x128xf32, #tpu.memory_space<hbm>>
        %dma_start3A_79 = arith.constant 0 : i32
        %dma_start3A_80 = tpu.memref_slice %arg7[%add3A_43, %dma_start3A_79] : memref<10240x128xf32, #tpu.memory_space<hbm>> -> memref<128x128xf32, #tpu.memory_space<hbm>>
        tpu.enqueue_dma source(%arg11 : memref<128x128xf32, #tpu.memory_space<vmem>>) target(%dma_start3A_80 : memref<128x128xf32, #tpu.memory_space<hbm>>) target_semaphore(%run_scoped3A : memref<!tpu.dma_semaphore, #tpu.memory_space<semaphore_mem>>)
        %dma_wait3A = arith.constant 0 : i32
        %dma_wait3A_81 = tpu.memref_slice %arg7[%add3A_43, %dma_wait3A] : memref<10240x128xf32, #tpu.memory_space<hbm>> -> memref<128x128xf32, #tpu.memory_space<hbm>>
        %dma_wait3A_82 = arith.constant 0 : i32
        %dma_wait3A_83 = tpu.memref_slice %arg7[%add3A_43, %dma_wait3A_82] : memref<10240x128xf32, #tpu.memory_space<hbm>> -> memref<128x128xf32, #tpu.memory_space<hbm>>
        tpu.wait_dma2 semaphore(%run_scoped3A : memref<!tpu.dma_semaphore, #tpu.memory_space<semaphore_mem>>) src(%arg11 : memref<128x128xf32, #tpu.memory_space<vmem>>) dst(%dma_wait3A_83 : memref<128x128xf32, #tpu.memory_space<hbm>>)
        tpu.yield
      }) : () -> ()
    } else {
    }
    %eq3A_49 = arith.constant 1 : i32
    %eq3A_50 = arith.cmpi eq, %arg0, %eq3A_49 : i32
    %convert_element_type3A_51 = arith.extui %eq3A_50 : i1 to i32
    %cond3A_52 = arith.constant 0 : i32
    %cond3A_53 = arith.cmpi ne, %convert_element_type3A_51, %cond3A_52 : i32
    scf.if %cond3A_53 {
      "tpu.region"() ({
        %run_scoped3A = tpu.sem_alloc : memref<!tpu.dma_semaphore, #tpu.memory_space<semaphore_mem>>
        %dma_start3A = arith.constant 0 : i32
        %dma_start3A_78 = tpu.memref_slice %arg8[%add3A_43, %dma_start3A] : memref<10240x128xf32, #tpu.memory_space<hbm>> -> memref<128x128xf32, #tpu.memory_space<hbm>>
        %dma_start3A_79 = arith.constant 0 : i32
        %dma_start3A_80 = tpu.memref_slice %arg8[%add3A_43, %dma_start3A_79] : memref<10240x128xf32, #tpu.memory_space<hbm>> -> memref<128x128xf32, #tpu.memory_space<hbm>>
        tpu.enqueue_dma source(%arg11 : memref<128x128xf32, #tpu.memory_space<vmem>>) target(%dma_start3A_80 : memref<128x128xf32, #tpu.memory_space<hbm>>) target_semaphore(%run_scoped3A : memref<!tpu.dma_semaphore, #tpu.memory_space<semaphore_mem>>)
        %dma_wait3A = arith.constant 0 : i32
        %dma_wait3A_81 = tpu.memref_slice %arg8[%add3A_43, %dma_wait3A] : memref<10240x128xf32, #tpu.memory_space<hbm>> -> memref<128x128xf32, #tpu.memory_space<hbm>>
        %dma_wait3A_82 = arith.constant 0 : i32
        %dma_wait3A_83 = tpu.memref_slice %arg8[%add3A_43, %dma_wait3A_82] : memref<10240x128xf32, #tpu.memory_space<hbm>> -> memref<128x128xf32, #tpu.memory_space<hbm>>
        tpu.wait_dma2 semaphore(%run_scoped3A : memref<!tpu.dma_semaphore, #tpu.memory_space<semaphore_mem>>) src(%arg11 : memref<128x128xf32, #tpu.memory_space<vmem>>) dst(%dma_wait3A_83 : memref<128x128xf32, #tpu.memory_space<hbm>>)
        tpu.yield
      }) : () -> ()
    } else {
    }
    %add3A_54 = arith.constant 384 : i32
    %add3A_55 = arith.addi %mul3A_0, %add3A_54 : i32
    "tpu.region"() ({
      %run_scoped3A = tpu.sem_alloc : memref<!tpu.dma_semaphore, #tpu.memory_space<semaphore_mem>>
      %dma_start3A = arith.constant 0 : i32
      %dma_start3A_78 = tpu.memref_slice %arg12[%add3A_55, %dma_start3A] : memref<10240x128xf32, #tpu.memory_space<vmem_shared>> -> memref<128x128xf32, #tpu.memory_space<vmem_shared>>
      %dma_start3A_79 = arith.constant 0 : i32
      %dma_start3A_80 = tpu.memref_slice %arg12[%add3A_55, %dma_start3A_79] : memref<10240x128xf32, #tpu.memory_space<vmem_shared>> -> memref<128x128xf32, #tpu.memory_space<vmem_shared>>
      tpu.enqueue_dma source(%dma_start3A_80 : memref<128x128xf32, #tpu.memory_space<vmem_shared>>) target(%arg11 : memref<128x128xf32, #tpu.memory_space<vmem>>) target_semaphore(%run_scoped3A : memref<!tpu.dma_semaphore, #tpu.memory_space<semaphore_mem>>)
      %dma_wait3A = arith.constant 0 : i32
      %dma_wait3A_81 = tpu.memref_slice %arg12[%add3A_55, %dma_wait3A] : memref<10240x128xf32, #tpu.memory_space<vmem_shared>> -> memref<128x128xf32, #tpu.memory_space<vmem_shared>>
      %dma_wait3A_82 = arith.constant 0 : i32
      %dma_wait3A_83 = tpu.memref_slice %arg12[%add3A_55, %dma_wait3A_82] : memref<10240x128xf32, #tpu.memory_space<vmem_shared>> -> memref<128x128xf32, #tpu.memory_space<vmem_shared>>
      tpu.wait_dma2 semaphore(%run_scoped3A : memref<!tpu.dma_semaphore, #tpu.memory_space<semaphore_mem>>) src(%dma_wait3A_83 : memref<128x128xf32, #tpu.memory_space<vmem_shared>>) dst(%arg11 : memref<128x128xf32, #tpu.memory_space<vmem>>)
      tpu.yield
    }) : () -> ()
    %eq3A_56 = arith.constant 0 : i32
    %eq3A_57 = arith.cmpi eq, %arg0, %eq3A_56 : i32
    %convert_element_type3A_58 = arith.extui %eq3A_57 : i1 to i32
    %cond3A_59 = arith.constant 0 : i32
    %cond3A_60 = arith.cmpi ne, %convert_element_type3A_58, %cond3A_59 : i32
    scf.if %cond3A_60 {
      "tpu.region"() ({
        %run_scoped3A = tpu.sem_alloc : memref<!tpu.dma_semaphore, #tpu.memory_space<semaphore_mem>>
        %dma_start3A = arith.constant 0 : i32
        %dma_start3A_78 = tpu.memref_slice %arg7[%add3A_55, %dma_start3A] : memref<10240x128xf32, #tpu.memory_space<hbm>> -> memref<128x128xf32, #tpu.memory_space<hbm>>
        %dma_start3A_79 = arith.constant 0 : i32
        %dma_start3A_80 = tpu.memref_slice %arg7[%add3A_55, %dma_start3A_79] : memref<10240x128xf32, #tpu.memory_space<hbm>> -> memref<128x128xf32, #tpu.memory_space<hbm>>
        tpu.enqueue_dma source(%arg11 : memref<128x128xf32, #tpu.memory_space<vmem>>) target(%dma_start3A_80 : memref<128x128xf32, #tpu.memory_space<hbm>>) target_semaphore(%run_scoped3A : memref<!tpu.dma_semaphore, #tpu.memory_space<semaphore_mem>>)
        %dma_wait3A = arith.constant 0 : i32
        %dma_wait3A_81 = tpu.memref_slice %arg7[%add3A_55, %dma_wait3A] : memref<10240x128xf32, #tpu.memory_space<hbm>> -> memref<128x128xf32, #tpu.memory_space<hbm>>
        %dma_wait3A_82 = arith.constant 0 : i32
        %dma_wait3A_83 = tpu.memref_slice %arg7[%add3A_55, %dma_wait3A_82] : memref<10240x128xf32, #tpu.memory_space<hbm>> -> memref<128x128xf32, #tpu.memory_space<hbm>>
        tpu.wait_dma2 semaphore(%run_scoped3A : memref<!tpu.dma_semaphore, #tpu.memory_space<semaphore_mem>>) src(%arg11 : memref<128x128xf32, #tpu.memory_space<vmem>>) dst(%dma_wait3A_83 : memref<128x128xf32, #tpu.memory_space<hbm>>)
        tpu.yield
      }) : () -> ()
    } else {
    }
    %eq3A_61 = arith.constant 1 : i32
    %eq3A_62 = arith.cmpi eq, %arg0, %eq3A_61 : i32
    %convert_element_type3A_63 = arith.extui %eq3A_62 : i1 to i32
    %cond3A_64 = arith.constant 0 : i32
    %cond3A_65 = arith.cmpi ne, %convert_element_type3A_63, %cond3A_64 : i32
    scf.if %cond3A_65 {
      "tpu.region"() ({
        %run_scoped3A = tpu.sem_alloc : memref<!tpu.dma_semaphore, #tpu.memory_space<semaphore_mem>>
        %dma_start3A = arith.constant 0 : i32
        %dma_start3A_78 = tpu.memref_slice %arg8[%add3A_55, %dma_start3A] : memref<10240x128xf32, #tpu.memory_space<hbm>> -> memref<128x128xf32, #tpu.memory_space<hbm>>
        %dma_start3A_79 = arith.constant 0 : i32
        %dma_start3A_80 = tpu.memref_slice %arg8[%add3A_55, %dma_start3A_79] : memref<10240x128xf32, #tpu.memory_space<hbm>> -> memref<128x128xf32, #tpu.memory_space<hbm>>
        tpu.enqueue_dma source(%arg11 : memref<128x128xf32, #tpu.memory_space<vmem>>) target(%dma_start3A_80 : memref<128x128xf32, #tpu.memory_space<hbm>>) target_semaphore(%run_scoped3A : memref<!tpu.dma_semaphore, #tpu.memory_space<semaphore_mem>>)
        %dma_wait3A = arith.constant 0 : i32
        %dma_wait3A_81 = tpu.memref_slice %arg8[%add3A_55, %dma_wait3A] : memref<10240x128xf32, #tpu.memory_space<hbm>> -> memref<128x128xf32, #tpu.memory_space<hbm>>
        %dma_wait3A_82 = arith.constant 0 : i32
        %dma_wait3A_83 = tpu.memref_slice %arg8[%add3A_55, %dma_wait3A_82] : memref<10240x128xf32, #tpu.memory_space<hbm>> -> memref<128x128xf32, #tpu.memory_space<hbm>>
        tpu.wait_dma2 semaphore(%run_scoped3A : memref<!tpu.dma_semaphore, #tpu.memory_space<semaphore_mem>>) src(%arg11 : memref<128x128xf32, #tpu.memory_space<vmem>>) dst(%dma_wait3A_83 : memref<128x128xf32, #tpu.memory_space<hbm>>)
        tpu.yield
      }) : () -> ()
    } else {
    }
    %add3A_66 = arith.constant 512 : i32
    %add3A_67 = arith.addi %mul3A_0, %add3A_66 : i32
    "tpu.region"() ({
      %run_scoped3A = tpu.sem_alloc : memref<!tpu.dma_semaphore, #tpu.memory_space<semaphore_mem>>
      %dma_start3A = arith.constant 0 : i32
      %dma_start3A_78 = tpu.memref_slice %arg12[%add3A_67, %dma_start3A] : memref<10240x128xf32, #tpu.memory_space<vmem_shared>> -> memref<128x128xf32, #tpu.memory_space<vmem_shared>>
      %dma_start3A_79 = arith.constant 0 : i32
      %dma_start3A_80 = tpu.memref_slice %arg12[%add3A_67, %dma_start3A_79] : memref<10240x128xf32, #tpu.memory_space<vmem_shared>> -> memref<128x128xf32, #tpu.memory_space<vmem_shared>>
      tpu.enqueue_dma source(%dma_start3A_80 : memref<128x128xf32, #tpu.memory_space<vmem_shared>>) target(%arg11 : memref<128x128xf32, #tpu.memory_space<vmem>>) target_semaphore(%run_scoped3A : memref<!tpu.dma_semaphore, #tpu.memory_space<semaphore_mem>>)
      %dma_wait3A = arith.constant 0 : i32
      %dma_wait3A_81 = tpu.memref_slice %arg12[%add3A_67, %dma_wait3A] : memref<10240x128xf32, #tpu.memory_space<vmem_shared>> -> memref<128x128xf32, #tpu.memory_space<vmem_shared>>
      %dma_wait3A_82 = arith.constant 0 : i32
      %dma_wait3A_83 = tpu.memref_slice %arg12[%add3A_67, %dma_wait3A_82] : memref<10240x128xf32, #tpu.memory_space<vmem_shared>> -> memref<128x128xf32, #tpu.memory_space<vmem_shared>>
      tpu.wait_dma2 semaphore(%run_scoped3A : memref<!tpu.dma_semaphore, #tpu.memory_space<semaphore_mem>>) src(%dma_wait3A_83 : memref<128x128xf32, #tpu.memory_space<vmem_shared>>) dst(%arg11 : memref<128x128xf32, #tpu.memory_space<vmem>>)
      tpu.yield
    }) : () -> ()
    %eq3A_68 = arith.constant 0 : i32
    %eq3A_69 = arith.cmpi eq, %arg0, %eq3A_68 : i32
    %convert_element_type3A_70 = arith.extui %eq3A_69 : i1 to i32
    %cond3A_71 = arith.constant 0 : i32
    %cond3A_72 = arith.cmpi ne, %convert_element_type3A_70, %cond3A_71 : i32
    scf.if %cond3A_72 {
      "tpu.region"() ({
        %run_scoped3A = tpu.sem_alloc : memref<!tpu.dma_semaphore, #tpu.memory_space<semaphore_mem>>
        %dma_start3A = arith.constant 0 : i32
        %dma_start3A_78 = tpu.memref_slice %arg7[%add3A_67, %dma_start3A] : memref<10240x128xf32, #tpu.memory_space<hbm>> -> memref<128x128xf32, #tpu.memory_space<hbm>>
        %dma_start3A_79 = arith.constant 0 : i32
        %dma_start3A_80 = tpu.memref_slice %arg7[%add3A_67, %dma_start3A_79] : memref<10240x128xf32, #tpu.memory_space<hbm>> -> memref<128x128xf32, #tpu.memory_space<hbm>>
        tpu.enqueue_dma source(%arg11 : memref<128x128xf32, #tpu.memory_space<vmem>>) target(%dma_start3A_80 : memref<128x128xf32, #tpu.memory_space<hbm>>) target_semaphore(%run_scoped3A : memref<!tpu.dma_semaphore, #tpu.memory_space<semaphore_mem>>)
        %dma_wait3A = arith.constant 0 : i32
        %dma_wait3A_81 = tpu.memref_slice %arg7[%add3A_67, %dma_wait3A] : memref<10240x128xf32, #tpu.memory_space<hbm>> -> memref<128x128xf32, #tpu.memory_space<hbm>>
        %dma_wait3A_82 = arith.constant 0 : i32
        %dma_wait3A_83 = tpu.memref_slice %arg7[%add3A_67, %dma_wait3A_82] : memref<10240x128xf32, #tpu.memory_space<hbm>> -> memref<128x128xf32, #tpu.memory_space<hbm>>
        tpu.wait_dma2 semaphore(%run_scoped3A : memref<!tpu.dma_semaphore, #tpu.memory_space<semaphore_mem>>) src(%arg11 : memref<128x128xf32, #tpu.memory_space<vmem>>) dst(%dma_wait3A_83 : memref<128x128xf32, #tpu.memory_space<hbm>>)
        tpu.yield
      }) : () -> ()
    } else {
    }
    %eq3A_73 = arith.constant 1 : i32
    %eq3A_74 = arith.cmpi eq, %arg0, %eq3A_73 : i32
    %convert_element_type3A_75 = arith.extui %eq3A_74 : i1 to i32
    %cond3A_76 = arith.constant 0 : i32
    %cond3A_77 = arith.cmpi ne, %convert_element_type3A_75, %cond3A_76 : i32
    scf.if %cond3A_77 {
      "tpu.region"() ({
        %run_scoped3A = tpu.sem_alloc : memref<!tpu.dma_semaphore, #tpu.memory_space<semaphore_mem>>
        %dma_start3A = arith.constant 0 : i32
        %dma_start3A_78 = tpu.memref_slice %arg8[%add3A_67, %dma_start3A] : memref<10240x128xf32, #tpu.memory_space<hbm>> -> memref<128x128xf32, #tpu.memory_space<hbm>>
        %dma_start3A_79 = arith.constant 0 : i32
        %dma_start3A_80 = tpu.memref_slice %arg8[%add3A_67, %dma_start3A_79] : memref<10240x128xf32, #tpu.memory_space<hbm>> -> memref<128x128xf32, #tpu.memory_space<hbm>>
        tpu.enqueue_dma source(%arg11 : memref<128x128xf32, #tpu.memory_space<vmem>>) target(%dma_start3A_80 : memref<128x128xf32, #tpu.memory_space<hbm>>) target_semaphore(%run_scoped3A : memref<!tpu.dma_semaphore, #tpu.memory_space<semaphore_mem>>)
        %dma_wait3A = arith.constant 0 : i32
        %dma_wait3A_81 = tpu.memref_slice %arg8[%add3A_67, %dma_wait3A] : memref<10240x128xf32, #tpu.memory_space<hbm>> -> memref<128x128xf32, #tpu.memory_space<hbm>>
        %dma_wait3A_82 = arith.constant 0 : i32
        %dma_wait3A_83 = tpu.memref_slice %arg8[%add3A_67, %dma_wait3A_82] : memref<10240x128xf32, #tpu.memory_space<hbm>> -> memref<128x128xf32, #tpu.memory_space<hbm>>
        tpu.wait_dma2 semaphore(%run_scoped3A : memref<!tpu.dma_semaphore, #tpu.memory_space<semaphore_mem>>) src(%arg11 : memref<128x128xf32, #tpu.memory_space<vmem>>) dst(%dma_wait3A_83 : memref<128x128xf32, #tpu.memory_space<hbm>>)
        tpu.yield
      }) : () -> ()
    } else {
    }
    return
  }
}

#map = affine_map<(d0, d1) -> (0, 0, 0)>
#map1 = affine_map<(d0, d1) -> (0, 0)>
module attributes {stable_mosaic.version = 14 : i64} {
  func.func @_deg_body(%arg0: i32, %arg1: i32, %arg2: memref<16x80x128xi32, #tpu.memory_space<hbm>>, %arg3: memref<16x80x128xi32, #tpu.memory_space<hbm>>, %arg4: memref<128x128xf32, #tpu.memory_space<hbm>>, %arg5: memref<128x128xf32, #tpu.memory_space<hbm>>, %arg6: memref<2x10240x128xf32, #tpu.memory_space<hbm>>, %arg7: memref<80x128xi32, #tpu.memory_space<vmem>>, %arg8: memref<128x128xf32, #tpu.memory_space<vmem>>, %arg9: memref<10240x128xf32, #tpu.memory_space<vmem_shared>>) attributes {dimension_semantics = [#tpu.dimension_semantics<core_parallel>, #tpu.dimension_semantics<subcore_parallel>], iteration_bounds = array<i64: 2, 16>, scalar_prefetch = 0 : i64, scratch_operands = 3 : i64, tpu.core_type = #tpu.core_type<sc_vector_subcore>, window_params = [{transform_indices = #map}, {transform_indices = #map}, {transform_indices = #map1}, {transform_indices = #map1}, {transform_indices = #map}]} {
    %mul3A = arith.constant 640 : i32
    %mul3A_0 = arith.muli %arg1, %mul3A : i32
    "tpu.region"() ({
      %run_scoped3A = tpu.sem_alloc : memref<!tpu.dma_semaphore, #tpu.memory_space<semaphore_mem>>
      tpu.enqueue_dma source(%arg5 : memref<128x128xf32, #tpu.memory_space<hbm>>) target(%arg8 : memref<128x128xf32, #tpu.memory_space<vmem>>) target_semaphore(%run_scoped3A : memref<!tpu.dma_semaphore, #tpu.memory_space<semaphore_mem>>)
      tpu.wait_dma2 semaphore(%run_scoped3A : memref<!tpu.dma_semaphore, #tpu.memory_space<semaphore_mem>>) src(%arg5 : memref<128x128xf32, #tpu.memory_space<hbm>>) dst(%arg8 : memref<128x128xf32, #tpu.memory_space<vmem>>)
      tpu.yield
    }) : () -> ()
    %add3A = arith.constant 0 : i32
    %add3A_1 = arith.addi %mul3A_0, %add3A : i32
    "tpu.region"() ({
      %run_scoped3A = tpu.sem_alloc : memref<!tpu.dma_semaphore, #tpu.memory_space<semaphore_mem>>
      %dma_start3A = arith.constant 0 : i32
      %dma_start3A_83 = tpu.memref_slice %arg9[%add3A_1, %dma_start3A] : memref<10240x128xf32, #tpu.memory_space<vmem_shared>> -> memref<128x128xf32, #tpu.memory_space<vmem_shared>>
      %dma_start3A_84 = arith.constant 0 : i32
      %dma_start3A_85 = tpu.memref_slice %arg9[%add3A_1, %dma_start3A_84] : memref<10240x128xf32, #tpu.memory_space<vmem_shared>> -> memref<128x128xf32, #tpu.memory_space<vmem_shared>>
      tpu.enqueue_dma source(%arg8 : memref<128x128xf32, #tpu.memory_space<vmem>>) target(%dma_start3A_85 : memref<128x128xf32, #tpu.memory_space<vmem_shared>>) target_semaphore(%run_scoped3A : memref<!tpu.dma_semaphore, #tpu.memory_space<semaphore_mem>>)
      %dma_wait3A = arith.constant 0 : i32
      %dma_wait3A_86 = tpu.memref_slice %arg9[%add3A_1, %dma_wait3A] : memref<10240x128xf32, #tpu.memory_space<vmem_shared>> -> memref<128x128xf32, #tpu.memory_space<vmem_shared>>
      %dma_wait3A_87 = arith.constant 0 : i32
      %dma_wait3A_88 = tpu.memref_slice %arg9[%add3A_1, %dma_wait3A_87] : memref<10240x128xf32, #tpu.memory_space<vmem_shared>> -> memref<128x128xf32, #tpu.memory_space<vmem_shared>>
      tpu.wait_dma2 semaphore(%run_scoped3A : memref<!tpu.dma_semaphore, #tpu.memory_space<semaphore_mem>>) src(%arg8 : memref<128x128xf32, #tpu.memory_space<vmem>>) dst(%dma_wait3A_88 : memref<128x128xf32, #tpu.memory_space<vmem_shared>>)
      tpu.yield
    }) : () -> ()
    %add3A_2 = arith.constant 128 : i32
    %add3A_3 = arith.addi %mul3A_0, %add3A_2 : i32
    "tpu.region"() ({
      %run_scoped3A = tpu.sem_alloc : memref<!tpu.dma_semaphore, #tpu.memory_space<semaphore_mem>>
      %dma_start3A = arith.constant 0 : i32
      %dma_start3A_83 = tpu.memref_slice %arg9[%add3A_3, %dma_start3A] : memref<10240x128xf32, #tpu.memory_space<vmem_shared>> -> memref<128x128xf32, #tpu.memory_space<vmem_shared>>
      %dma_start3A_84 = arith.constant 0 : i32
      %dma_start3A_85 = tpu.memref_slice %arg9[%add3A_3, %dma_start3A_84] : memref<10240x128xf32, #tpu.memory_space<vmem_shared>> -> memref<128x128xf32, #tpu.memory_space<vmem_shared>>
      tpu.enqueue_dma source(%arg8 : memref<128x128xf32, #tpu.memory_space<vmem>>) target(%dma_start3A_85 : memref<128x128xf32, #tpu.memory_space<vmem_shared>>) target_semaphore(%run_scoped3A : memref<!tpu.dma_semaphore, #tpu.memory_space<semaphore_mem>>)
      %dma_wait3A = arith.constant 0 : i32
      %dma_wait3A_86 = tpu.memref_slice %arg9[%add3A_3, %dma_wait3A] : memref<10240x128xf32, #tpu.memory_space<vmem_shared>> -> memref<128x128xf32, #tpu.memory_space<vmem_shared>>
      %dma_wait3A_87 = arith.constant 0 : i32
      %dma_wait3A_88 = tpu.memref_slice %arg9[%add3A_3, %dma_wait3A_87] : memref<10240x128xf32, #tpu.memory_space<vmem_shared>> -> memref<128x128xf32, #tpu.memory_space<vmem_shared>>
      tpu.wait_dma2 semaphore(%run_scoped3A : memref<!tpu.dma_semaphore, #tpu.memory_space<semaphore_mem>>) src(%arg8 : memref<128x128xf32, #tpu.memory_space<vmem>>) dst(%dma_wait3A_88 : memref<128x128xf32, #tpu.memory_space<vmem_shared>>)
      tpu.yield
    }) : () -> ()
    %add3A_4 = arith.constant 256 : i32
    %add3A_5 = arith.addi %mul3A_0, %add3A_4 : i32
    "tpu.region"() ({
      %run_scoped3A = tpu.sem_alloc : memref<!tpu.dma_semaphore, #tpu.memory_space<semaphore_mem>>
      %dma_start3A = arith.constant 0 : i32
      %dma_start3A_83 = tpu.memref_slice %arg9[%add3A_5, %dma_start3A] : memref<10240x128xf32, #tpu.memory_space<vmem_shared>> -> memref<128x128xf32, #tpu.memory_space<vmem_shared>>
      %dma_start3A_84 = arith.constant 0 : i32
      %dma_start3A_85 = tpu.memref_slice %arg9[%add3A_5, %dma_start3A_84] : memref<10240x128xf32, #tpu.memory_space<vmem_shared>> -> memref<128x128xf32, #tpu.memory_space<vmem_shared>>
      tpu.enqueue_dma source(%arg8 : memref<128x128xf32, #tpu.memory_space<vmem>>) target(%dma_start3A_85 : memref<128x128xf32, #tpu.memory_space<vmem_shared>>) target_semaphore(%run_scoped3A : memref<!tpu.dma_semaphore, #tpu.memory_space<semaphore_mem>>)
      %dma_wait3A = arith.constant 0 : i32
      %dma_wait3A_86 = tpu.memref_slice %arg9[%add3A_5, %dma_wait3A] : memref<10240x128xf32, #tpu.memory_space<vmem_shared>> -> memref<128x128xf32, #tpu.memory_space<vmem_shared>>
      %dma_wait3A_87 = arith.constant 0 : i32
      %dma_wait3A_88 = tpu.memref_slice %arg9[%add3A_5, %dma_wait3A_87] : memref<10240x128xf32, #tpu.memory_space<vmem_shared>> -> memref<128x128xf32, #tpu.memory_space<vmem_shared>>
      tpu.wait_dma2 semaphore(%run_scoped3A : memref<!tpu.dma_semaphore, #tpu.memory_space<semaphore_mem>>) src(%arg8 : memref<128x128xf32, #tpu.memory_space<vmem>>) dst(%dma_wait3A_88 : memref<128x128xf32, #tpu.memory_space<vmem_shared>>)
      tpu.yield
    }) : () -> ()
    %add3A_6 = arith.constant 384 : i32
    %add3A_7 = arith.addi %mul3A_0, %add3A_6 : i32
    "tpu.region"() ({
      %run_scoped3A = tpu.sem_alloc : memref<!tpu.dma_semaphore, #tpu.memory_space<semaphore_mem>>
      %dma_start3A = arith.constant 0 : i32
      %dma_start3A_83 = tpu.memref_slice %arg9[%add3A_7, %dma_start3A] : memref<10240x128xf32, #tpu.memory_space<vmem_shared>> -> memref<128x128xf32, #tpu.memory_space<vmem_shared>>
      %dma_start3A_84 = arith.constant 0 : i32
      %dma_start3A_85 = tpu.memref_slice %arg9[%add3A_7, %dma_start3A_84] : memref<10240x128xf32, #tpu.memory_space<vmem_shared>> -> memref<128x128xf32, #tpu.memory_space<vmem_shared>>
      tpu.enqueue_dma source(%arg8 : memref<128x128xf32, #tpu.memory_space<vmem>>) target(%dma_start3A_85 : memref<128x128xf32, #tpu.memory_space<vmem_shared>>) target_semaphore(%run_scoped3A : memref<!tpu.dma_semaphore, #tpu.memory_space<semaphore_mem>>)
      %dma_wait3A = arith.constant 0 : i32
      %dma_wait3A_86 = tpu.memref_slice %arg9[%add3A_7, %dma_wait3A] : memref<10240x128xf32, #tpu.memory_space<vmem_shared>> -> memref<128x128xf32, #tpu.memory_space<vmem_shared>>
      %dma_wait3A_87 = arith.constant 0 : i32
      %dma_wait3A_88 = tpu.memref_slice %arg9[%add3A_7, %dma_wait3A_87] : memref<10240x128xf32, #tpu.memory_space<vmem_shared>> -> memref<128x128xf32, #tpu.memory_space<vmem_shared>>
      tpu.wait_dma2 semaphore(%run_scoped3A : memref<!tpu.dma_semaphore, #tpu.memory_space<semaphore_mem>>) src(%arg8 : memref<128x128xf32, #tpu.memory_space<vmem>>) dst(%dma_wait3A_88 : memref<128x128xf32, #tpu.memory_space<vmem_shared>>)
      tpu.yield
    }) : () -> ()
    %add3A_8 = arith.constant 512 : i32
    %add3A_9 = arith.addi %mul3A_0, %add3A_8 : i32
    "tpu.region"() ({
      %run_scoped3A = tpu.sem_alloc : memref<!tpu.dma_semaphore, #tpu.memory_space<semaphore_mem>>
      %dma_start3A = arith.constant 0 : i32
      %dma_start3A_83 = tpu.memref_slice %arg9[%add3A_9, %dma_start3A] : memref<10240x128xf32, #tpu.memory_space<vmem_shared>> -> memref<128x128xf32, #tpu.memory_space<vmem_shared>>
      %dma_start3A_84 = arith.constant 0 : i32
      %dma_start3A_85 = tpu.memref_slice %arg9[%add3A_9, %dma_start3A_84] : memref<10240x128xf32, #tpu.memory_space<vmem_shared>> -> memref<128x128xf32, #tpu.memory_space<vmem_shared>>
      tpu.enqueue_dma source(%arg8 : memref<128x128xf32, #tpu.memory_space<vmem>>) target(%dma_start3A_85 : memref<128x128xf32, #tpu.memory_space<vmem_shared>>) target_semaphore(%run_scoped3A : memref<!tpu.dma_semaphore, #tpu.memory_space<semaphore_mem>>)
      %dma_wait3A = arith.constant 0 : i32
      %dma_wait3A_86 = tpu.memref_slice %arg9[%add3A_9, %dma_wait3A] : memref<10240x128xf32, #tpu.memory_space<vmem_shared>> -> memref<128x128xf32, #tpu.memory_space<vmem_shared>>
      %dma_wait3A_87 = arith.constant 0 : i32
      %dma_wait3A_88 = tpu.memref_slice %arg9[%add3A_9, %dma_wait3A_87] : memref<10240x128xf32, #tpu.memory_space<vmem_shared>> -> memref<128x128xf32, #tpu.memory_space<vmem_shared>>
      tpu.wait_dma2 semaphore(%run_scoped3A : memref<!tpu.dma_semaphore, #tpu.memory_space<semaphore_mem>>) src(%arg8 : memref<128x128xf32, #tpu.memory_space<vmem>>) dst(%dma_wait3A_88 : memref<128x128xf32, #tpu.memory_space<vmem_shared>>)
      tpu.yield
    }) : () -> ()
    %eq3A = arith.constant 0 : i32
    %eq3A_10 = arith.cmpi eq, %arg0, %eq3A : i32
    %convert_element_type3A = arith.extui %eq3A_10 : i1 to i32
    %cond3A = arith.constant 0 : i32
    %cond3A_11 = arith.cmpi ne, %convert_element_type3A, %cond3A : i32
    scf.if %cond3A_11 {
      "tpu.region"() ({
        %run_scoped3A = tpu.sem_alloc : memref<!tpu.dma_semaphore, #tpu.memory_space<semaphore_mem>>
        %dma_start3A = arith.constant 0 : i32
        %dma_start3A_83 = arith.constant 0 : i32
        %dma_start3A_84 = tpu.memref_slice %arg2[%arg1, %dma_start3A, %dma_start3A_83] : memref<16x80x128xi32, #tpu.memory_space<hbm>> -> memref<1x80x128xi32, #tpu.memory_space<hbm>>
        %dma_start3A_85 = tpu.memref_squeeze %dma_start3A_84 : memref<1x80x128xi32, #tpu.memory_space<hbm>> -> memref<80x128xi32, #tpu.memory_space<hbm>>
        %dma_start3A_86 = arith.constant 0 : i32
        %dma_start3A_87 = arith.constant 0 : i32
        %dma_start3A_88 = tpu.memref_slice %arg2[%arg1, %dma_start3A_86, %dma_start3A_87] : memref<16x80x128xi32, #tpu.memory_space<hbm>> -> memref<1x80x128xi32, #tpu.memory_space<hbm>>
        %dma_start3A_89 = tpu.memref_squeeze %dma_start3A_88 : memref<1x80x128xi32, #tpu.memory_space<hbm>> -> memref<80x128xi32, #tpu.memory_space<hbm>>
        tpu.enqueue_dma source(%dma_start3A_89 : memref<80x128xi32, #tpu.memory_space<hbm>>) target(%arg7 : memref<80x128xi32, #tpu.memory_space<vmem>>) target_semaphore(%run_scoped3A : memref<!tpu.dma_semaphore, #tpu.memory_space<semaphore_mem>>)
        %dma_wait3A = arith.constant 0 : i32
        %dma_wait3A_90 = arith.constant 0 : i32
        %dma_wait3A_91 = tpu.memref_slice %arg2[%arg1, %dma_wait3A, %dma_wait3A_90] : memref<16x80x128xi32, #tpu.memory_space<hbm>> -> memref<1x80x128xi32, #tpu.memory_space<hbm>>
        %dma_wait3A_92 = tpu.memref_squeeze %dma_wait3A_91 : memref<1x80x128xi32, #tpu.memory_space<hbm>> -> memref<80x128xi32, #tpu.memory_space<hbm>>
        %dma_wait3A_93 = arith.constant 0 : i32
        %dma_wait3A_94 = arith.constant 0 : i32
        %dma_wait3A_95 = tpu.memref_slice %arg2[%arg1, %dma_wait3A_93, %dma_wait3A_94] : memref<16x80x128xi32, #tpu.memory_space<hbm>> -> memref<1x80x128xi32, #tpu.memory_space<hbm>>
        %dma_wait3A_96 = tpu.memref_squeeze %dma_wait3A_95 : memref<1x80x128xi32, #tpu.memory_space<hbm>> -> memref<80x128xi32, #tpu.memory_space<hbm>>
        tpu.wait_dma2 semaphore(%run_scoped3A : memref<!tpu.dma_semaphore, #tpu.memory_space<semaphore_mem>>) src(%dma_wait3A_96 : memref<80x128xi32, #tpu.memory_space<hbm>>) dst(%arg7 : memref<80x128xi32, #tpu.memory_space<vmem>>)
        tpu.yield
      }) : () -> ()
    } else {
    }
    %eq3A_12 = arith.constant 1 : i32
    %eq3A_13 = arith.cmpi eq, %arg0, %eq3A_12 : i32
    %convert_element_type3A_14 = arith.extui %eq3A_13 : i1 to i32
    %cond3A_15 = arith.constant 0 : i32
    %cond3A_16 = arith.cmpi ne, %convert_element_type3A_14, %cond3A_15 : i32
    scf.if %cond3A_16 {
      "tpu.region"() ({
        %run_scoped3A = tpu.sem_alloc : memref<!tpu.dma_semaphore, #tpu.memory_space<semaphore_mem>>
        %dma_start3A = arith.constant 0 : i32
        %dma_start3A_83 = arith.constant 0 : i32
        %dma_start3A_84 = tpu.memref_slice %arg3[%arg1, %dma_start3A, %dma_start3A_83] : memref<16x80x128xi32, #tpu.memory_space<hbm>> -> memref<1x80x128xi32, #tpu.memory_space<hbm>>
        %dma_start3A_85 = tpu.memref_squeeze %dma_start3A_84 : memref<1x80x128xi32, #tpu.memory_space<hbm>> -> memref<80x128xi32, #tpu.memory_space<hbm>>
        %dma_start3A_86 = arith.constant 0 : i32
        %dma_start3A_87 = arith.constant 0 : i32
        %dma_start3A_88 = tpu.memref_slice %arg3[%arg1, %dma_start3A_86, %dma_start3A_87] : memref<16x80x128xi32, #tpu.memory_space<hbm>> -> memref<1x80x128xi32, #tpu.memory_space<hbm>>
        %dma_start3A_89 = tpu.memref_squeeze %dma_start3A_88 : memref<1x80x128xi32, #tpu.memory_space<hbm>> -> memref<80x128xi32, #tpu.memory_space<hbm>>
        tpu.enqueue_dma source(%dma_start3A_89 : memref<80x128xi32, #tpu.memory_space<hbm>>) target(%arg7 : memref<80x128xi32, #tpu.memory_space<vmem>>) target_semaphore(%run_scoped3A : memref<!tpu.dma_semaphore, #tpu.memory_space<semaphore_mem>>)
        %dma_wait3A = arith.constant 0 : i32
        %dma_wait3A_90 = arith.constant 0 : i32
        %dma_wait3A_91 = tpu.memref_slice %arg3[%arg1, %dma_wait3A, %dma_wait3A_90] : memref<16x80x128xi32, #tpu.memory_space<hbm>> -> memref<1x80x128xi32, #tpu.memory_space<hbm>>
        %dma_wait3A_92 = tpu.memref_squeeze %dma_wait3A_91 : memref<1x80x128xi32, #tpu.memory_space<hbm>> -> memref<80x128xi32, #tpu.memory_space<hbm>>
        %dma_wait3A_93 = arith.constant 0 : i32
        %dma_wait3A_94 = arith.constant 0 : i32
        %dma_wait3A_95 = tpu.memref_slice %arg3[%arg1, %dma_wait3A_93, %dma_wait3A_94] : memref<16x80x128xi32, #tpu.memory_space<hbm>> -> memref<1x80x128xi32, #tpu.memory_space<hbm>>
        %dma_wait3A_96 = tpu.memref_squeeze %dma_wait3A_95 : memref<1x80x128xi32, #tpu.memory_space<hbm>> -> memref<80x128xi32, #tpu.memory_space<hbm>>
        tpu.wait_dma2 semaphore(%run_scoped3A : memref<!tpu.dma_semaphore, #tpu.memory_space<semaphore_mem>>) src(%dma_wait3A_96 : memref<80x128xi32, #tpu.memory_space<hbm>>) dst(%arg7 : memref<80x128xi32, #tpu.memory_space<vmem>>)
        tpu.yield
      }) : () -> ()
    } else {
    }
    "tpu.region"() ({
      %run_scoped3A = tpu.sem_alloc : memref<!tpu.dma_semaphore, #tpu.memory_space<semaphore_mem>>
      tpu.enqueue_dma source(%arg4 : memref<128x128xf32, #tpu.memory_space<hbm>>) target(%arg8 : memref<128x128xf32, #tpu.memory_space<vmem>>) target_semaphore(%run_scoped3A : memref<!tpu.dma_semaphore, #tpu.memory_space<semaphore_mem>>)
      tpu.wait_dma2 semaphore(%run_scoped3A : memref<!tpu.dma_semaphore, #tpu.memory_space<semaphore_mem>>) src(%arg4 : memref<128x128xf32, #tpu.memory_space<hbm>>) dst(%arg8 : memref<128x128xf32, #tpu.memory_space<vmem>>)
      tpu.yield
    }) : () -> ()
    %barrier3A = arith.constant 0 : index
    tpu.barrier barrier_id(%barrier3A)
    %scan3A = arith.constant 0 : i32
    %scan3A_17 = arith.constant 0 : i32
    %scan3A_18 = arith.constant 80 : i32
    %scan3A_19 = arith.addi %scan3A_17, %scan3A_18 : i32
    %scan3A_20 = arith.constant 1 : i32
    scf.for %scan3A_83 = %scan3A_17 to %scan3A_19 step %scan3A_20  : i32 {
      "tpu.region"() ({
        %run_scoped3A = tpu.sem_alloc : memref<!tpu.dma_semaphore, #tpu.memory_space<semaphore_mem>>
        %dma_start3A = arith.constant 0 : i32
        %dma_start3A_84 = tpu.memref_slice %arg7[%scan3A_83, %dma_start3A] : memref<80x128xi32, #tpu.memory_space<vmem>> -> memref<1x128xi32, #tpu.memory_space<vmem>>
        %dma_start3A_85 = tpu.memref_squeeze %dma_start3A_84 : memref<1x128xi32, #tpu.memory_space<vmem>> -> memref<128xi32, #tpu.memory_space<vmem>>
        %dma_start3A_86 = arith.constant 0 : i32
        %dma_start3A_87 = arith.constant 0 : i32
        %dma_start3A_88 = tpu.memref_slice %arg9[%dma_start3A_86, %dma_start3A_87] : memref<10240x128xf32, #tpu.memory_space<vmem_shared>> -> memref<10240x128xf32, #tpu.memory_space<vmem_shared>>
        tpu.enqueue_indirect_dma source(%arg8 : memref<128x128xf32, #tpu.memory_space<vmem>>) target(%dma_start3A_88 : memref<10240x128xf32, #tpu.memory_space<vmem_shared>>) offsets(%dma_start3A_85 : memref<128xi32, #tpu.memory_space<vmem>>) semaphore(%run_scoped3A : memref<!tpu.dma_semaphore, #tpu.memory_space<semaphore_mem>>) {add = true}
        %dma_wait3A = arith.constant 0 : i32
        %dma_wait3A_89 = tpu.memref_slice %arg7[%scan3A_83, %dma_wait3A] : memref<80x128xi32, #tpu.memory_space<vmem>> -> memref<1x128xi32, #tpu.memory_space<vmem>>
        %dma_wait3A_90 = tpu.memref_squeeze %dma_wait3A_89 : memref<1x128xi32, #tpu.memory_space<vmem>> -> memref<128xi32, #tpu.memory_space<vmem>>
        %dma_wait3A_91 = arith.constant 0 : i32
        %dma_wait3A_92 = arith.constant 0 : i32
        %dma_wait3A_93 = tpu.memref_slice %arg9[%dma_wait3A_91, %dma_wait3A_92] : memref<10240x128xf32, #tpu.memory_space<vmem_shared>> -> memref<10240x128xf32, #tpu.memory_space<vmem_shared>>
        tpu.wait_indirect_dma semaphore(%run_scoped3A : memref<!tpu.dma_semaphore, #tpu.memory_space<semaphore_mem>>) src(%arg8 : memref<128x128xf32, #tpu.memory_space<vmem>>) dst(%dma_wait3A_93 : memref<10240x128xf32, #tpu.memory_space<vmem_shared>>)
        tpu.yield
      }) : () -> ()
    }
    %scan3A_21 = arith.constant 80 : i32
    %barrier3A_22 = arith.constant 0 : index
    tpu.barrier barrier_id(%barrier3A_22)
    %add3A_23 = arith.constant 0 : i32
    %add3A_24 = arith.addi %mul3A_0, %add3A_23 : i32
    "tpu.region"() ({
      %run_scoped3A = tpu.sem_alloc : memref<!tpu.dma_semaphore, #tpu.memory_space<semaphore_mem>>
      %dma_start3A = arith.constant 0 : i32
      %dma_start3A_83 = tpu.memref_slice %arg9[%add3A_24, %dma_start3A] : memref<10240x128xf32, #tpu.memory_space<vmem_shared>> -> memref<128x128xf32, #tpu.memory_space<vmem_shared>>
      %dma_start3A_84 = arith.constant 0 : i32
      %dma_start3A_85 = tpu.memref_slice %arg9[%add3A_24, %dma_start3A_84] : memref<10240x128xf32, #tpu.memory_space<vmem_shared>> -> memref<128x128xf32, #tpu.memory_space<vmem_shared>>
      tpu.enqueue_dma source(%dma_start3A_85 : memref<128x128xf32, #tpu.memory_space<vmem_shared>>) target(%arg8 : memref<128x128xf32, #tpu.memory_space<vmem>>) target_semaphore(%run_scoped3A : memref<!tpu.dma_semaphore, #tpu.memory_space<semaphore_mem>>)
      %dma_wait3A = arith.constant 0 : i32
      %dma_wait3A_86 = tpu.memref_slice %arg9[%add3A_24, %dma_wait3A] : memref<10240x128xf32, #tpu.memory_space<vmem_shared>> -> memref<128x128xf32, #tpu.memory_space<vmem_shared>>
      %dma_wait3A_87 = arith.constant 0 : i32
      %dma_wait3A_88 = tpu.memref_slice %arg9[%add3A_24, %dma_wait3A_87] : memref<10240x128xf32, #tpu.memory_space<vmem_shared>> -> memref<128x128xf32, #tpu.memory_space<vmem_shared>>
      tpu.wait_dma2 semaphore(%run_scoped3A : memref<!tpu.dma_semaphore, #tpu.memory_space<semaphore_mem>>) src(%dma_wait3A_88 : memref<128x128xf32, #tpu.memory_space<vmem_shared>>) dst(%arg8 : memref<128x128xf32, #tpu.memory_space<vmem>>)
      tpu.yield
    }) : () -> ()
    %eq3A_25 = arith.constant 0 : i32
    %eq3A_26 = arith.cmpi eq, %arg0, %eq3A_25 : i32
    %convert_element_type3A_27 = arith.extui %eq3A_26 : i1 to i32
    %cond3A_28 = arith.constant 0 : i32
    %cond3A_29 = arith.cmpi ne, %convert_element_type3A_27, %cond3A_28 : i32
    scf.if %cond3A_29 {
      %run_scoped3A = arith.constant 0 : i32
      "tpu.region"() ({
        %run_scoped3A_83 = tpu.sem_alloc : memref<!tpu.dma_semaphore, #tpu.memory_space<semaphore_mem>>
        %dma_start3A = arith.constant 0 : i32
        %dma_start3A_84 = tpu.memref_slice %arg6[%run_scoped3A, %add3A_24, %dma_start3A] : memref<2x10240x128xf32, #tpu.memory_space<hbm>> -> memref<1x128x128xf32, #tpu.memory_space<hbm>>
        %dma_start3A_85 = tpu.memref_squeeze %dma_start3A_84 : memref<1x128x128xf32, #tpu.memory_space<hbm>> -> memref<128x128xf32, #tpu.memory_space<hbm>>
        %dma_start3A_86 = arith.constant 0 : i32
        %dma_start3A_87 = tpu.memref_slice %arg6[%run_scoped3A, %add3A_24, %dma_start3A_86] : memref<2x10240x128xf32, #tpu.memory_space<hbm>> -> memref<1x128x128xf32, #tpu.memory_space<hbm>>
        %dma_start3A_88 = tpu.memref_squeeze %dma_start3A_87 : memref<1x128x128xf32, #tpu.memory_space<hbm>> -> memref<128x128xf32, #tpu.memory_space<hbm>>
        tpu.enqueue_dma source(%arg8 : memref<128x128xf32, #tpu.memory_space<vmem>>) target(%dma_start3A_88 : memref<128x128xf32, #tpu.memory_space<hbm>>) target_semaphore(%run_scoped3A_83 : memref<!tpu.dma_semaphore, #tpu.memory_space<semaphore_mem>>)
        %dma_wait3A = arith.constant 0 : i32
        %dma_wait3A_89 = tpu.memref_slice %arg6[%run_scoped3A, %add3A_24, %dma_wait3A] : memref<2x10240x128xf32, #tpu.memory_space<hbm>> -> memref<1x128x128xf32, #tpu.memory_space<hbm>>
        %dma_wait3A_90 = tpu.memref_squeeze %dma_wait3A_89 : memref<1x128x128xf32, #tpu.memory_space<hbm>> -> memref<128x128xf32, #tpu.memory_space<hbm>>
        %dma_wait3A_91 = arith.constant 0 : i32
        %dma_wait3A_92 = tpu.memref_slice %arg6[%run_scoped3A, %add3A_24, %dma_wait3A_91] : memref<2x10240x128xf32, #tpu.memory_space<hbm>> -> memref<1x128x128xf32, #tpu.memory_space<hbm>>
        %dma_wait3A_93 = tpu.memref_squeeze %dma_wait3A_92 : memref<1x128x128xf32, #tpu.memory_space<hbm>> -> memref<128x128xf32, #tpu.memory_space<hbm>>
        tpu.wait_dma2 semaphore(%run_scoped3A_83 : memref<!tpu.dma_semaphore, #tpu.memory_space<semaphore_mem>>) src(%arg8 : memref<128x128xf32, #tpu.memory_space<vmem>>) dst(%dma_wait3A_93 : memref<128x128xf32, #tpu.memory_space<hbm>>)
        tpu.yield
      }) : () -> ()
    } else {
    }
    %eq3A_30 = arith.constant 1 : i32
    %eq3A_31 = arith.cmpi eq, %arg0, %eq3A_30 : i32
    %convert_element_type3A_32 = arith.extui %eq3A_31 : i1 to i32
    %cond3A_33 = arith.constant 0 : i32
    %cond3A_34 = arith.cmpi ne, %convert_element_type3A_32, %cond3A_33 : i32
    scf.if %cond3A_34 {
      %run_scoped3A = arith.constant 1 : i32
      "tpu.region"() ({
        %run_scoped3A_83 = tpu.sem_alloc : memref<!tpu.dma_semaphore, #tpu.memory_space<semaphore_mem>>
        %dma_start3A = arith.constant 0 : i32
        %dma_start3A_84 = tpu.memref_slice %arg6[%run_scoped3A, %add3A_24, %dma_start3A] : memref<2x10240x128xf32, #tpu.memory_space<hbm>> -> memref<1x128x128xf32, #tpu.memory_space<hbm>>
        %dma_start3A_85 = tpu.memref_squeeze %dma_start3A_84 : memref<1x128x128xf32, #tpu.memory_space<hbm>> -> memref<128x128xf32, #tpu.memory_space<hbm>>
        %dma_start3A_86 = arith.constant 0 : i32
        %dma_start3A_87 = tpu.memref_slice %arg6[%run_scoped3A, %add3A_24, %dma_start3A_86] : memref<2x10240x128xf32, #tpu.memory_space<hbm>> -> memref<1x128x128xf32, #tpu.memory_space<hbm>>
        %dma_start3A_88 = tpu.memref_squeeze %dma_start3A_87 : memref<1x128x128xf32, #tpu.memory_space<hbm>> -> memref<128x128xf32, #tpu.memory_space<hbm>>
        tpu.enqueue_dma source(%arg8 : memref<128x128xf32, #tpu.memory_space<vmem>>) target(%dma_start3A_88 : memref<128x128xf32, #tpu.memory_space<hbm>>) target_semaphore(%run_scoped3A_83 : memref<!tpu.dma_semaphore, #tpu.memory_space<semaphore_mem>>)
        %dma_wait3A = arith.constant 0 : i32
        %dma_wait3A_89 = tpu.memref_slice %arg6[%run_scoped3A, %add3A_24, %dma_wait3A] : memref<2x10240x128xf32, #tpu.memory_space<hbm>> -> memref<1x128x128xf32, #tpu.memory_space<hbm>>
        %dma_wait3A_90 = tpu.memref_squeeze %dma_wait3A_89 : memref<1x128x128xf32, #tpu.memory_space<hbm>> -> memref<128x128xf32, #tpu.memory_space<hbm>>
        %dma_wait3A_91 = arith.constant 0 : i32
        %dma_wait3A_92 = tpu.memref_slice %arg6[%run_scoped3A, %add3A_24, %dma_wait3A_91] : memref<2x10240x128xf32, #tpu.memory_space<hbm>> -> memref<1x128x128xf32, #tpu.memory_space<hbm>>
        %dma_wait3A_93 = tpu.memref_squeeze %dma_wait3A_92 : memref<1x128x128xf32, #tpu.memory_space<hbm>> -> memref<128x128xf32, #tpu.memory_space<hbm>>
        tpu.wait_dma2 semaphore(%run_scoped3A_83 : memref<!tpu.dma_semaphore, #tpu.memory_space<semaphore_mem>>) src(%arg8 : memref<128x128xf32, #tpu.memory_space<vmem>>) dst(%dma_wait3A_93 : memref<128x128xf32, #tpu.memory_space<hbm>>)
        tpu.yield
      }) : () -> ()
    } else {
    }
    %add3A_35 = arith.constant 128 : i32
    %add3A_36 = arith.addi %mul3A_0, %add3A_35 : i32
    "tpu.region"() ({
      %run_scoped3A = tpu.sem_alloc : memref<!tpu.dma_semaphore, #tpu.memory_space<semaphore_mem>>
      %dma_start3A = arith.constant 0 : i32
      %dma_start3A_83 = tpu.memref_slice %arg9[%add3A_36, %dma_start3A] : memref<10240x128xf32, #tpu.memory_space<vmem_shared>> -> memref<128x128xf32, #tpu.memory_space<vmem_shared>>
      %dma_start3A_84 = arith.constant 0 : i32
      %dma_start3A_85 = tpu.memref_slice %arg9[%add3A_36, %dma_start3A_84] : memref<10240x128xf32, #tpu.memory_space<vmem_shared>> -> memref<128x128xf32, #tpu.memory_space<vmem_shared>>
      tpu.enqueue_dma source(%dma_start3A_85 : memref<128x128xf32, #tpu.memory_space<vmem_shared>>) target(%arg8 : memref<128x128xf32, #tpu.memory_space<vmem>>) target_semaphore(%run_scoped3A : memref<!tpu.dma_semaphore, #tpu.memory_space<semaphore_mem>>)
      %dma_wait3A = arith.constant 0 : i32
      %dma_wait3A_86 = tpu.memref_slice %arg9[%add3A_36, %dma_wait3A] : memref<10240x128xf32, #tpu.memory_space<vmem_shared>> -> memref<128x128xf32, #tpu.memory_space<vmem_shared>>
      %dma_wait3A_87 = arith.constant 0 : i32
      %dma_wait3A_88 = tpu.memref_slice %arg9[%add3A_36, %dma_wait3A_87] : memref<10240x128xf32, #tpu.memory_space<vmem_shared>> -> memref<128x128xf32, #tpu.memory_space<vmem_shared>>
      tpu.wait_dma2 semaphore(%run_scoped3A : memref<!tpu.dma_semaphore, #tpu.memory_space<semaphore_mem>>) src(%dma_wait3A_88 : memref<128x128xf32, #tpu.memory_space<vmem_shared>>) dst(%arg8 : memref<128x128xf32, #tpu.memory_space<vmem>>)
      tpu.yield
    }) : () -> ()
    %eq3A_37 = arith.constant 0 : i32
    %eq3A_38 = arith.cmpi eq, %arg0, %eq3A_37 : i32
    %convert_element_type3A_39 = arith.extui %eq3A_38 : i1 to i32
    %cond3A_40 = arith.constant 0 : i32
    %cond3A_41 = arith.cmpi ne, %convert_element_type3A_39, %cond3A_40 : i32
    scf.if %cond3A_41 {
      %run_scoped3A = arith.constant 0 : i32
      "tpu.region"() ({
        %run_scoped3A_83 = tpu.sem_alloc : memref<!tpu.dma_semaphore, #tpu.memory_space<semaphore_mem>>
        %dma_start3A = arith.constant 0 : i32
        %dma_start3A_84 = tpu.memref_slice %arg6[%run_scoped3A, %add3A_36, %dma_start3A] : memref<2x10240x128xf32, #tpu.memory_space<hbm>> -> memref<1x128x128xf32, #tpu.memory_space<hbm>>
        %dma_start3A_85 = tpu.memref_squeeze %dma_start3A_84 : memref<1x128x128xf32, #tpu.memory_space<hbm>> -> memref<128x128xf32, #tpu.memory_space<hbm>>
        %dma_start3A_86 = arith.constant 0 : i32
        %dma_start3A_87 = tpu.memref_slice %arg6[%run_scoped3A, %add3A_36, %dma_start3A_86] : memref<2x10240x128xf32, #tpu.memory_space<hbm>> -> memref<1x128x128xf32, #tpu.memory_space<hbm>>
        %dma_start3A_88 = tpu.memref_squeeze %dma_start3A_87 : memref<1x128x128xf32, #tpu.memory_space<hbm>> -> memref<128x128xf32, #tpu.memory_space<hbm>>
        tpu.enqueue_dma source(%arg8 : memref<128x128xf32, #tpu.memory_space<vmem>>) target(%dma_start3A_88 : memref<128x128xf32, #tpu.memory_space<hbm>>) target_semaphore(%run_scoped3A_83 : memref<!tpu.dma_semaphore, #tpu.memory_space<semaphore_mem>>)
        %dma_wait3A = arith.constant 0 : i32
        %dma_wait3A_89 = tpu.memref_slice %arg6[%run_scoped3A, %add3A_36, %dma_wait3A] : memref<2x10240x128xf32, #tpu.memory_space<hbm>> -> memref<1x128x128xf32, #tpu.memory_space<hbm>>
        %dma_wait3A_90 = tpu.memref_squeeze %dma_wait3A_89 : memref<1x128x128xf32, #tpu.memory_space<hbm>> -> memref<128x128xf32, #tpu.memory_space<hbm>>
        %dma_wait3A_91 = arith.constant 0 : i32
        %dma_wait3A_92 = tpu.memref_slice %arg6[%run_scoped3A, %add3A_36, %dma_wait3A_91] : memref<2x10240x128xf32, #tpu.memory_space<hbm>> -> memref<1x128x128xf32, #tpu.memory_space<hbm>>
        %dma_wait3A_93 = tpu.memref_squeeze %dma_wait3A_92 : memref<1x128x128xf32, #tpu.memory_space<hbm>> -> memref<128x128xf32, #tpu.memory_space<hbm>>
        tpu.wait_dma2 semaphore(%run_scoped3A_83 : memref<!tpu.dma_semaphore, #tpu.memory_space<semaphore_mem>>) src(%arg8 : memref<128x128xf32, #tpu.memory_space<vmem>>) dst(%dma_wait3A_93 : memref<128x128xf32, #tpu.memory_space<hbm>>)
        tpu.yield
      }) : () -> ()
    } else {
    }
    %eq3A_42 = arith.constant 1 : i32
    %eq3A_43 = arith.cmpi eq, %arg0, %eq3A_42 : i32
    %convert_element_type3A_44 = arith.extui %eq3A_43 : i1 to i32
    %cond3A_45 = arith.constant 0 : i32
    %cond3A_46 = arith.cmpi ne, %convert_element_type3A_44, %cond3A_45 : i32
    scf.if %cond3A_46 {
      %run_scoped3A = arith.constant 1 : i32
      "tpu.region"() ({
        %run_scoped3A_83 = tpu.sem_alloc : memref<!tpu.dma_semaphore, #tpu.memory_space<semaphore_mem>>
        %dma_start3A = arith.constant 0 : i32
        %dma_start3A_84 = tpu.memref_slice %arg6[%run_scoped3A, %add3A_36, %dma_start3A] : memref<2x10240x128xf32, #tpu.memory_space<hbm>> -> memref<1x128x128xf32, #tpu.memory_space<hbm>>
        %dma_start3A_85 = tpu.memref_squeeze %dma_start3A_84 : memref<1x128x128xf32, #tpu.memory_space<hbm>> -> memref<128x128xf32, #tpu.memory_space<hbm>>
        %dma_start3A_86 = arith.constant 0 : i32
        %dma_start3A_87 = tpu.memref_slice %arg6[%run_scoped3A, %add3A_36, %dma_start3A_86] : memref<2x10240x128xf32, #tpu.memory_space<hbm>> -> memref<1x128x128xf32, #tpu.memory_space<hbm>>
        %dma_start3A_88 = tpu.memref_squeeze %dma_start3A_87 : memref<1x128x128xf32, #tpu.memory_space<hbm>> -> memref<128x128xf32, #tpu.memory_space<hbm>>
        tpu.enqueue_dma source(%arg8 : memref<128x128xf32, #tpu.memory_space<vmem>>) target(%dma_start3A_88 : memref<128x128xf32, #tpu.memory_space<hbm>>) target_semaphore(%run_scoped3A_83 : memref<!tpu.dma_semaphore, #tpu.memory_space<semaphore_mem>>)
        %dma_wait3A = arith.constant 0 : i32
        %dma_wait3A_89 = tpu.memref_slice %arg6[%run_scoped3A, %add3A_36, %dma_wait3A] : memref<2x10240x128xf32, #tpu.memory_space<hbm>> -> memref<1x128x128xf32, #tpu.memory_space<hbm>>
        %dma_wait3A_90 = tpu.memref_squeeze %dma_wait3A_89 : memref<1x128x128xf32, #tpu.memory_space<hbm>> -> memref<128x128xf32, #tpu.memory_space<hbm>>
        %dma_wait3A_91 = arith.constant 0 : i32
        %dma_wait3A_92 = tpu.memref_slice %arg6[%run_scoped3A, %add3A_36, %dma_wait3A_91] : memref<2x10240x128xf32, #tpu.memory_space<hbm>> -> memref<1x128x128xf32, #tpu.memory_space<hbm>>
        %dma_wait3A_93 = tpu.memref_squeeze %dma_wait3A_92 : memref<1x128x128xf32, #tpu.memory_space<hbm>> -> memref<128x128xf32, #tpu.memory_space<hbm>>
        tpu.wait_dma2 semaphore(%run_scoped3A_83 : memref<!tpu.dma_semaphore, #tpu.memory_space<semaphore_mem>>) src(%arg8 : memref<128x128xf32, #tpu.memory_space<vmem>>) dst(%dma_wait3A_93 : memref<128x128xf32, #tpu.memory_space<hbm>>)
        tpu.yield
      }) : () -> ()
    } else {
    }
    %add3A_47 = arith.constant 256 : i32
    %add3A_48 = arith.addi %mul3A_0, %add3A_47 : i32
    "tpu.region"() ({
      %run_scoped3A = tpu.sem_alloc : memref<!tpu.dma_semaphore, #tpu.memory_space<semaphore_mem>>
      %dma_start3A = arith.constant 0 : i32
      %dma_start3A_83 = tpu.memref_slice %arg9[%add3A_48, %dma_start3A] : memref<10240x128xf32, #tpu.memory_space<vmem_shared>> -> memref<128x128xf32, #tpu.memory_space<vmem_shared>>
      %dma_start3A_84 = arith.constant 0 : i32
      %dma_start3A_85 = tpu.memref_slice %arg9[%add3A_48, %dma_start3A_84] : memref<10240x128xf32, #tpu.memory_space<vmem_shared>> -> memref<128x128xf32, #tpu.memory_space<vmem_shared>>
      tpu.enqueue_dma source(%dma_start3A_85 : memref<128x128xf32, #tpu.memory_space<vmem_shared>>) target(%arg8 : memref<128x128xf32, #tpu.memory_space<vmem>>) target_semaphore(%run_scoped3A : memref<!tpu.dma_semaphore, #tpu.memory_space<semaphore_mem>>)
      %dma_wait3A = arith.constant 0 : i32
      %dma_wait3A_86 = tpu.memref_slice %arg9[%add3A_48, %dma_wait3A] : memref<10240x128xf32, #tpu.memory_space<vmem_shared>> -> memref<128x128xf32, #tpu.memory_space<vmem_shared>>
      %dma_wait3A_87 = arith.constant 0 : i32
      %dma_wait3A_88 = tpu.memref_slice %arg9[%add3A_48, %dma_wait3A_87] : memref<10240x128xf32, #tpu.memory_space<vmem_shared>> -> memref<128x128xf32, #tpu.memory_space<vmem_shared>>
      tpu.wait_dma2 semaphore(%run_scoped3A : memref<!tpu.dma_semaphore, #tpu.memory_space<semaphore_mem>>) src(%dma_wait3A_88 : memref<128x128xf32, #tpu.memory_space<vmem_shared>>) dst(%arg8 : memref<128x128xf32, #tpu.memory_space<vmem>>)
      tpu.yield
    }) : () -> ()
    %eq3A_49 = arith.constant 0 : i32
    %eq3A_50 = arith.cmpi eq, %arg0, %eq3A_49 : i32
    %convert_element_type3A_51 = arith.extui %eq3A_50 : i1 to i32
    %cond3A_52 = arith.constant 0 : i32
    %cond3A_53 = arith.cmpi ne, %convert_element_type3A_51, %cond3A_52 : i32
    scf.if %cond3A_53 {
      %run_scoped3A = arith.constant 0 : i32
      "tpu.region"() ({
        %run_scoped3A_83 = tpu.sem_alloc : memref<!tpu.dma_semaphore, #tpu.memory_space<semaphore_mem>>
        %dma_start3A = arith.constant 0 : i32
        %dma_start3A_84 = tpu.memref_slice %arg6[%run_scoped3A, %add3A_48, %dma_start3A] : memref<2x10240x128xf32, #tpu.memory_space<hbm>> -> memref<1x128x128xf32, #tpu.memory_space<hbm>>
        %dma_start3A_85 = tpu.memref_squeeze %dma_start3A_84 : memref<1x128x128xf32, #tpu.memory_space<hbm>> -> memref<128x128xf32, #tpu.memory_space<hbm>>
        %dma_start3A_86 = arith.constant 0 : i32
        %dma_start3A_87 = tpu.memref_slice %arg6[%run_scoped3A, %add3A_48, %dma_start3A_86] : memref<2x10240x128xf32, #tpu.memory_space<hbm>> -> memref<1x128x128xf32, #tpu.memory_space<hbm>>
        %dma_start3A_88 = tpu.memref_squeeze %dma_start3A_87 : memref<1x128x128xf32, #tpu.memory_space<hbm>> -> memref<128x128xf32, #tpu.memory_space<hbm>>
        tpu.enqueue_dma source(%arg8 : memref<128x128xf32, #tpu.memory_space<vmem>>) target(%dma_start3A_88 : memref<128x128xf32, #tpu.memory_space<hbm>>) target_semaphore(%run_scoped3A_83 : memref<!tpu.dma_semaphore, #tpu.memory_space<semaphore_mem>>)
        %dma_wait3A = arith.constant 0 : i32
        %dma_wait3A_89 = tpu.memref_slice %arg6[%run_scoped3A, %add3A_48, %dma_wait3A] : memref<2x10240x128xf32, #tpu.memory_space<hbm>> -> memref<1x128x128xf32, #tpu.memory_space<hbm>>
        %dma_wait3A_90 = tpu.memref_squeeze %dma_wait3A_89 : memref<1x128x128xf32, #tpu.memory_space<hbm>> -> memref<128x128xf32, #tpu.memory_space<hbm>>
        %dma_wait3A_91 = arith.constant 0 : i32
        %dma_wait3A_92 = tpu.memref_slice %arg6[%run_scoped3A, %add3A_48, %dma_wait3A_91] : memref<2x10240x128xf32, #tpu.memory_space<hbm>> -> memref<1x128x128xf32, #tpu.memory_space<hbm>>
        %dma_wait3A_93 = tpu.memref_squeeze %dma_wait3A_92 : memref<1x128x128xf32, #tpu.memory_space<hbm>> -> memref<128x128xf32, #tpu.memory_space<hbm>>
        tpu.wait_dma2 semaphore(%run_scoped3A_83 : memref<!tpu.dma_semaphore, #tpu.memory_space<semaphore_mem>>) src(%arg8 : memref<128x128xf32, #tpu.memory_space<vmem>>) dst(%dma_wait3A_93 : memref<128x128xf32, #tpu.memory_space<hbm>>)
        tpu.yield
      }) : () -> ()
    } else {
    }
    %eq3A_54 = arith.constant 1 : i32
    %eq3A_55 = arith.cmpi eq, %arg0, %eq3A_54 : i32
    %convert_element_type3A_56 = arith.extui %eq3A_55 : i1 to i32
    %cond3A_57 = arith.constant 0 : i32
    %cond3A_58 = arith.cmpi ne, %convert_element_type3A_56, %cond3A_57 : i32
    scf.if %cond3A_58 {
      %run_scoped3A = arith.constant 1 : i32
      "tpu.region"() ({
        %run_scoped3A_83 = tpu.sem_alloc : memref<!tpu.dma_semaphore, #tpu.memory_space<semaphore_mem>>
        %dma_start3A = arith.constant 0 : i32
        %dma_start3A_84 = tpu.memref_slice %arg6[%run_scoped3A, %add3A_48, %dma_start3A] : memref<2x10240x128xf32, #tpu.memory_space<hbm>> -> memref<1x128x128xf32, #tpu.memory_space<hbm>>
        %dma_start3A_85 = tpu.memref_squeeze %dma_start3A_84 : memref<1x128x128xf32, #tpu.memory_space<hbm>> -> memref<128x128xf32, #tpu.memory_space<hbm>>
        %dma_start3A_86 = arith.constant 0 : i32
        %dma_start3A_87 = tpu.memref_slice %arg6[%run_scoped3A, %add3A_48, %dma_start3A_86] : memref<2x10240x128xf32, #tpu.memory_space<hbm>> -> memref<1x128x128xf32, #tpu.memory_space<hbm>>
        %dma_start3A_88 = tpu.memref_squeeze %dma_start3A_87 : memref<1x128x128xf32, #tpu.memory_space<hbm>> -> memref<128x128xf32, #tpu.memory_space<hbm>>
        tpu.enqueue_dma source(%arg8 : memref<128x128xf32, #tpu.memory_space<vmem>>) target(%dma_start3A_88 : memref<128x128xf32, #tpu.memory_space<hbm>>) target_semaphore(%run_scoped3A_83 : memref<!tpu.dma_semaphore, #tpu.memory_space<semaphore_mem>>)
        %dma_wait3A = arith.constant 0 : i32
        %dma_wait3A_89 = tpu.memref_slice %arg6[%run_scoped3A, %add3A_48, %dma_wait3A] : memref<2x10240x128xf32, #tpu.memory_space<hbm>> -> memref<1x128x128xf32, #tpu.memory_space<hbm>>
        %dma_wait3A_90 = tpu.memref_squeeze %dma_wait3A_89 : memref<1x128x128xf32, #tpu.memory_space<hbm>> -> memref<128x128xf32, #tpu.memory_space<hbm>>
        %dma_wait3A_91 = arith.constant 0 : i32
        %dma_wait3A_92 = tpu.memref_slice %arg6[%run_scoped3A, %add3A_48, %dma_wait3A_91] : memref<2x10240x128xf32, #tpu.memory_space<hbm>> -> memref<1x128x128xf32, #tpu.memory_space<hbm>>
        %dma_wait3A_93 = tpu.memref_squeeze %dma_wait3A_92 : memref<1x128x128xf32, #tpu.memory_space<hbm>> -> memref<128x128xf32, #tpu.memory_space<hbm>>
        tpu.wait_dma2 semaphore(%run_scoped3A_83 : memref<!tpu.dma_semaphore, #tpu.memory_space<semaphore_mem>>) src(%arg8 : memref<128x128xf32, #tpu.memory_space<vmem>>) dst(%dma_wait3A_93 : memref<128x128xf32, #tpu.memory_space<hbm>>)
        tpu.yield
      }) : () -> ()
    } else {
    }
    %add3A_59 = arith.constant 384 : i32
    %add3A_60 = arith.addi %mul3A_0, %add3A_59 : i32
    "tpu.region"() ({
      %run_scoped3A = tpu.sem_alloc : memref<!tpu.dma_semaphore, #tpu.memory_space<semaphore_mem>>
      %dma_start3A = arith.constant 0 : i32
      %dma_start3A_83 = tpu.memref_slice %arg9[%add3A_60, %dma_start3A] : memref<10240x128xf32, #tpu.memory_space<vmem_shared>> -> memref<128x128xf32, #tpu.memory_space<vmem_shared>>
      %dma_start3A_84 = arith.constant 0 : i32
      %dma_start3A_85 = tpu.memref_slice %arg9[%add3A_60, %dma_start3A_84] : memref<10240x128xf32, #tpu.memory_space<vmem_shared>> -> memref<128x128xf32, #tpu.memory_space<vmem_shared>>
      tpu.enqueue_dma source(%dma_start3A_85 : memref<128x128xf32, #tpu.memory_space<vmem_shared>>) target(%arg8 : memref<128x128xf32, #tpu.memory_space<vmem>>) target_semaphore(%run_scoped3A : memref<!tpu.dma_semaphore, #tpu.memory_space<semaphore_mem>>)
      %dma_wait3A = arith.constant 0 : i32
      %dma_wait3A_86 = tpu.memref_slice %arg9[%add3A_60, %dma_wait3A] : memref<10240x128xf32, #tpu.memory_space<vmem_shared>> -> memref<128x128xf32, #tpu.memory_space<vmem_shared>>
      %dma_wait3A_87 = arith.constant 0 : i32
      %dma_wait3A_88 = tpu.memref_slice %arg9[%add3A_60, %dma_wait3A_87] : memref<10240x128xf32, #tpu.memory_space<vmem_shared>> -> memref<128x128xf32, #tpu.memory_space<vmem_shared>>
      tpu.wait_dma2 semaphore(%run_scoped3A : memref<!tpu.dma_semaphore, #tpu.memory_space<semaphore_mem>>) src(%dma_wait3A_88 : memref<128x128xf32, #tpu.memory_space<vmem_shared>>) dst(%arg8 : memref<128x128xf32, #tpu.memory_space<vmem>>)
      tpu.yield
    }) : () -> ()
    %eq3A_61 = arith.constant 0 : i32
    %eq3A_62 = arith.cmpi eq, %arg0, %eq3A_61 : i32
    %convert_element_type3A_63 = arith.extui %eq3A_62 : i1 to i32
    %cond3A_64 = arith.constant 0 : i32
    %cond3A_65 = arith.cmpi ne, %convert_element_type3A_63, %cond3A_64 : i32
    scf.if %cond3A_65 {
      %run_scoped3A = arith.constant 0 : i32
      "tpu.region"() ({
        %run_scoped3A_83 = tpu.sem_alloc : memref<!tpu.dma_semaphore, #tpu.memory_space<semaphore_mem>>
        %dma_start3A = arith.constant 0 : i32
        %dma_start3A_84 = tpu.memref_slice %arg6[%run_scoped3A, %add3A_60, %dma_start3A] : memref<2x10240x128xf32, #tpu.memory_space<hbm>> -> memref<1x128x128xf32, #tpu.memory_space<hbm>>
        %dma_start3A_85 = tpu.memref_squeeze %dma_start3A_84 : memref<1x128x128xf32, #tpu.memory_space<hbm>> -> memref<128x128xf32, #tpu.memory_space<hbm>>
        %dma_start3A_86 = arith.constant 0 : i32
        %dma_start3A_87 = tpu.memref_slice %arg6[%run_scoped3A, %add3A_60, %dma_start3A_86] : memref<2x10240x128xf32, #tpu.memory_space<hbm>> -> memref<1x128x128xf32, #tpu.memory_space<hbm>>
        %dma_start3A_88 = tpu.memref_squeeze %dma_start3A_87 : memref<1x128x128xf32, #tpu.memory_space<hbm>> -> memref<128x128xf32, #tpu.memory_space<hbm>>
        tpu.enqueue_dma source(%arg8 : memref<128x128xf32, #tpu.memory_space<vmem>>) target(%dma_start3A_88 : memref<128x128xf32, #tpu.memory_space<hbm>>) target_semaphore(%run_scoped3A_83 : memref<!tpu.dma_semaphore, #tpu.memory_space<semaphore_mem>>)
        %dma_wait3A = arith.constant 0 : i32
        %dma_wait3A_89 = tpu.memref_slice %arg6[%run_scoped3A, %add3A_60, %dma_wait3A] : memref<2x10240x128xf32, #tpu.memory_space<hbm>> -> memref<1x128x128xf32, #tpu.memory_space<hbm>>
        %dma_wait3A_90 = tpu.memref_squeeze %dma_wait3A_89 : memref<1x128x128xf32, #tpu.memory_space<hbm>> -> memref<128x128xf32, #tpu.memory_space<hbm>>
        %dma_wait3A_91 = arith.constant 0 : i32
        %dma_wait3A_92 = tpu.memref_slice %arg6[%run_scoped3A, %add3A_60, %dma_wait3A_91] : memref<2x10240x128xf32, #tpu.memory_space<hbm>> -> memref<1x128x128xf32, #tpu.memory_space<hbm>>
        %dma_wait3A_93 = tpu.memref_squeeze %dma_wait3A_92 : memref<1x128x128xf32, #tpu.memory_space<hbm>> -> memref<128x128xf32, #tpu.memory_space<hbm>>
        tpu.wait_dma2 semaphore(%run_scoped3A_83 : memref<!tpu.dma_semaphore, #tpu.memory_space<semaphore_mem>>) src(%arg8 : memref<128x128xf32, #tpu.memory_space<vmem>>) dst(%dma_wait3A_93 : memref<128x128xf32, #tpu.memory_space<hbm>>)
        tpu.yield
      }) : () -> ()
    } else {
    }
    %eq3A_66 = arith.constant 1 : i32
    %eq3A_67 = arith.cmpi eq, %arg0, %eq3A_66 : i32
    %convert_element_type3A_68 = arith.extui %eq3A_67 : i1 to i32
    %cond3A_69 = arith.constant 0 : i32
    %cond3A_70 = arith.cmpi ne, %convert_element_type3A_68, %cond3A_69 : i32
    scf.if %cond3A_70 {
      %run_scoped3A = arith.constant 1 : i32
      "tpu.region"() ({
        %run_scoped3A_83 = tpu.sem_alloc : memref<!tpu.dma_semaphore, #tpu.memory_space<semaphore_mem>>
        %dma_start3A = arith.constant 0 : i32
        %dma_start3A_84 = tpu.memref_slice %arg6[%run_scoped3A, %add3A_60, %dma_start3A] : memref<2x10240x128xf32, #tpu.memory_space<hbm>> -> memref<1x128x128xf32, #tpu.memory_space<hbm>>
        %dma_start3A_85 = tpu.memref_squeeze %dma_start3A_84 : memref<1x128x128xf32, #tpu.memory_space<hbm>> -> memref<128x128xf32, #tpu.memory_space<hbm>>
        %dma_start3A_86 = arith.constant 0 : i32
        %dma_start3A_87 = tpu.memref_slice %arg6[%run_scoped3A, %add3A_60, %dma_start3A_86] : memref<2x10240x128xf32, #tpu.memory_space<hbm>> -> memref<1x128x128xf32, #tpu.memory_space<hbm>>
        %dma_start3A_88 = tpu.memref_squeeze %dma_start3A_87 : memref<1x128x128xf32, #tpu.memory_space<hbm>> -> memref<128x128xf32, #tpu.memory_space<hbm>>
        tpu.enqueue_dma source(%arg8 : memref<128x128xf32, #tpu.memory_space<vmem>>) target(%dma_start3A_88 : memref<128x128xf32, #tpu.memory_space<hbm>>) target_semaphore(%run_scoped3A_83 : memref<!tpu.dma_semaphore, #tpu.memory_space<semaphore_mem>>)
        %dma_wait3A = arith.constant 0 : i32
        %dma_wait3A_89 = tpu.memref_slice %arg6[%run_scoped3A, %add3A_60, %dma_wait3A] : memref<2x10240x128xf32, #tpu.memory_space<hbm>> -> memref<1x128x128xf32, #tpu.memory_space<hbm>>
        %dma_wait3A_90 = tpu.memref_squeeze %dma_wait3A_89 : memref<1x128x128xf32, #tpu.memory_space<hbm>> -> memref<128x128xf32, #tpu.memory_space<hbm>>
        %dma_wait3A_91 = arith.constant 0 : i32
        %dma_wait3A_92 = tpu.memref_slice %arg6[%run_scoped3A, %add3A_60, %dma_wait3A_91] : memref<2x10240x128xf32, #tpu.memory_space<hbm>> -> memref<1x128x128xf32, #tpu.memory_space<hbm>>
        %dma_wait3A_93 = tpu.memref_squeeze %dma_wait3A_92 : memref<1x128x128xf32, #tpu.memory_space<hbm>> -> memref<128x128xf32, #tpu.memory_space<hbm>>
        tpu.wait_dma2 semaphore(%run_scoped3A_83 : memref<!tpu.dma_semaphore, #tpu.memory_space<semaphore_mem>>) src(%arg8 : memref<128x128xf32, #tpu.memory_space<vmem>>) dst(%dma_wait3A_93 : memref<128x128xf32, #tpu.memory_space<hbm>>)
        tpu.yield
      }) : () -> ()
    } else {
    }
    %add3A_71 = arith.constant 512 : i32
    %add3A_72 = arith.addi %mul3A_0, %add3A_71 : i32
    "tpu.region"() ({
      %run_scoped3A = tpu.sem_alloc : memref<!tpu.dma_semaphore, #tpu.memory_space<semaphore_mem>>
      %dma_start3A = arith.constant 0 : i32
      %dma_start3A_83 = tpu.memref_slice %arg9[%add3A_72, %dma_start3A] : memref<10240x128xf32, #tpu.memory_space<vmem_shared>> -> memref<128x128xf32, #tpu.memory_space<vmem_shared>>
      %dma_start3A_84 = arith.constant 0 : i32
      %dma_start3A_85 = tpu.memref_slice %arg9[%add3A_72, %dma_start3A_84] : memref<10240x128xf32, #tpu.memory_space<vmem_shared>> -> memref<128x128xf32, #tpu.memory_space<vmem_shared>>
      tpu.enqueue_dma source(%dma_start3A_85 : memref<128x128xf32, #tpu.memory_space<vmem_shared>>) target(%arg8 : memref<128x128xf32, #tpu.memory_space<vmem>>) target_semaphore(%run_scoped3A : memref<!tpu.dma_semaphore, #tpu.memory_space<semaphore_mem>>)
      %dma_wait3A = arith.constant 0 : i32
      %dma_wait3A_86 = tpu.memref_slice %arg9[%add3A_72, %dma_wait3A] : memref<10240x128xf32, #tpu.memory_space<vmem_shared>> -> memref<128x128xf32, #tpu.memory_space<vmem_shared>>
      %dma_wait3A_87 = arith.constant 0 : i32
      %dma_wait3A_88 = tpu.memref_slice %arg9[%add3A_72, %dma_wait3A_87] : memref<10240x128xf32, #tpu.memory_space<vmem_shared>> -> memref<128x128xf32, #tpu.memory_space<vmem_shared>>
      tpu.wait_dma2 semaphore(%run_scoped3A : memref<!tpu.dma_semaphore, #tpu.memory_space<semaphore_mem>>) src(%dma_wait3A_88 : memref<128x128xf32, #tpu.memory_space<vmem_shared>>) dst(%arg8 : memref<128x128xf32, #tpu.memory_space<vmem>>)
      tpu.yield
    }) : () -> ()
    %eq3A_73 = arith.constant 0 : i32
    %eq3A_74 = arith.cmpi eq, %arg0, %eq3A_73 : i32
    %convert_element_type3A_75 = arith.extui %eq3A_74 : i1 to i32
    %cond3A_76 = arith.constant 0 : i32
    %cond3A_77 = arith.cmpi ne, %convert_element_type3A_75, %cond3A_76 : i32
    scf.if %cond3A_77 {
      %run_scoped3A = arith.constant 0 : i32
      "tpu.region"() ({
        %run_scoped3A_83 = tpu.sem_alloc : memref<!tpu.dma_semaphore, #tpu.memory_space<semaphore_mem>>
        %dma_start3A = arith.constant 0 : i32
        %dma_start3A_84 = tpu.memref_slice %arg6[%run_scoped3A, %add3A_72, %dma_start3A] : memref<2x10240x128xf32, #tpu.memory_space<hbm>> -> memref<1x128x128xf32, #tpu.memory_space<hbm>>
        %dma_start3A_85 = tpu.memref_squeeze %dma_start3A_84 : memref<1x128x128xf32, #tpu.memory_space<hbm>> -> memref<128x128xf32, #tpu.memory_space<hbm>>
        %dma_start3A_86 = arith.constant 0 : i32
        %dma_start3A_87 = tpu.memref_slice %arg6[%run_scoped3A, %add3A_72, %dma_start3A_86] : memref<2x10240x128xf32, #tpu.memory_space<hbm>> -> memref<1x128x128xf32, #tpu.memory_space<hbm>>
        %dma_start3A_88 = tpu.memref_squeeze %dma_start3A_87 : memref<1x128x128xf32, #tpu.memory_space<hbm>> -> memref<128x128xf32, #tpu.memory_space<hbm>>
        tpu.enqueue_dma source(%arg8 : memref<128x128xf32, #tpu.memory_space<vmem>>) target(%dma_start3A_88 : memref<128x128xf32, #tpu.memory_space<hbm>>) target_semaphore(%run_scoped3A_83 : memref<!tpu.dma_semaphore, #tpu.memory_space<semaphore_mem>>)
        %dma_wait3A = arith.constant 0 : i32
        %dma_wait3A_89 = tpu.memref_slice %arg6[%run_scoped3A, %add3A_72, %dma_wait3A] : memref<2x10240x128xf32, #tpu.memory_space<hbm>> -> memref<1x128x128xf32, #tpu.memory_space<hbm>>
        %dma_wait3A_90 = tpu.memref_squeeze %dma_wait3A_89 : memref<1x128x128xf32, #tpu.memory_space<hbm>> -> memref<128x128xf32, #tpu.memory_space<hbm>>
        %dma_wait3A_91 = arith.constant 0 : i32
        %dma_wait3A_92 = tpu.memref_slice %arg6[%run_scoped3A, %add3A_72, %dma_wait3A_91] : memref<2x10240x128xf32, #tpu.memory_space<hbm>> -> memref<1x128x128xf32, #tpu.memory_space<hbm>>
        %dma_wait3A_93 = tpu.memref_squeeze %dma_wait3A_92 : memref<1x128x128xf32, #tpu.memory_space<hbm>> -> memref<128x128xf32, #tpu.memory_space<hbm>>
        tpu.wait_dma2 semaphore(%run_scoped3A_83 : memref<!tpu.dma_semaphore, #tpu.memory_space<semaphore_mem>>) src(%arg8 : memref<128x128xf32, #tpu.memory_space<vmem>>) dst(%dma_wait3A_93 : memref<128x128xf32, #tpu.memory_space<hbm>>)
        tpu.yield
      }) : () -> ()
    } else {
    }
    %eq3A_78 = arith.constant 1 : i32
    %eq3A_79 = arith.cmpi eq, %arg0, %eq3A_78 : i32
    %convert_element_type3A_80 = arith.extui %eq3A_79 : i1 to i32
    %cond3A_81 = arith.constant 0 : i32
    %cond3A_82 = arith.cmpi ne, %convert_element_type3A_80, %cond3A_81 : i32
    scf.if %cond3A_82 {
      %run_scoped3A = arith.constant 1 : i32
      "tpu.region"() ({
        %run_scoped3A_83 = tpu.sem_alloc : memref<!tpu.dma_semaphore, #tpu.memory_space<semaphore_mem>>
        %dma_start3A = arith.constant 0 : i32
        %dma_start3A_84 = tpu.memref_slice %arg6[%run_scoped3A, %add3A_72, %dma_start3A] : memref<2x10240x128xf32, #tpu.memory_space<hbm>> -> memref<1x128x128xf32, #tpu.memory_space<hbm>>
        %dma_start3A_85 = tpu.memref_squeeze %dma_start3A_84 : memref<1x128x128xf32, #tpu.memory_space<hbm>> -> memref<128x128xf32, #tpu.memory_space<hbm>>
        %dma_start3A_86 = arith.constant 0 : i32
        %dma_start3A_87 = tpu.memref_slice %arg6[%run_scoped3A, %add3A_72, %dma_start3A_86] : memref<2x10240x128xf32, #tpu.memory_space<hbm>> -> memref<1x128x128xf32, #tpu.memory_space<hbm>>
        %dma_start3A_88 = tpu.memref_squeeze %dma_start3A_87 : memref<1x128x128xf32, #tpu.memory_space<hbm>> -> memref<128x128xf32, #tpu.memory_space<hbm>>
        tpu.enqueue_dma source(%arg8 : memref<128x128xf32, #tpu.memory_space<vmem>>) target(%dma_start3A_88 : memref<128x128xf32, #tpu.memory_space<hbm>>) target_semaphore(%run_scoped3A_83 : memref<!tpu.dma_semaphore, #tpu.memory_space<semaphore_mem>>)
        %dma_wait3A = arith.constant 0 : i32
        %dma_wait3A_89 = tpu.memref_slice %arg6[%run_scoped3A, %add3A_72, %dma_wait3A] : memref<2x10240x128xf32, #tpu.memory_space<hbm>> -> memref<1x128x128xf32, #tpu.memory_space<hbm>>
        %dma_wait3A_90 = tpu.memref_squeeze %dma_wait3A_89 : memref<1x128x128xf32, #tpu.memory_space<hbm>> -> memref<128x128xf32, #tpu.memory_space<hbm>>
        %dma_wait3A_91 = arith.constant 0 : i32
        %dma_wait3A_92 = tpu.memref_slice %arg6[%run_scoped3A, %add3A_72, %dma_wait3A_91] : memref<2x10240x128xf32, #tpu.memory_space<hbm>> -> memref<1x128x128xf32, #tpu.memory_space<hbm>>
        %dma_wait3A_93 = tpu.memref_squeeze %dma_wait3A_92 : memref<1x128x128xf32, #tpu.memory_space<hbm>> -> memref<128x128xf32, #tpu.memory_space<hbm>>
        tpu.wait_dma2 semaphore(%run_scoped3A_83 : memref<!tpu.dma_semaphore, #tpu.memory_space<semaphore_mem>>) src(%arg8 : memref<128x128xf32, #tpu.memory_space<vmem>>) dst(%dma_wait3A_93 : memref<128x128xf32, #tpu.memory_space<hbm>>)
        tpu.yield
      }) : () -> ()
    } else {
    }
    return
  }
}

#map = affine_map<(d0, d1) -> (0, 0)>
#map1 = affine_map<(d0, d1) -> (0, 0, 0)>
module attributes {stable_mosaic.version = 14 : i64} {
  func.func @_agg_body(%arg0: i32, %arg1: i32, %arg2: memref<10240x128xf32, #tpu.memory_space<hbm>>, %arg3: memref<10240x128xf32, #tpu.memory_space<hbm>>, %arg4: memref<16x80x128xi32, #tpu.memory_space<hbm>>, %arg5: memref<16x80x128xi32, #tpu.memory_space<hbm>>, %arg6: memref<128x128xf32, #tpu.memory_space<hbm>>, %arg7: memref<10240x128xf32, #tpu.memory_space<hbm>>, %arg8: memref<10240x128xf32, #tpu.memory_space<hbm>>, %arg9: memref<80x128xi32, #tpu.memory_space<vmem>>, %arg10: memref<80x128xi32, #tpu.memory_space<vmem>>, %arg11: memref<128x128xf32, #tpu.memory_space<vmem>>, %arg12: memref<10240x128xf32, #tpu.memory_space<vmem_shared>>) attributes {dimension_semantics = [#tpu.dimension_semantics<core_parallel>, #tpu.dimension_semantics<subcore_parallel>], iteration_bounds = array<i64: 2, 16>, scalar_prefetch = 0 : i64, scratch_operands = 4 : i64, tpu.core_type = #tpu.core_type<sc_vector_subcore>, window_params = [{transform_indices = #map}, {transform_indices = #map}, {transform_indices = #map1}, {transform_indices = #map1}, {transform_indices = #map}, {transform_indices = #map}, {transform_indices = #map}]} {
    %mul3A = arith.constant 640 : i32
    %mul3A_0 = arith.muli %arg1, %mul3A : i32
    "tpu.region"() ({
      %run_scoped3A = tpu.sem_alloc : memref<!tpu.dma_semaphore, #tpu.memory_space<semaphore_mem>>
      tpu.enqueue_dma source(%arg6 : memref<128x128xf32, #tpu.memory_space<hbm>>) target(%arg11 : memref<128x128xf32, #tpu.memory_space<vmem>>) target_semaphore(%run_scoped3A : memref<!tpu.dma_semaphore, #tpu.memory_space<semaphore_mem>>)
      tpu.wait_dma2 semaphore(%run_scoped3A : memref<!tpu.dma_semaphore, #tpu.memory_space<semaphore_mem>>) src(%arg6 : memref<128x128xf32, #tpu.memory_space<hbm>>) dst(%arg11 : memref<128x128xf32, #tpu.memory_space<vmem>>)
      tpu.yield
    }) : () -> ()
    %add3A = arith.constant 0 : i32
    %add3A_1 = arith.addi %mul3A_0, %add3A : i32
    "tpu.region"() ({
      %run_scoped3A = tpu.sem_alloc : memref<!tpu.dma_semaphore, #tpu.memory_space<semaphore_mem>>
      %dma_start3A = arith.constant 0 : i32
      %dma_start3A_78 = tpu.memref_slice %arg12[%add3A_1, %dma_start3A] : memref<10240x128xf32, #tpu.memory_space<vmem_shared>> -> memref<128x128xf32, #tpu.memory_space<vmem_shared>>
      %dma_start3A_79 = arith.constant 0 : i32
      %dma_start3A_80 = tpu.memref_slice %arg12[%add3A_1, %dma_start3A_79] : memref<10240x128xf32, #tpu.memory_space<vmem_shared>> -> memref<128x128xf32, #tpu.memory_space<vmem_shared>>
      tpu.enqueue_dma source(%arg11 : memref<128x128xf32, #tpu.memory_space<vmem>>) target(%dma_start3A_80 : memref<128x128xf32, #tpu.memory_space<vmem_shared>>) target_semaphore(%run_scoped3A : memref<!tpu.dma_semaphore, #tpu.memory_space<semaphore_mem>>)
      %dma_wait3A = arith.constant 0 : i32
      %dma_wait3A_81 = tpu.memref_slice %arg12[%add3A_1, %dma_wait3A] : memref<10240x128xf32, #tpu.memory_space<vmem_shared>> -> memref<128x128xf32, #tpu.memory_space<vmem_shared>>
      %dma_wait3A_82 = arith.constant 0 : i32
      %dma_wait3A_83 = tpu.memref_slice %arg12[%add3A_1, %dma_wait3A_82] : memref<10240x128xf32, #tpu.memory_space<vmem_shared>> -> memref<128x128xf32, #tpu.memory_space<vmem_shared>>
      tpu.wait_dma2 semaphore(%run_scoped3A : memref<!tpu.dma_semaphore, #tpu.memory_space<semaphore_mem>>) src(%arg11 : memref<128x128xf32, #tpu.memory_space<vmem>>) dst(%dma_wait3A_83 : memref<128x128xf32, #tpu.memory_space<vmem_shared>>)
      tpu.yield
    }) : () -> ()
    %add3A_2 = arith.constant 128 : i32
    %add3A_3 = arith.addi %mul3A_0, %add3A_2 : i32
    "tpu.region"() ({
      %run_scoped3A = tpu.sem_alloc : memref<!tpu.dma_semaphore, #tpu.memory_space<semaphore_mem>>
      %dma_start3A = arith.constant 0 : i32
      %dma_start3A_78 = tpu.memref_slice %arg12[%add3A_3, %dma_start3A] : memref<10240x128xf32, #tpu.memory_space<vmem_shared>> -> memref<128x128xf32, #tpu.memory_space<vmem_shared>>
      %dma_start3A_79 = arith.constant 0 : i32
      %dma_start3A_80 = tpu.memref_slice %arg12[%add3A_3, %dma_start3A_79] : memref<10240x128xf32, #tpu.memory_space<vmem_shared>> -> memref<128x128xf32, #tpu.memory_space<vmem_shared>>
      tpu.enqueue_dma source(%arg11 : memref<128x128xf32, #tpu.memory_space<vmem>>) target(%dma_start3A_80 : memref<128x128xf32, #tpu.memory_space<vmem_shared>>) target_semaphore(%run_scoped3A : memref<!tpu.dma_semaphore, #tpu.memory_space<semaphore_mem>>)
      %dma_wait3A = arith.constant 0 : i32
      %dma_wait3A_81 = tpu.memref_slice %arg12[%add3A_3, %dma_wait3A] : memref<10240x128xf32, #tpu.memory_space<vmem_shared>> -> memref<128x128xf32, #tpu.memory_space<vmem_shared>>
      %dma_wait3A_82 = arith.constant 0 : i32
      %dma_wait3A_83 = tpu.memref_slice %arg12[%add3A_3, %dma_wait3A_82] : memref<10240x128xf32, #tpu.memory_space<vmem_shared>> -> memref<128x128xf32, #tpu.memory_space<vmem_shared>>
      tpu.wait_dma2 semaphore(%run_scoped3A : memref<!tpu.dma_semaphore, #tpu.memory_space<semaphore_mem>>) src(%arg11 : memref<128x128xf32, #tpu.memory_space<vmem>>) dst(%dma_wait3A_83 : memref<128x128xf32, #tpu.memory_space<vmem_shared>>)
      tpu.yield
    }) : () -> ()
    %add3A_4 = arith.constant 256 : i32
    %add3A_5 = arith.addi %mul3A_0, %add3A_4 : i32
    "tpu.region"() ({
      %run_scoped3A = tpu.sem_alloc : memref<!tpu.dma_semaphore, #tpu.memory_space<semaphore_mem>>
      %dma_start3A = arith.constant 0 : i32
      %dma_start3A_78 = tpu.memref_slice %arg12[%add3A_5, %dma_start3A] : memref<10240x128xf32, #tpu.memory_space<vmem_shared>> -> memref<128x128xf32, #tpu.memory_space<vmem_shared>>
      %dma_start3A_79 = arith.constant 0 : i32
      %dma_start3A_80 = tpu.memref_slice %arg12[%add3A_5, %dma_start3A_79] : memref<10240x128xf32, #tpu.memory_space<vmem_shared>> -> memref<128x128xf32, #tpu.memory_space<vmem_shared>>
      tpu.enqueue_dma source(%arg11 : memref<128x128xf32, #tpu.memory_space<vmem>>) target(%dma_start3A_80 : memref<128x128xf32, #tpu.memory_space<vmem_shared>>) target_semaphore(%run_scoped3A : memref<!tpu.dma_semaphore, #tpu.memory_space<semaphore_mem>>)
      %dma_wait3A = arith.constant 0 : i32
      %dma_wait3A_81 = tpu.memref_slice %arg12[%add3A_5, %dma_wait3A] : memref<10240x128xf32, #tpu.memory_space<vmem_shared>> -> memref<128x128xf32, #tpu.memory_space<vmem_shared>>
      %dma_wait3A_82 = arith.constant 0 : i32
      %dma_wait3A_83 = tpu.memref_slice %arg12[%add3A_5, %dma_wait3A_82] : memref<10240x128xf32, #tpu.memory_space<vmem_shared>> -> memref<128x128xf32, #tpu.memory_space<vmem_shared>>
      tpu.wait_dma2 semaphore(%run_scoped3A : memref<!tpu.dma_semaphore, #tpu.memory_space<semaphore_mem>>) src(%arg11 : memref<128x128xf32, #tpu.memory_space<vmem>>) dst(%dma_wait3A_83 : memref<128x128xf32, #tpu.memory_space<vmem_shared>>)
      tpu.yield
    }) : () -> ()
    %add3A_6 = arith.constant 384 : i32
    %add3A_7 = arith.addi %mul3A_0, %add3A_6 : i32
    "tpu.region"() ({
      %run_scoped3A = tpu.sem_alloc : memref<!tpu.dma_semaphore, #tpu.memory_space<semaphore_mem>>
      %dma_start3A = arith.constant 0 : i32
      %dma_start3A_78 = tpu.memref_slice %arg12[%add3A_7, %dma_start3A] : memref<10240x128xf32, #tpu.memory_space<vmem_shared>> -> memref<128x128xf32, #tpu.memory_space<vmem_shared>>
      %dma_start3A_79 = arith.constant 0 : i32
      %dma_start3A_80 = tpu.memref_slice %arg12[%add3A_7, %dma_start3A_79] : memref<10240x128xf32, #tpu.memory_space<vmem_shared>> -> memref<128x128xf32, #tpu.memory_space<vmem_shared>>
      tpu.enqueue_dma source(%arg11 : memref<128x128xf32, #tpu.memory_space<vmem>>) target(%dma_start3A_80 : memref<128x128xf32, #tpu.memory_space<vmem_shared>>) target_semaphore(%run_scoped3A : memref<!tpu.dma_semaphore, #tpu.memory_space<semaphore_mem>>)
      %dma_wait3A = arith.constant 0 : i32
      %dma_wait3A_81 = tpu.memref_slice %arg12[%add3A_7, %dma_wait3A] : memref<10240x128xf32, #tpu.memory_space<vmem_shared>> -> memref<128x128xf32, #tpu.memory_space<vmem_shared>>
      %dma_wait3A_82 = arith.constant 0 : i32
      %dma_wait3A_83 = tpu.memref_slice %arg12[%add3A_7, %dma_wait3A_82] : memref<10240x128xf32, #tpu.memory_space<vmem_shared>> -> memref<128x128xf32, #tpu.memory_space<vmem_shared>>
      tpu.wait_dma2 semaphore(%run_scoped3A : memref<!tpu.dma_semaphore, #tpu.memory_space<semaphore_mem>>) src(%arg11 : memref<128x128xf32, #tpu.memory_space<vmem>>) dst(%dma_wait3A_83 : memref<128x128xf32, #tpu.memory_space<vmem_shared>>)
      tpu.yield
    }) : () -> ()
    %add3A_8 = arith.constant 512 : i32
    %add3A_9 = arith.addi %mul3A_0, %add3A_8 : i32
    "tpu.region"() ({
      %run_scoped3A = tpu.sem_alloc : memref<!tpu.dma_semaphore, #tpu.memory_space<semaphore_mem>>
      %dma_start3A = arith.constant 0 : i32
      %dma_start3A_78 = tpu.memref_slice %arg12[%add3A_9, %dma_start3A] : memref<10240x128xf32, #tpu.memory_space<vmem_shared>> -> memref<128x128xf32, #tpu.memory_space<vmem_shared>>
      %dma_start3A_79 = arith.constant 0 : i32
      %dma_start3A_80 = tpu.memref_slice %arg12[%add3A_9, %dma_start3A_79] : memref<10240x128xf32, #tpu.memory_space<vmem_shared>> -> memref<128x128xf32, #tpu.memory_space<vmem_shared>>
      tpu.enqueue_dma source(%arg11 : memref<128x128xf32, #tpu.memory_space<vmem>>) target(%dma_start3A_80 : memref<128x128xf32, #tpu.memory_space<vmem_shared>>) target_semaphore(%run_scoped3A : memref<!tpu.dma_semaphore, #tpu.memory_space<semaphore_mem>>)
      %dma_wait3A = arith.constant 0 : i32
      %dma_wait3A_81 = tpu.memref_slice %arg12[%add3A_9, %dma_wait3A] : memref<10240x128xf32, #tpu.memory_space<vmem_shared>> -> memref<128x128xf32, #tpu.memory_space<vmem_shared>>
      %dma_wait3A_82 = arith.constant 0 : i32
      %dma_wait3A_83 = tpu.memref_slice %arg12[%add3A_9, %dma_wait3A_82] : memref<10240x128xf32, #tpu.memory_space<vmem_shared>> -> memref<128x128xf32, #tpu.memory_space<vmem_shared>>
      tpu.wait_dma2 semaphore(%run_scoped3A : memref<!tpu.dma_semaphore, #tpu.memory_space<semaphore_mem>>) src(%arg11 : memref<128x128xf32, #tpu.memory_space<vmem>>) dst(%dma_wait3A_83 : memref<128x128xf32, #tpu.memory_space<vmem_shared>>)
      tpu.yield
    }) : () -> ()
    "tpu.region"() ({
      %run_scoped3A = tpu.sem_alloc : memref<!tpu.dma_semaphore, #tpu.memory_space<semaphore_mem>>
      %dma_start3A = arith.constant 0 : i32
      %dma_start3A_78 = arith.constant 0 : i32
      %dma_start3A_79 = tpu.memref_slice %arg4[%arg1, %dma_start3A, %dma_start3A_78] : memref<16x80x128xi32, #tpu.memory_space<hbm>> -> memref<1x80x128xi32, #tpu.memory_space<hbm>>
      %dma_start3A_80 = tpu.memref_squeeze %dma_start3A_79 : memref<1x80x128xi32, #tpu.memory_space<hbm>> -> memref<80x128xi32, #tpu.memory_space<hbm>>
      %dma_start3A_81 = arith.constant 0 : i32
      %dma_start3A_82 = arith.constant 0 : i32
      %dma_start3A_83 = tpu.memref_slice %arg4[%arg1, %dma_start3A_81, %dma_start3A_82] : memref<16x80x128xi32, #tpu.memory_space<hbm>> -> memref<1x80x128xi32, #tpu.memory_space<hbm>>
      %dma_start3A_84 = tpu.memref_squeeze %dma_start3A_83 : memref<1x80x128xi32, #tpu.memory_space<hbm>> -> memref<80x128xi32, #tpu.memory_space<hbm>>
      tpu.enqueue_dma source(%dma_start3A_84 : memref<80x128xi32, #tpu.memory_space<hbm>>) target(%arg9 : memref<80x128xi32, #tpu.memory_space<vmem>>) target_semaphore(%run_scoped3A : memref<!tpu.dma_semaphore, #tpu.memory_space<semaphore_mem>>)
      %dma_wait3A = arith.constant 0 : i32
      %dma_wait3A_85 = arith.constant 0 : i32
      %dma_wait3A_86 = tpu.memref_slice %arg4[%arg1, %dma_wait3A, %dma_wait3A_85] : memref<16x80x128xi32, #tpu.memory_space<hbm>> -> memref<1x80x128xi32, #tpu.memory_space<hbm>>
      %dma_wait3A_87 = tpu.memref_squeeze %dma_wait3A_86 : memref<1x80x128xi32, #tpu.memory_space<hbm>> -> memref<80x128xi32, #tpu.memory_space<hbm>>
      %dma_wait3A_88 = arith.constant 0 : i32
      %dma_wait3A_89 = arith.constant 0 : i32
      %dma_wait3A_90 = tpu.memref_slice %arg4[%arg1, %dma_wait3A_88, %dma_wait3A_89] : memref<16x80x128xi32, #tpu.memory_space<hbm>> -> memref<1x80x128xi32, #tpu.memory_space<hbm>>
      %dma_wait3A_91 = tpu.memref_squeeze %dma_wait3A_90 : memref<1x80x128xi32, #tpu.memory_space<hbm>> -> memref<80x128xi32, #tpu.memory_space<hbm>>
      tpu.wait_dma2 semaphore(%run_scoped3A : memref<!tpu.dma_semaphore, #tpu.memory_space<semaphore_mem>>) src(%dma_wait3A_91 : memref<80x128xi32, #tpu.memory_space<hbm>>) dst(%arg9 : memref<80x128xi32, #tpu.memory_space<vmem>>)
      tpu.yield
    }) : () -> ()
    "tpu.region"() ({
      %run_scoped3A = tpu.sem_alloc : memref<!tpu.dma_semaphore, #tpu.memory_space<semaphore_mem>>
      %dma_start3A = arith.constant 0 : i32
      %dma_start3A_78 = arith.constant 0 : i32
      %dma_start3A_79 = tpu.memref_slice %arg5[%arg1, %dma_start3A, %dma_start3A_78] : memref<16x80x128xi32, #tpu.memory_space<hbm>> -> memref<1x80x128xi32, #tpu.memory_space<hbm>>
      %dma_start3A_80 = tpu.memref_squeeze %dma_start3A_79 : memref<1x80x128xi32, #tpu.memory_space<hbm>> -> memref<80x128xi32, #tpu.memory_space<hbm>>
      %dma_start3A_81 = arith.constant 0 : i32
      %dma_start3A_82 = arith.constant 0 : i32
      %dma_start3A_83 = tpu.memref_slice %arg5[%arg1, %dma_start3A_81, %dma_start3A_82] : memref<16x80x128xi32, #tpu.memory_space<hbm>> -> memref<1x80x128xi32, #tpu.memory_space<hbm>>
      %dma_start3A_84 = tpu.memref_squeeze %dma_start3A_83 : memref<1x80x128xi32, #tpu.memory_space<hbm>> -> memref<80x128xi32, #tpu.memory_space<hbm>>
      tpu.enqueue_dma source(%dma_start3A_84 : memref<80x128xi32, #tpu.memory_space<hbm>>) target(%arg10 : memref<80x128xi32, #tpu.memory_space<vmem>>) target_semaphore(%run_scoped3A : memref<!tpu.dma_semaphore, #tpu.memory_space<semaphore_mem>>)
      %dma_wait3A = arith.constant 0 : i32
      %dma_wait3A_85 = arith.constant 0 : i32
      %dma_wait3A_86 = tpu.memref_slice %arg5[%arg1, %dma_wait3A, %dma_wait3A_85] : memref<16x80x128xi32, #tpu.memory_space<hbm>> -> memref<1x80x128xi32, #tpu.memory_space<hbm>>
      %dma_wait3A_87 = tpu.memref_squeeze %dma_wait3A_86 : memref<1x80x128xi32, #tpu.memory_space<hbm>> -> memref<80x128xi32, #tpu.memory_space<hbm>>
      %dma_wait3A_88 = arith.constant 0 : i32
      %dma_wait3A_89 = arith.constant 0 : i32
      %dma_wait3A_90 = tpu.memref_slice %arg5[%arg1, %dma_wait3A_88, %dma_wait3A_89] : memref<16x80x128xi32, #tpu.memory_space<hbm>> -> memref<1x80x128xi32, #tpu.memory_space<hbm>>
      %dma_wait3A_91 = tpu.memref_squeeze %dma_wait3A_90 : memref<1x80x128xi32, #tpu.memory_space<hbm>> -> memref<80x128xi32, #tpu.memory_space<hbm>>
      tpu.wait_dma2 semaphore(%run_scoped3A : memref<!tpu.dma_semaphore, #tpu.memory_space<semaphore_mem>>) src(%dma_wait3A_91 : memref<80x128xi32, #tpu.memory_space<hbm>>) dst(%arg10 : memref<80x128xi32, #tpu.memory_space<vmem>>)
      tpu.yield
    }) : () -> ()
    %barrier3A = arith.constant 0 : index
    tpu.barrier barrier_id(%barrier3A)
    %eq3A = arith.constant 0 : i32
    %eq3A_10 = arith.cmpi eq, %arg0, %eq3A : i32
    %convert_element_type3A = arith.extui %eq3A_10 : i1 to i32
    %cond3A = arith.constant 0 : i32
    %cond3A_11 = arith.cmpi ne, %convert_element_type3A, %cond3A : i32
    scf.if %cond3A_11 {
      %scan3A = arith.constant 0 : i32
      %scan3A_78 = arith.constant 0 : i32
      %scan3A_79 = arith.constant 80 : i32
      %scan3A_80 = arith.addi %scan3A_78, %scan3A_79 : i32
      %scan3A_81 = arith.constant 1 : i32
      scf.for %scan3A_83 = %scan3A_78 to %scan3A_80 step %scan3A_81  : i32 {
        "tpu.region"() ({
          %run_scoped3A = tpu.sem_alloc : memref<!tpu.dma_semaphore, #tpu.memory_space<semaphore_mem>>
          %dma_start3A = arith.constant 0 : i32
          %dma_start3A_84 = tpu.memref_slice %arg9[%scan3A_83, %dma_start3A] : memref<80x128xi32, #tpu.memory_space<vmem>> -> memref<1x128xi32, #tpu.memory_space<vmem>>
          %dma_start3A_85 = tpu.memref_squeeze %dma_start3A_84 : memref<1x128xi32, #tpu.memory_space<vmem>> -> memref<128xi32, #tpu.memory_space<vmem>>
          %dma_start3A_86 = arith.constant 0 : i32
          %dma_start3A_87 = arith.constant 0 : i32
          %dma_start3A_88 = tpu.memref_slice %arg2[%dma_start3A_86, %dma_start3A_87] : memref<10240x128xf32, #tpu.memory_space<hbm>> -> memref<10240x128xf32, #tpu.memory_space<hbm>>
          tpu.enqueue_indirect_dma source(%dma_start3A_88 : memref<10240x128xf32, #tpu.memory_space<hbm>>) target(%arg11 : memref<128x128xf32, #tpu.memory_space<vmem>>) offsets(%dma_start3A_85 : memref<128xi32, #tpu.memory_space<vmem>>) semaphore(%run_scoped3A : memref<!tpu.dma_semaphore, #tpu.memory_space<semaphore_mem>>)
          %dma_wait3A = arith.constant 0 : i32
          %dma_wait3A_89 = tpu.memref_slice %arg9[%scan3A_83, %dma_wait3A] : memref<80x128xi32, #tpu.memory_space<vmem>> -> memref<1x128xi32, #tpu.memory_space<vmem>>
          %dma_wait3A_90 = tpu.memref_squeeze %dma_wait3A_89 : memref<1x128xi32, #tpu.memory_space<vmem>> -> memref<128xi32, #tpu.memory_space<vmem>>
          %dma_wait3A_91 = arith.constant 0 : i32
          %dma_wait3A_92 = arith.constant 0 : i32
          %dma_wait3A_93 = tpu.memref_slice %arg2[%dma_wait3A_91, %dma_wait3A_92] : memref<10240x128xf32, #tpu.memory_space<hbm>> -> memref<10240x128xf32, #tpu.memory_space<hbm>>
          tpu.wait_indirect_dma semaphore(%run_scoped3A : memref<!tpu.dma_semaphore, #tpu.memory_space<semaphore_mem>>) src(%dma_wait3A_93 : memref<10240x128xf32, #tpu.memory_space<hbm>>) dst(%arg11 : memref<128x128xf32, #tpu.memory_space<vmem>>)
          tpu.yield
        }) : () -> ()
        "tpu.region"() ({
          %run_scoped3A = tpu.sem_alloc : memref<!tpu.dma_semaphore, #tpu.memory_space<semaphore_mem>>
          %dma_start3A = arith.constant 0 : i32
          %dma_start3A_84 = tpu.memref_slice %arg10[%scan3A_83, %dma_start3A] : memref<80x128xi32, #tpu.memory_space<vmem>> -> memref<1x128xi32, #tpu.memory_space<vmem>>
          %dma_start3A_85 = tpu.memref_squeeze %dma_start3A_84 : memref<1x128xi32, #tpu.memory_space<vmem>> -> memref<128xi32, #tpu.memory_space<vmem>>
          %dma_start3A_86 = arith.constant 0 : i32
          %dma_start3A_87 = arith.constant 0 : i32
          %dma_start3A_88 = tpu.memref_slice %arg12[%dma_start3A_86, %dma_start3A_87] : memref<10240x128xf32, #tpu.memory_space<vmem_shared>> -> memref<10240x128xf32, #tpu.memory_space<vmem_shared>>
          tpu.enqueue_indirect_dma source(%arg11 : memref<128x128xf32, #tpu.memory_space<vmem>>) target(%dma_start3A_88 : memref<10240x128xf32, #tpu.memory_space<vmem_shared>>) offsets(%dma_start3A_85 : memref<128xi32, #tpu.memory_space<vmem>>) semaphore(%run_scoped3A : memref<!tpu.dma_semaphore, #tpu.memory_space<semaphore_mem>>) {add = true}
          %dma_wait3A = arith.constant 0 : i32
          %dma_wait3A_89 = tpu.memref_slice %arg10[%scan3A_83, %dma_wait3A] : memref<80x128xi32, #tpu.memory_space<vmem>> -> memref<1x128xi32, #tpu.memory_space<vmem>>
          %dma_wait3A_90 = tpu.memref_squeeze %dma_wait3A_89 : memref<1x128xi32, #tpu.memory_space<vmem>> -> memref<128xi32, #tpu.memory_space<vmem>>
          %dma_wait3A_91 = arith.constant 0 : i32
          %dma_wait3A_92 = arith.constant 0 : i32
          %dma_wait3A_93 = tpu.memref_slice %arg12[%dma_wait3A_91, %dma_wait3A_92] : memref<10240x128xf32, #tpu.memory_space<vmem_shared>> -> memref<10240x128xf32, #tpu.memory_space<vmem_shared>>
          tpu.wait_indirect_dma semaphore(%run_scoped3A : memref<!tpu.dma_semaphore, #tpu.memory_space<semaphore_mem>>) src(%arg11 : memref<128x128xf32, #tpu.memory_space<vmem>>) dst(%dma_wait3A_93 : memref<10240x128xf32, #tpu.memory_space<vmem_shared>>)
          tpu.yield
        }) : () -> ()
      }
      %scan3A_82 = arith.constant 80 : i32
    } else {
    }
    %eq3A_12 = arith.constant 1 : i32
    %eq3A_13 = arith.cmpi eq, %arg0, %eq3A_12 : i32
    %convert_element_type3A_14 = arith.extui %eq3A_13 : i1 to i32
    %cond3A_15 = arith.constant 0 : i32
    %cond3A_16 = arith.cmpi ne, %convert_element_type3A_14, %cond3A_15 : i32
    scf.if %cond3A_16 {
      %scan3A = arith.constant 0 : i32
      %scan3A_78 = arith.constant 0 : i32
      %scan3A_79 = arith.constant 80 : i32
      %scan3A_80 = arith.addi %scan3A_78, %scan3A_79 : i32
      %scan3A_81 = arith.constant 1 : i32
      scf.for %scan3A_83 = %scan3A_78 to %scan3A_80 step %scan3A_81  : i32 {
        "tpu.region"() ({
          %run_scoped3A = tpu.sem_alloc : memref<!tpu.dma_semaphore, #tpu.memory_space<semaphore_mem>>
          %dma_start3A = arith.constant 0 : i32
          %dma_start3A_84 = tpu.memref_slice %arg9[%scan3A_83, %dma_start3A] : memref<80x128xi32, #tpu.memory_space<vmem>> -> memref<1x128xi32, #tpu.memory_space<vmem>>
          %dma_start3A_85 = tpu.memref_squeeze %dma_start3A_84 : memref<1x128xi32, #tpu.memory_space<vmem>> -> memref<128xi32, #tpu.memory_space<vmem>>
          %dma_start3A_86 = arith.constant 0 : i32
          %dma_start3A_87 = arith.constant 0 : i32
          %dma_start3A_88 = tpu.memref_slice %arg3[%dma_start3A_86, %dma_start3A_87] : memref<10240x128xf32, #tpu.memory_space<hbm>> -> memref<10240x128xf32, #tpu.memory_space<hbm>>
          tpu.enqueue_indirect_dma source(%dma_start3A_88 : memref<10240x128xf32, #tpu.memory_space<hbm>>) target(%arg11 : memref<128x128xf32, #tpu.memory_space<vmem>>) offsets(%dma_start3A_85 : memref<128xi32, #tpu.memory_space<vmem>>) semaphore(%run_scoped3A : memref<!tpu.dma_semaphore, #tpu.memory_space<semaphore_mem>>)
          %dma_wait3A = arith.constant 0 : i32
          %dma_wait3A_89 = tpu.memref_slice %arg9[%scan3A_83, %dma_wait3A] : memref<80x128xi32, #tpu.memory_space<vmem>> -> memref<1x128xi32, #tpu.memory_space<vmem>>
          %dma_wait3A_90 = tpu.memref_squeeze %dma_wait3A_89 : memref<1x128xi32, #tpu.memory_space<vmem>> -> memref<128xi32, #tpu.memory_space<vmem>>
          %dma_wait3A_91 = arith.constant 0 : i32
          %dma_wait3A_92 = arith.constant 0 : i32
          %dma_wait3A_93 = tpu.memref_slice %arg3[%dma_wait3A_91, %dma_wait3A_92] : memref<10240x128xf32, #tpu.memory_space<hbm>> -> memref<10240x128xf32, #tpu.memory_space<hbm>>
          tpu.wait_indirect_dma semaphore(%run_scoped3A : memref<!tpu.dma_semaphore, #tpu.memory_space<semaphore_mem>>) src(%dma_wait3A_93 : memref<10240x128xf32, #tpu.memory_space<hbm>>) dst(%arg11 : memref<128x128xf32, #tpu.memory_space<vmem>>)
          tpu.yield
        }) : () -> ()
        "tpu.region"() ({
          %run_scoped3A = tpu.sem_alloc : memref<!tpu.dma_semaphore, #tpu.memory_space<semaphore_mem>>
          %dma_start3A = arith.constant 0 : i32
          %dma_start3A_84 = tpu.memref_slice %arg10[%scan3A_83, %dma_start3A] : memref<80x128xi32, #tpu.memory_space<vmem>> -> memref<1x128xi32, #tpu.memory_space<vmem>>
          %dma_start3A_85 = tpu.memref_squeeze %dma_start3A_84 : memref<1x128xi32, #tpu.memory_space<vmem>> -> memref<128xi32, #tpu.memory_space<vmem>>
          %dma_start3A_86 = arith.constant 0 : i32
          %dma_start3A_87 = arith.constant 0 : i32
          %dma_start3A_88 = tpu.memref_slice %arg12[%dma_start3A_86, %dma_start3A_87] : memref<10240x128xf32, #tpu.memory_space<vmem_shared>> -> memref<10240x128xf32, #tpu.memory_space<vmem_shared>>
          tpu.enqueue_indirect_dma source(%arg11 : memref<128x128xf32, #tpu.memory_space<vmem>>) target(%dma_start3A_88 : memref<10240x128xf32, #tpu.memory_space<vmem_shared>>) offsets(%dma_start3A_85 : memref<128xi32, #tpu.memory_space<vmem>>) semaphore(%run_scoped3A : memref<!tpu.dma_semaphore, #tpu.memory_space<semaphore_mem>>) {add = true}
          %dma_wait3A = arith.constant 0 : i32
          %dma_wait3A_89 = tpu.memref_slice %arg10[%scan3A_83, %dma_wait3A] : memref<80x128xi32, #tpu.memory_space<vmem>> -> memref<1x128xi32, #tpu.memory_space<vmem>>
          %dma_wait3A_90 = tpu.memref_squeeze %dma_wait3A_89 : memref<1x128xi32, #tpu.memory_space<vmem>> -> memref<128xi32, #tpu.memory_space<vmem>>
          %dma_wait3A_91 = arith.constant 0 : i32
          %dma_wait3A_92 = arith.constant 0 : i32
          %dma_wait3A_93 = tpu.memref_slice %arg12[%dma_wait3A_91, %dma_wait3A_92] : memref<10240x128xf32, #tpu.memory_space<vmem_shared>> -> memref<10240x128xf32, #tpu.memory_space<vmem_shared>>
          tpu.wait_indirect_dma semaphore(%run_scoped3A : memref<!tpu.dma_semaphore, #tpu.memory_space<semaphore_mem>>) src(%arg11 : memref<128x128xf32, #tpu.memory_space<vmem>>) dst(%dma_wait3A_93 : memref<10240x128xf32, #tpu.memory_space<vmem_shared>>)
          tpu.yield
        }) : () -> ()
      }
      %scan3A_82 = arith.constant 80 : i32
    } else {
    }
    %barrier3A_17 = arith.constant 0 : index
    tpu.barrier barrier_id(%barrier3A_17)
    %add3A_18 = arith.constant 0 : i32
    %add3A_19 = arith.addi %mul3A_0, %add3A_18 : i32
    "tpu.region"() ({
      %run_scoped3A = tpu.sem_alloc : memref<!tpu.dma_semaphore, #tpu.memory_space<semaphore_mem>>
      %dma_start3A = arith.constant 0 : i32
      %dma_start3A_78 = tpu.memref_slice %arg12[%add3A_19, %dma_start3A] : memref<10240x128xf32, #tpu.memory_space<vmem_shared>> -> memref<128x128xf32, #tpu.memory_space<vmem_shared>>
      %dma_start3A_79 = arith.constant 0 : i32
      %dma_start3A_80 = tpu.memref_slice %arg12[%add3A_19, %dma_start3A_79] : memref<10240x128xf32, #tpu.memory_space<vmem_shared>> -> memref<128x128xf32, #tpu.memory_space<vmem_shared>>
      tpu.enqueue_dma source(%dma_start3A_80 : memref<128x128xf32, #tpu.memory_space<vmem_shared>>) target(%arg11 : memref<128x128xf32, #tpu.memory_space<vmem>>) target_semaphore(%run_scoped3A : memref<!tpu.dma_semaphore, #tpu.memory_space<semaphore_mem>>)
      %dma_wait3A = arith.constant 0 : i32
      %dma_wait3A_81 = tpu.memref_slice %arg12[%add3A_19, %dma_wait3A] : memref<10240x128xf32, #tpu.memory_space<vmem_shared>> -> memref<128x128xf32, #tpu.memory_space<vmem_shared>>
      %dma_wait3A_82 = arith.constant 0 : i32
      %dma_wait3A_83 = tpu.memref_slice %arg12[%add3A_19, %dma_wait3A_82] : memref<10240x128xf32, #tpu.memory_space<vmem_shared>> -> memref<128x128xf32, #tpu.memory_space<vmem_shared>>
      tpu.wait_dma2 semaphore(%run_scoped3A : memref<!tpu.dma_semaphore, #tpu.memory_space<semaphore_mem>>) src(%dma_wait3A_83 : memref<128x128xf32, #tpu.memory_space<vmem_shared>>) dst(%arg11 : memref<128x128xf32, #tpu.memory_space<vmem>>)
      tpu.yield
    }) : () -> ()
    %eq3A_20 = arith.constant 0 : i32
    %eq3A_21 = arith.cmpi eq, %arg0, %eq3A_20 : i32
    %convert_element_type3A_22 = arith.extui %eq3A_21 : i1 to i32
    %cond3A_23 = arith.constant 0 : i32
    %cond3A_24 = arith.cmpi ne, %convert_element_type3A_22, %cond3A_23 : i32
    scf.if %cond3A_24 {
      "tpu.region"() ({
        %run_scoped3A = tpu.sem_alloc : memref<!tpu.dma_semaphore, #tpu.memory_space<semaphore_mem>>
        %dma_start3A = arith.constant 0 : i32
        %dma_start3A_78 = tpu.memref_slice %arg7[%add3A_19, %dma_start3A] : memref<10240x128xf32, #tpu.memory_space<hbm>> -> memref<128x128xf32, #tpu.memory_space<hbm>>
        %dma_start3A_79 = arith.constant 0 : i32
        %dma_start3A_80 = tpu.memref_slice %arg7[%add3A_19, %dma_start3A_79] : memref<10240x128xf32, #tpu.memory_space<hbm>> -> memref<128x128xf32, #tpu.memory_space<hbm>>
        tpu.enqueue_dma source(%arg11 : memref<128x128xf32, #tpu.memory_space<vmem>>) target(%dma_start3A_80 : memref<128x128xf32, #tpu.memory_space<hbm>>) target_semaphore(%run_scoped3A : memref<!tpu.dma_semaphore, #tpu.memory_space<semaphore_mem>>)
        %dma_wait3A = arith.constant 0 : i32
        %dma_wait3A_81 = tpu.memref_slice %arg7[%add3A_19, %dma_wait3A] : memref<10240x128xf32, #tpu.memory_space<hbm>> -> memref<128x128xf32, #tpu.memory_space<hbm>>
        %dma_wait3A_82 = arith.constant 0 : i32
        %dma_wait3A_83 = tpu.memref_slice %arg7[%add3A_19, %dma_wait3A_82] : memref<10240x128xf32, #tpu.memory_space<hbm>> -> memref<128x128xf32, #tpu.memory_space<hbm>>
        tpu.wait_dma2 semaphore(%run_scoped3A : memref<!tpu.dma_semaphore, #tpu.memory_space<semaphore_mem>>) src(%arg11 : memref<128x128xf32, #tpu.memory_space<vmem>>) dst(%dma_wait3A_83 : memref<128x128xf32, #tpu.memory_space<hbm>>)
        tpu.yield
      }) : () -> ()
    } else {
    }
    %eq3A_25 = arith.constant 1 : i32
    %eq3A_26 = arith.cmpi eq, %arg0, %eq3A_25 : i32
    %convert_element_type3A_27 = arith.extui %eq3A_26 : i1 to i32
    %cond3A_28 = arith.constant 0 : i32
    %cond3A_29 = arith.cmpi ne, %convert_element_type3A_27, %cond3A_28 : i32
    scf.if %cond3A_29 {
      "tpu.region"() ({
        %run_scoped3A = tpu.sem_alloc : memref<!tpu.dma_semaphore, #tpu.memory_space<semaphore_mem>>
        %dma_start3A = arith.constant 0 : i32
        %dma_start3A_78 = tpu.memref_slice %arg8[%add3A_19, %dma_start3A] : memref<10240x128xf32, #tpu.memory_space<hbm>> -> memref<128x128xf32, #tpu.memory_space<hbm>>
        %dma_start3A_79 = arith.constant 0 : i32
        %dma_start3A_80 = tpu.memref_slice %arg8[%add3A_19, %dma_start3A_79] : memref<10240x128xf32, #tpu.memory_space<hbm>> -> memref<128x128xf32, #tpu.memory_space<hbm>>
        tpu.enqueue_dma source(%arg11 : memref<128x128xf32, #tpu.memory_space<vmem>>) target(%dma_start3A_80 : memref<128x128xf32, #tpu.memory_space<hbm>>) target_semaphore(%run_scoped3A : memref<!tpu.dma_semaphore, #tpu.memory_space<semaphore_mem>>)
        %dma_wait3A = arith.constant 0 : i32
        %dma_wait3A_81 = tpu.memref_slice %arg8[%add3A_19, %dma_wait3A] : memref<10240x128xf32, #tpu.memory_space<hbm>> -> memref<128x128xf32, #tpu.memory_space<hbm>>
        %dma_wait3A_82 = arith.constant 0 : i32
        %dma_wait3A_83 = tpu.memref_slice %arg8[%add3A_19, %dma_wait3A_82] : memref<10240x128xf32, #tpu.memory_space<hbm>> -> memref<128x128xf32, #tpu.memory_space<hbm>>
        tpu.wait_dma2 semaphore(%run_scoped3A : memref<!tpu.dma_semaphore, #tpu.memory_space<semaphore_mem>>) src(%arg11 : memref<128x128xf32, #tpu.memory_space<vmem>>) dst(%dma_wait3A_83 : memref<128x128xf32, #tpu.memory_space<hbm>>)
        tpu.yield
      }) : () -> ()
    } else {
    }
    %add3A_30 = arith.constant 128 : i32
    %add3A_31 = arith.addi %mul3A_0, %add3A_30 : i32
    "tpu.region"() ({
      %run_scoped3A = tpu.sem_alloc : memref<!tpu.dma_semaphore, #tpu.memory_space<semaphore_mem>>
      %dma_start3A = arith.constant 0 : i32
      %dma_start3A_78 = tpu.memref_slice %arg12[%add3A_31, %dma_start3A] : memref<10240x128xf32, #tpu.memory_space<vmem_shared>> -> memref<128x128xf32, #tpu.memory_space<vmem_shared>>
      %dma_start3A_79 = arith.constant 0 : i32
      %dma_start3A_80 = tpu.memref_slice %arg12[%add3A_31, %dma_start3A_79] : memref<10240x128xf32, #tpu.memory_space<vmem_shared>> -> memref<128x128xf32, #tpu.memory_space<vmem_shared>>
      tpu.enqueue_dma source(%dma_start3A_80 : memref<128x128xf32, #tpu.memory_space<vmem_shared>>) target(%arg11 : memref<128x128xf32, #tpu.memory_space<vmem>>) target_semaphore(%run_scoped3A : memref<!tpu.dma_semaphore, #tpu.memory_space<semaphore_mem>>)
      %dma_wait3A = arith.constant 0 : i32
      %dma_wait3A_81 = tpu.memref_slice %arg12[%add3A_31, %dma_wait3A] : memref<10240x128xf32, #tpu.memory_space<vmem_shared>> -> memref<128x128xf32, #tpu.memory_space<vmem_shared>>
      %dma_wait3A_82 = arith.constant 0 : i32
      %dma_wait3A_83 = tpu.memref_slice %arg12[%add3A_31, %dma_wait3A_82] : memref<10240x128xf32, #tpu.memory_space<vmem_shared>> -> memref<128x128xf32, #tpu.memory_space<vmem_shared>>
      tpu.wait_dma2 semaphore(%run_scoped3A : memref<!tpu.dma_semaphore, #tpu.memory_space<semaphore_mem>>) src(%dma_wait3A_83 : memref<128x128xf32, #tpu.memory_space<vmem_shared>>) dst(%arg11 : memref<128x128xf32, #tpu.memory_space<vmem>>)
      tpu.yield
    }) : () -> ()
    %eq3A_32 = arith.constant 0 : i32
    %eq3A_33 = arith.cmpi eq, %arg0, %eq3A_32 : i32
    %convert_element_type3A_34 = arith.extui %eq3A_33 : i1 to i32
    %cond3A_35 = arith.constant 0 : i32
    %cond3A_36 = arith.cmpi ne, %convert_element_type3A_34, %cond3A_35 : i32
    scf.if %cond3A_36 {
      "tpu.region"() ({
        %run_scoped3A = tpu.sem_alloc : memref<!tpu.dma_semaphore, #tpu.memory_space<semaphore_mem>>
        %dma_start3A = arith.constant 0 : i32
        %dma_start3A_78 = tpu.memref_slice %arg7[%add3A_31, %dma_start3A] : memref<10240x128xf32, #tpu.memory_space<hbm>> -> memref<128x128xf32, #tpu.memory_space<hbm>>
        %dma_start3A_79 = arith.constant 0 : i32
        %dma_start3A_80 = tpu.memref_slice %arg7[%add3A_31, %dma_start3A_79] : memref<10240x128xf32, #tpu.memory_space<hbm>> -> memref<128x128xf32, #tpu.memory_space<hbm>>
        tpu.enqueue_dma source(%arg11 : memref<128x128xf32, #tpu.memory_space<vmem>>) target(%dma_start3A_80 : memref<128x128xf32, #tpu.memory_space<hbm>>) target_semaphore(%run_scoped3A : memref<!tpu.dma_semaphore, #tpu.memory_space<semaphore_mem>>)
        %dma_wait3A = arith.constant 0 : i32
        %dma_wait3A_81 = tpu.memref_slice %arg7[%add3A_31, %dma_wait3A] : memref<10240x128xf32, #tpu.memory_space<hbm>> -> memref<128x128xf32, #tpu.memory_space<hbm>>
        %dma_wait3A_82 = arith.constant 0 : i32
        %dma_wait3A_83 = tpu.memref_slice %arg7[%add3A_31, %dma_wait3A_82] : memref<10240x128xf32, #tpu.memory_space<hbm>> -> memref<128x128xf32, #tpu.memory_space<hbm>>
        tpu.wait_dma2 semaphore(%run_scoped3A : memref<!tpu.dma_semaphore, #tpu.memory_space<semaphore_mem>>) src(%arg11 : memref<128x128xf32, #tpu.memory_space<vmem>>) dst(%dma_wait3A_83 : memref<128x128xf32, #tpu.memory_space<hbm>>)
        tpu.yield
      }) : () -> ()
    } else {
    }
    %eq3A_37 = arith.constant 1 : i32
    %eq3A_38 = arith.cmpi eq, %arg0, %eq3A_37 : i32
    %convert_element_type3A_39 = arith.extui %eq3A_38 : i1 to i32
    %cond3A_40 = arith.constant 0 : i32
    %cond3A_41 = arith.cmpi ne, %convert_element_type3A_39, %cond3A_40 : i32
    scf.if %cond3A_41 {
      "tpu.region"() ({
        %run_scoped3A = tpu.sem_alloc : memref<!tpu.dma_semaphore, #tpu.memory_space<semaphore_mem>>
        %dma_start3A = arith.constant 0 : i32
        %dma_start3A_78 = tpu.memref_slice %arg8[%add3A_31, %dma_start3A] : memref<10240x128xf32, #tpu.memory_space<hbm>> -> memref<128x128xf32, #tpu.memory_space<hbm>>
        %dma_start3A_79 = arith.constant 0 : i32
        %dma_start3A_80 = tpu.memref_slice %arg8[%add3A_31, %dma_start3A_79] : memref<10240x128xf32, #tpu.memory_space<hbm>> -> memref<128x128xf32, #tpu.memory_space<hbm>>
        tpu.enqueue_dma source(%arg11 : memref<128x128xf32, #tpu.memory_space<vmem>>) target(%dma_start3A_80 : memref<128x128xf32, #tpu.memory_space<hbm>>) target_semaphore(%run_scoped3A : memref<!tpu.dma_semaphore, #tpu.memory_space<semaphore_mem>>)
        %dma_wait3A = arith.constant 0 : i32
        %dma_wait3A_81 = tpu.memref_slice %arg8[%add3A_31, %dma_wait3A] : memref<10240x128xf32, #tpu.memory_space<hbm>> -> memref<128x128xf32, #tpu.memory_space<hbm>>
        %dma_wait3A_82 = arith.constant 0 : i32
        %dma_wait3A_83 = tpu.memref_slice %arg8[%add3A_31, %dma_wait3A_82] : memref<10240x128xf32, #tpu.memory_space<hbm>> -> memref<128x128xf32, #tpu.memory_space<hbm>>
        tpu.wait_dma2 semaphore(%run_scoped3A : memref<!tpu.dma_semaphore, #tpu.memory_space<semaphore_mem>>) src(%arg11 : memref<128x128xf32, #tpu.memory_space<vmem>>) dst(%dma_wait3A_83 : memref<128x128xf32, #tpu.memory_space<hbm>>)
        tpu.yield
      }) : () -> ()
    } else {
    }
    %add3A_42 = arith.constant 256 : i32
    %add3A_43 = arith.addi %mul3A_0, %add3A_42 : i32
    "tpu.region"() ({
      %run_scoped3A = tpu.sem_alloc : memref<!tpu.dma_semaphore, #tpu.memory_space<semaphore_mem>>
      %dma_start3A = arith.constant 0 : i32
      %dma_start3A_78 = tpu.memref_slice %arg12[%add3A_43, %dma_start3A] : memref<10240x128xf32, #tpu.memory_space<vmem_shared>> -> memref<128x128xf32, #tpu.memory_space<vmem_shared>>
      %dma_start3A_79 = arith.constant 0 : i32
      %dma_start3A_80 = tpu.memref_slice %arg12[%add3A_43, %dma_start3A_79] : memref<10240x128xf32, #tpu.memory_space<vmem_shared>> -> memref<128x128xf32, #tpu.memory_space<vmem_shared>>
      tpu.enqueue_dma source(%dma_start3A_80 : memref<128x128xf32, #tpu.memory_space<vmem_shared>>) target(%arg11 : memref<128x128xf32, #tpu.memory_space<vmem>>) target_semaphore(%run_scoped3A : memref<!tpu.dma_semaphore, #tpu.memory_space<semaphore_mem>>)
      %dma_wait3A = arith.constant 0 : i32
      %dma_wait3A_81 = tpu.memref_slice %arg12[%add3A_43, %dma_wait3A] : memref<10240x128xf32, #tpu.memory_space<vmem_shared>> -> memref<128x128xf32, #tpu.memory_space<vmem_shared>>
      %dma_wait3A_82 = arith.constant 0 : i32
      %dma_wait3A_83 = tpu.memref_slice %arg12[%add3A_43, %dma_wait3A_82] : memref<10240x128xf32, #tpu.memory_space<vmem_shared>> -> memref<128x128xf32, #tpu.memory_space<vmem_shared>>
      tpu.wait_dma2 semaphore(%run_scoped3A : memref<!tpu.dma_semaphore, #tpu.memory_space<semaphore_mem>>) src(%dma_wait3A_83 : memref<128x128xf32, #tpu.memory_space<vmem_shared>>) dst(%arg11 : memref<128x128xf32, #tpu.memory_space<vmem>>)
      tpu.yield
    }) : () -> ()
    %eq3A_44 = arith.constant 0 : i32
    %eq3A_45 = arith.cmpi eq, %arg0, %eq3A_44 : i32
    %convert_element_type3A_46 = arith.extui %eq3A_45 : i1 to i32
    %cond3A_47 = arith.constant 0 : i32
    %cond3A_48 = arith.cmpi ne, %convert_element_type3A_46, %cond3A_47 : i32
    scf.if %cond3A_48 {
      "tpu.region"() ({
        %run_scoped3A = tpu.sem_alloc : memref<!tpu.dma_semaphore, #tpu.memory_space<semaphore_mem>>
        %dma_start3A = arith.constant 0 : i32
        %dma_start3A_78 = tpu.memref_slice %arg7[%add3A_43, %dma_start3A] : memref<10240x128xf32, #tpu.memory_space<hbm>> -> memref<128x128xf32, #tpu.memory_space<hbm>>
        %dma_start3A_79 = arith.constant 0 : i32
        %dma_start3A_80 = tpu.memref_slice %arg7[%add3A_43, %dma_start3A_79] : memref<10240x128xf32, #tpu.memory_space<hbm>> -> memref<128x128xf32, #tpu.memory_space<hbm>>
        tpu.enqueue_dma source(%arg11 : memref<128x128xf32, #tpu.memory_space<vmem>>) target(%dma_start3A_80 : memref<128x128xf32, #tpu.memory_space<hbm>>) target_semaphore(%run_scoped3A : memref<!tpu.dma_semaphore, #tpu.memory_space<semaphore_mem>>)
        %dma_wait3A = arith.constant 0 : i32
        %dma_wait3A_81 = tpu.memref_slice %arg7[%add3A_43, %dma_wait3A] : memref<10240x128xf32, #tpu.memory_space<hbm>> -> memref<128x128xf32, #tpu.memory_space<hbm>>
        %dma_wait3A_82 = arith.constant 0 : i32
        %dma_wait3A_83 = tpu.memref_slice %arg7[%add3A_43, %dma_wait3A_82] : memref<10240x128xf32, #tpu.memory_space<hbm>> -> memref<128x128xf32, #tpu.memory_space<hbm>>
        tpu.wait_dma2 semaphore(%run_scoped3A : memref<!tpu.dma_semaphore, #tpu.memory_space<semaphore_mem>>) src(%arg11 : memref<128x128xf32, #tpu.memory_space<vmem>>) dst(%dma_wait3A_83 : memref<128x128xf32, #tpu.memory_space<hbm>>)
        tpu.yield
      }) : () -> ()
    } else {
    }
    %eq3A_49 = arith.constant 1 : i32
    %eq3A_50 = arith.cmpi eq, %arg0, %eq3A_49 : i32
    %convert_element_type3A_51 = arith.extui %eq3A_50 : i1 to i32
    %cond3A_52 = arith.constant 0 : i32
    %cond3A_53 = arith.cmpi ne, %convert_element_type3A_51, %cond3A_52 : i32
    scf.if %cond3A_53 {
      "tpu.region"() ({
        %run_scoped3A = tpu.sem_alloc : memref<!tpu.dma_semaphore, #tpu.memory_space<semaphore_mem>>
        %dma_start3A = arith.constant 0 : i32
        %dma_start3A_78 = tpu.memref_slice %arg8[%add3A_43, %dma_start3A] : memref<10240x128xf32, #tpu.memory_space<hbm>> -> memref<128x128xf32, #tpu.memory_space<hbm>>
        %dma_start3A_79 = arith.constant 0 : i32
        %dma_start3A_80 = tpu.memref_slice %arg8[%add3A_43, %dma_start3A_79] : memref<10240x128xf32, #tpu.memory_space<hbm>> -> memref<128x128xf32, #tpu.memory_space<hbm>>
        tpu.enqueue_dma source(%arg11 : memref<128x128xf32, #tpu.memory_space<vmem>>) target(%dma_start3A_80 : memref<128x128xf32, #tpu.memory_space<hbm>>) target_semaphore(%run_scoped3A : memref<!tpu.dma_semaphore, #tpu.memory_space<semaphore_mem>>)
        %dma_wait3A = arith.constant 0 : i32
        %dma_wait3A_81 = tpu.memref_slice %arg8[%add3A_43, %dma_wait3A] : memref<10240x128xf32, #tpu.memory_space<hbm>> -> memref<128x128xf32, #tpu.memory_space<hbm>>
        %dma_wait3A_82 = arith.constant 0 : i32
        %dma_wait3A_83 = tpu.memref_slice %arg8[%add3A_43, %dma_wait3A_82] : memref<10240x128xf32, #tpu.memory_space<hbm>> -> memref<128x128xf32, #tpu.memory_space<hbm>>
        tpu.wait_dma2 semaphore(%run_scoped3A : memref<!tpu.dma_semaphore, #tpu.memory_space<semaphore_mem>>) src(%arg11 : memref<128x128xf32, #tpu.memory_space<vmem>>) dst(%dma_wait3A_83 : memref<128x128xf32, #tpu.memory_space<hbm>>)
        tpu.yield
      }) : () -> ()
    } else {
    }
    %add3A_54 = arith.constant 384 : i32
    %add3A_55 = arith.addi %mul3A_0, %add3A_54 : i32
    "tpu.region"() ({
      %run_scoped3A = tpu.sem_alloc : memref<!tpu.dma_semaphore, #tpu.memory_space<semaphore_mem>>
      %dma_start3A = arith.constant 0 : i32
      %dma_start3A_78 = tpu.memref_slice %arg12[%add3A_55, %dma_start3A] : memref<10240x128xf32, #tpu.memory_space<vmem_shared>> -> memref<128x128xf32, #tpu.memory_space<vmem_shared>>
      %dma_start3A_79 = arith.constant 0 : i32
      %dma_start3A_80 = tpu.memref_slice %arg12[%add3A_55, %dma_start3A_79] : memref<10240x128xf32, #tpu.memory_space<vmem_shared>> -> memref<128x128xf32, #tpu.memory_space<vmem_shared>>
      tpu.enqueue_dma source(%dma_start3A_80 : memref<128x128xf32, #tpu.memory_space<vmem_shared>>) target(%arg11 : memref<128x128xf32, #tpu.memory_space<vmem>>) target_semaphore(%run_scoped3A : memref<!tpu.dma_semaphore, #tpu.memory_space<semaphore_mem>>)
      %dma_wait3A = arith.constant 0 : i32
      %dma_wait3A_81 = tpu.memref_slice %arg12[%add3A_55, %dma_wait3A] : memref<10240x128xf32, #tpu.memory_space<vmem_shared>> -> memref<128x128xf32, #tpu.memory_space<vmem_shared>>
      %dma_wait3A_82 = arith.constant 0 : i32
      %dma_wait3A_83 = tpu.memref_slice %arg12[%add3A_55, %dma_wait3A_82] : memref<10240x128xf32, #tpu.memory_space<vmem_shared>> -> memref<128x128xf32, #tpu.memory_space<vmem_shared>>
      tpu.wait_dma2 semaphore(%run_scoped3A : memref<!tpu.dma_semaphore, #tpu.memory_space<semaphore_mem>>) src(%dma_wait3A_83 : memref<128x128xf32, #tpu.memory_space<vmem_shared>>) dst(%arg11 : memref<128x128xf32, #tpu.memory_space<vmem>>)
      tpu.yield
    }) : () -> ()
    %eq3A_56 = arith.constant 0 : i32
    %eq3A_57 = arith.cmpi eq, %arg0, %eq3A_56 : i32
    %convert_element_type3A_58 = arith.extui %eq3A_57 : i1 to i32
    %cond3A_59 = arith.constant 0 : i32
    %cond3A_60 = arith.cmpi ne, %convert_element_type3A_58, %cond3A_59 : i32
    scf.if %cond3A_60 {
      "tpu.region"() ({
        %run_scoped3A = tpu.sem_alloc : memref<!tpu.dma_semaphore, #tpu.memory_space<semaphore_mem>>
        %dma_start3A = arith.constant 0 : i32
        %dma_start3A_78 = tpu.memref_slice %arg7[%add3A_55, %dma_start3A] : memref<10240x128xf32, #tpu.memory_space<hbm>> -> memref<128x128xf32, #tpu.memory_space<hbm>>
        %dma_start3A_79 = arith.constant 0 : i32
        %dma_start3A_80 = tpu.memref_slice %arg7[%add3A_55, %dma_start3A_79] : memref<10240x128xf32, #tpu.memory_space<hbm>> -> memref<128x128xf32, #tpu.memory_space<hbm>>
        tpu.enqueue_dma source(%arg11 : memref<128x128xf32, #tpu.memory_space<vmem>>) target(%dma_start3A_80 : memref<128x128xf32, #tpu.memory_space<hbm>>) target_semaphore(%run_scoped3A : memref<!tpu.dma_semaphore, #tpu.memory_space<semaphore_mem>>)
        %dma_wait3A = arith.constant 0 : i32
        %dma_wait3A_81 = tpu.memref_slice %arg7[%add3A_55, %dma_wait3A] : memref<10240x128xf32, #tpu.memory_space<hbm>> -> memref<128x128xf32, #tpu.memory_space<hbm>>
        %dma_wait3A_82 = arith.constant 0 : i32
        %dma_wait3A_83 = tpu.memref_slice %arg7[%add3A_55, %dma_wait3A_82] : memref<10240x128xf32, #tpu.memory_space<hbm>> -> memref<128x128xf32, #tpu.memory_space<hbm>>
        tpu.wait_dma2 semaphore(%run_scoped3A : memref<!tpu.dma_semaphore, #tpu.memory_space<semaphore_mem>>) src(%arg11 : memref<128x128xf32, #tpu.memory_space<vmem>>) dst(%dma_wait3A_83 : memref<128x128xf32, #tpu.memory_space<hbm>>)
        tpu.yield
      }) : () -> ()
    } else {
    }
    %eq3A_61 = arith.constant 1 : i32
    %eq3A_62 = arith.cmpi eq, %arg0, %eq3A_61 : i32
    %convert_element_type3A_63 = arith.extui %eq3A_62 : i1 to i32
    %cond3A_64 = arith.constant 0 : i32
    %cond3A_65 = arith.cmpi ne, %convert_element_type3A_63, %cond3A_64 : i32
    scf.if %cond3A_65 {
      "tpu.region"() ({
        %run_scoped3A = tpu.sem_alloc : memref<!tpu.dma_semaphore, #tpu.memory_space<semaphore_mem>>
        %dma_start3A = arith.constant 0 : i32
        %dma_start3A_78 = tpu.memref_slice %arg8[%add3A_55, %dma_start3A] : memref<10240x128xf32, #tpu.memory_space<hbm>> -> memref<128x128xf32, #tpu.memory_space<hbm>>
        %dma_start3A_79 = arith.constant 0 : i32
        %dma_start3A_80 = tpu.memref_slice %arg8[%add3A_55, %dma_start3A_79] : memref<10240x128xf32, #tpu.memory_space<hbm>> -> memref<128x128xf32, #tpu.memory_space<hbm>>
        tpu.enqueue_dma source(%arg11 : memref<128x128xf32, #tpu.memory_space<vmem>>) target(%dma_start3A_80 : memref<128x128xf32, #tpu.memory_space<hbm>>) target_semaphore(%run_scoped3A : memref<!tpu.dma_semaphore, #tpu.memory_space<semaphore_mem>>)
        %dma_wait3A = arith.constant 0 : i32
        %dma_wait3A_81 = tpu.memref_slice %arg8[%add3A_55, %dma_wait3A] : memref<10240x128xf32, #tpu.memory_space<hbm>> -> memref<128x128xf32, #tpu.memory_space<hbm>>
        %dma_wait3A_82 = arith.constant 0 : i32
        %dma_wait3A_83 = tpu.memref_slice %arg8[%add3A_55, %dma_wait3A_82] : memref<10240x128xf32, #tpu.memory_space<hbm>> -> memref<128x128xf32, #tpu.memory_space<hbm>>
        tpu.wait_dma2 semaphore(%run_scoped3A : memref<!tpu.dma_semaphore, #tpu.memory_space<semaphore_mem>>) src(%arg11 : memref<128x128xf32, #tpu.memory_space<vmem>>) dst(%dma_wait3A_83 : memref<128x128xf32, #tpu.memory_space<hbm>>)
        tpu.yield
      }) : () -> ()
    } else {
    }
    %add3A_66 = arith.constant 512 : i32
    %add3A_67 = arith.addi %mul3A_0, %add3A_66 : i32
    "tpu.region"() ({
      %run_scoped3A = tpu.sem_alloc : memref<!tpu.dma_semaphore, #tpu.memory_space<semaphore_mem>>
      %dma_start3A = arith.constant 0 : i32
      %dma_start3A_78 = tpu.memref_slice %arg12[%add3A_67, %dma_start3A] : memref<10240x128xf32, #tpu.memory_space<vmem_shared>> -> memref<128x128xf32, #tpu.memory_space<vmem_shared>>
      %dma_start3A_79 = arith.constant 0 : i32
      %dma_start3A_80 = tpu.memref_slice %arg12[%add3A_67, %dma_start3A_79] : memref<10240x128xf32, #tpu.memory_space<vmem_shared>> -> memref<128x128xf32, #tpu.memory_space<vmem_shared>>
      tpu.enqueue_dma source(%dma_start3A_80 : memref<128x128xf32, #tpu.memory_space<vmem_shared>>) target(%arg11 : memref<128x128xf32, #tpu.memory_space<vmem>>) target_semaphore(%run_scoped3A : memref<!tpu.dma_semaphore, #tpu.memory_space<semaphore_mem>>)
      %dma_wait3A = arith.constant 0 : i32
      %dma_wait3A_81 = tpu.memref_slice %arg12[%add3A_67, %dma_wait3A] : memref<10240x128xf32, #tpu.memory_space<vmem_shared>> -> memref<128x128xf32, #tpu.memory_space<vmem_shared>>
      %dma_wait3A_82 = arith.constant 0 : i32
      %dma_wait3A_83 = tpu.memref_slice %arg12[%add3A_67, %dma_wait3A_82] : memref<10240x128xf32, #tpu.memory_space<vmem_shared>> -> memref<128x128xf32, #tpu.memory_space<vmem_shared>>
      tpu.wait_dma2 semaphore(%run_scoped3A : memref<!tpu.dma_semaphore, #tpu.memory_space<semaphore_mem>>) src(%dma_wait3A_83 : memref<128x128xf32, #tpu.memory_space<vmem_shared>>) dst(%arg11 : memref<128x128xf32, #tpu.memory_space<vmem>>)
      tpu.yield
    }) : () -> ()
    %eq3A_68 = arith.constant 0 : i32
    %eq3A_69 = arith.cmpi eq, %arg0, %eq3A_68 : i32
    %convert_element_type3A_70 = arith.extui %eq3A_69 : i1 to i32
    %cond3A_71 = arith.constant 0 : i32
    %cond3A_72 = arith.cmpi ne, %convert_element_type3A_70, %cond3A_71 : i32
    scf.if %cond3A_72 {
      "tpu.region"() ({
        %run_scoped3A = tpu.sem_alloc : memref<!tpu.dma_semaphore, #tpu.memory_space<semaphore_mem>>
        %dma_start3A = arith.constant 0 : i32
        %dma_start3A_78 = tpu.memref_slice %arg7[%add3A_67, %dma_start3A] : memref<10240x128xf32, #tpu.memory_space<hbm>> -> memref<128x128xf32, #tpu.memory_space<hbm>>
        %dma_start3A_79 = arith.constant 0 : i32
        %dma_start3A_80 = tpu.memref_slice %arg7[%add3A_67, %dma_start3A_79] : memref<10240x128xf32, #tpu.memory_space<hbm>> -> memref<128x128xf32, #tpu.memory_space<hbm>>
        tpu.enqueue_dma source(%arg11 : memref<128x128xf32, #tpu.memory_space<vmem>>) target(%dma_start3A_80 : memref<128x128xf32, #tpu.memory_space<hbm>>) target_semaphore(%run_scoped3A : memref<!tpu.dma_semaphore, #tpu.memory_space<semaphore_mem>>)
        %dma_wait3A = arith.constant 0 : i32
        %dma_wait3A_81 = tpu.memref_slice %arg7[%add3A_67, %dma_wait3A] : memref<10240x128xf32, #tpu.memory_space<hbm>> -> memref<128x128xf32, #tpu.memory_space<hbm>>
        %dma_wait3A_82 = arith.constant 0 : i32
        %dma_wait3A_83 = tpu.memref_slice %arg7[%add3A_67, %dma_wait3A_82] : memref<10240x128xf32, #tpu.memory_space<hbm>> -> memref<128x128xf32, #tpu.memory_space<hbm>>
        tpu.wait_dma2 semaphore(%run_scoped3A : memref<!tpu.dma_semaphore, #tpu.memory_space<semaphore_mem>>) src(%arg11 : memref<128x128xf32, #tpu.memory_space<vmem>>) dst(%dma_wait3A_83 : memref<128x128xf32, #tpu.memory_space<hbm>>)
        tpu.yield
      }) : () -> ()
    } else {
    }
    %eq3A_73 = arith.constant 1 : i32
    %eq3A_74 = arith.cmpi eq, %arg0, %eq3A_73 : i32
    %convert_element_type3A_75 = arith.extui %eq3A_74 : i1 to i32
    %cond3A_76 = arith.constant 0 : i32
    %cond3A_77 = arith.cmpi ne, %convert_element_type3A_75, %cond3A_76 : i32
    scf.if %cond3A_77 {
      "tpu.region"() ({
        %run_scoped3A = tpu.sem_alloc : memref<!tpu.dma_semaphore, #tpu.memory_space<semaphore_mem>>
        %dma_start3A = arith.constant 0 : i32
        %dma_start3A_78 = tpu.memref_slice %arg8[%add3A_67, %dma_start3A] : memref<10240x128xf32, #tpu.memory_space<hbm>> -> memref<128x128xf32, #tpu.memory_space<hbm>>
        %dma_start3A_79 = arith.constant 0 : i32
        %dma_start3A_80 = tpu.memref_slice %arg8[%add3A_67, %dma_start3A_79] : memref<10240x128xf32, #tpu.memory_space<hbm>> -> memref<128x128xf32, #tpu.memory_space<hbm>>
        tpu.enqueue_dma source(%arg11 : memref<128x128xf32, #tpu.memory_space<vmem>>) target(%dma_start3A_80 : memref<128x128xf32, #tpu.memory_space<hbm>>) target_semaphore(%run_scoped3A : memref<!tpu.dma_semaphore, #tpu.memory_space<semaphore_mem>>)
        %dma_wait3A = arith.constant 0 : i32
        %dma_wait3A_81 = tpu.memref_slice %arg8[%add3A_67, %dma_wait3A] : memref<10240x128xf32, #tpu.memory_space<hbm>> -> memref<128x128xf32, #tpu.memory_space<hbm>>
        %dma_wait3A_82 = arith.constant 0 : i32
        %dma_wait3A_83 = tpu.memref_slice %arg8[%add3A_67, %dma_wait3A_82] : memref<10240x128xf32, #tpu.memory_space<hbm>> -> memref<128x128xf32, #tpu.memory_space<hbm>>
        tpu.wait_dma2 semaphore(%run_scoped3A : memref<!tpu.dma_semaphore, #tpu.memory_space<semaphore_mem>>) src(%arg11 : memref<128x128xf32, #tpu.memory_space<vmem>>) dst(%dma_wait3A_83 : memref<128x128xf32, #tpu.memory_space<hbm>>)
        tpu.yield
      }) : () -> ()
    } else {
    }
    return
  }
}

module attributes {stable_mosaic.version = 14 : i64} {
  func.func @_b1_kernel(%arg0: i32, %arg1: memref<256x256xf32, #tpu.memory_space<vmem>>, %arg2: memref<256x256xf32, #tpu.memory_space<vmem>>, %arg3: memref<2x256x128xf32, #tpu.memory_space<vmem>>, %arg4: memref<256x128xf32, #tpu.memory_space<vmem>>, %arg5: memref<256x128xf32, #tpu.memory_space<vmem>>) attributes {dimension_semantics = [#tpu.dimension_semantics<arbitrary>], iteration_bounds = array<i64: 40>, scalar_prefetch = 0 : i64, scratch_operands = 0 : i64, tpu.core_type = #tpu.core_type<tc>, window_params = [{transform_indices = @transform_0, window_bounds = array<i64: 256, 256>}, {pipeline_mode = #tpu.pipeline_mode<synchronous>, transform_indices = @transform_1, window_bounds = array<i64: 256, 256>}, {transform_indices = @transform_2, window_bounds = array<i64: 2, 256, 128>}, {transform_indices = @transform_3, window_bounds = array<i64: 256, 128>}, {transform_indices = @transform_4, window_bounds = array<i64: 256, 128>}]} {
    %get3A = arith.constant 0 : index
    %get3A_0 = arith.constant 0 : index
    %get3A_1 = vector.load %arg1[%get3A, %get3A_0] : memref<256x256xf32, #tpu.memory_space<vmem>>, vector<256x256xf32>
    %get3A_2 = arith.constant 0 : index
    %get3A_3 = arith.constant 0 : index
    %get3A_4 = vector.load %arg2[%get3A_2, %get3A_3] : memref<256x256xf32, #tpu.memory_space<vmem>>, vector<256x256xf32>
    %dot_general3A = arith.constant dense<0.000000e+00> : vector<256x256xf32>
    %dot_general3A_5 = tpu.matmul %get3A_1, %get3A_4, %dot_general3A {dimension_numbers = #tpu.dot_dimension_numbers<[1], [0], [0], [1], [0, 0, 1, 1], [], []>, transpose_lhs_hint = false} : vector<256x256xf32>, vector<256x256xf32>, vector<256x256xf32> -> vector<256x256xf32>
    %get3A_6 = arith.constant 0 : index
    %get3A_7 = arith.constant 0 : index
    %get3A_8 = arith.constant 0 : index
    %get3A_9 = vector.load %arg3[%get3A_6, %get3A_7, %get3A_8] : memref<2x256x128xf32, #tpu.memory_space<vmem>>, vector<1x256x1xf32>
    %get3A_10 = vector.shape_cast %get3A_9 : vector<1x256x1xf32> to vector<256xf32>
    %max3A = arith.constant 1.000000e+00 : f32
    %max3A_11 = vector.broadcast %max3A : f32 to vector<256xf32>
    %max3A_12 = arith.maximumf %get3A_10, %max3A_11 : vector<256xf32>
    %rsqrt3A = math.rsqrt %max3A_12 : vector<256xf32>
    %reshape3A = vector.shape_cast %rsqrt3A : vector<256xf32> to vector<256x1xf32>
    %mul3A = vector.broadcast %reshape3A : vector<256x1xf32> to vector<256x256xf32>
    %mul3A_13 = arith.mulf %dot_general3A_5, %mul3A : vector<256x256xf32>
    %slice3A = vector.extract_strided_slice %mul3A_13 {offsets = [0, 0], sizes = [256, 128], strides = [1, 1]} : vector<256x256xf32> to vector<256x128xf32>
    %swap3A = arith.constant 0 : index
    %swap3A_14 = arith.constant 0 : index
    %swap3A_15 = vector.load %arg4[%swap3A, %swap3A_14] : memref<256x128xf32, #tpu.memory_space<vmem>>, vector<256x128xf32>
    tpu.vector_store %arg4[%swap3A, %swap3A_14], %slice3A {strides = array<i32>} : memref<256x128xf32, #tpu.memory_space<vmem>>, vector<256x128xf32>,
    %slice3A_16 = vector.extract_strided_slice %mul3A_13 {offsets = [0, 128], sizes = [256, 128], strides = [1, 1]} : vector<256x256xf32> to vector<256x128xf32>
    %swap3A_17 = arith.constant 0 : index
    %swap3A_18 = arith.constant 0 : index
    %swap3A_19 = vector.load %arg5[%swap3A_17, %swap3A_18] : memref<256x128xf32, #tpu.memory_space<vmem>>, vector<256x128xf32>
    tpu.vector_store %arg5[%swap3A_17, %swap3A_18], %slice3A_16 {strides = array<i32>} : memref<256x128xf32, #tpu.memory_space<vmem>>, vector<256x128xf32>,
    return
  }
  func.func @transform_0(%arg0: i32) -> (i32, i32) {
    %c0_i32 = arith.constant 0 : i32
    %c0_i32_0 = arith.constant 0 : i32
    return %arg0, %c0_i32 : i32, i32
  }
  func.func @transform_1(%arg0: i32) -> (i32, i32) {
    %c0_i32 = arith.constant 0 : i32
    %c0_i32_0 = arith.constant 0 : i32
    %c0_i32_1 = arith.constant 0 : i32
    return %c0_i32, %c0_i32_0 : i32, i32
  }
  func.func @transform_2(%arg0: i32) -> (i32, i32, i32) {
    %c0_i32 = arith.constant 0 : i32
    %c0_i32_0 = arith.constant 0 : i32
    %c0_i32_1 = arith.constant 0 : i32
    return %c0_i32, %arg0, %c0_i32_0 : i32, i32, i32
  }
  func.func @transform_3(%arg0: i32) -> (i32, i32) {
    %c0_i32 = arith.constant 0 : i32
    %c0_i32_0 = arith.constant 0 : i32
    return %arg0, %c0_i32 : i32, i32
  }
  func.func @transform_4(%arg0: i32) -> (i32, i32) {
    %c0_i32 = arith.constant 0 : i32
    %c0_i32_0 = arith.constant 0 : i32
    return %arg0, %c0_i32 : i32, i32
  }
}

module attributes {stable_mosaic.version = 14 : i64} {
  func.func @_b2_kernel(%arg0: i32, %arg1: memref<256x128xf32, #tpu.memory_space<vmem>>, %arg2: memref<256x128xf32, #tpu.memory_space<vmem>>, %arg3: memref<2x256x128xf32, #tpu.memory_space<vmem>>, %arg4: memref<1x256xf32, #tpu.memory_space<vmem>>, %arg5: memref<256x256xf32, #tpu.memory_space<vmem>>, %arg6: memref<256x128xf32, #tpu.memory_space<vmem>>, %arg7: memref<256x128xf32, #tpu.memory_space<vmem>>) attributes {dimension_semantics = [#tpu.dimension_semantics<arbitrary>], iteration_bounds = array<i64: 40>, scalar_prefetch = 0 : i64, scratch_operands = 0 : i64, tpu.core_type = #tpu.core_type<tc>, window_params = [{transform_indices = @transform_0, window_bounds = array<i64: 256, 128>}, {transform_indices = @transform_1, window_bounds = array<i64: 256, 128>}, {transform_indices = @transform_2, window_bounds = array<i64: 2, 256, 128>}, {pipeline_mode = #tpu.pipeline_mode<synchronous>, transform_indices = @transform_3, window_bounds = array<i64: 1, 256>}, {pipeline_mode = #tpu.pipeline_mode<synchronous>, transform_indices = @transform_4, window_bounds = array<i64: 256, 256>}, {transform_indices = @transform_5, window_bounds = array<i64: 256, 128>}, {transform_indices = @transform_6, window_bounds = array<i64: 256, 128>}]} {
    %get3A = arith.constant 1 : index
    %get3A_0 = arith.constant 0 : index
    %get3A_1 = arith.constant 0 : index
    %get3A_2 = vector.load %arg3[%get3A, %get3A_0, %get3A_1] : memref<2x256x128xf32, #tpu.memory_space<vmem>>, vector<1x256x1xf32>
    %get3A_3 = vector.shape_cast %get3A_2 : vector<1x256x1xf32> to vector<256xf32>
    %max3A = arith.constant 1.000000e+00 : f32
    %max3A_4 = vector.broadcast %max3A : f32 to vector<256xf32>
    %max3A_5 = arith.maximumf %get3A_3, %max3A_4 : vector<256xf32>
    %rsqrt3A = math.rsqrt %max3A_5 : vector<256xf32>
    %reshape3A = vector.shape_cast %rsqrt3A : vector<256xf32> to vector<256x1xf32>
    %get3A_6 = arith.constant 0 : index
    %get3A_7 = arith.constant 0 : index
    %get3A_8 = arith.constant 0 : index
    %get3A_9 = vector.load %arg3[%get3A_6, %get3A_7, %get3A_8] : memref<2x256x128xf32, #tpu.memory_space<vmem>>, vector<1x256x1xf32>
    %get3A_10 = vector.shape_cast %get3A_9 : vector<1x256x1xf32> to vector<256xf32>
    %max3A_11 = arith.constant 1.000000e+00 : f32
    %max3A_12 = vector.broadcast %max3A_11 : f32 to vector<256xf32>
    %max3A_13 = arith.maximumf %get3A_10, %max3A_12 : vector<256xf32>
    %rsqrt3A_14 = math.rsqrt %max3A_13 : vector<256xf32>
    %reshape3A_15 = vector.shape_cast %rsqrt3A_14 : vector<256xf32> to vector<256x1xf32>
    %get3A_16 = arith.constant 0 : index
    %get3A_17 = arith.constant 0 : index
    %get3A_18 = vector.load %arg1[%get3A_16, %get3A_17] : memref<256x128xf32, #tpu.memory_space<vmem>>, vector<256x128xf32>
    %mul3A = vector.broadcast %reshape3A : vector<256x1xf32> to vector<256x128xf32>
    %mul3A_19 = arith.mulf %get3A_18, %mul3A : vector<256x128xf32>
    %get3A_20 = arith.constant 0 : index
    %get3A_21 = arith.constant 0 : index
    %get3A_22 = vector.load %arg4[%get3A_20, %get3A_21] : memref<1x256xf32, #tpu.memory_space<vmem>>, vector<1x128xf32>
    %get3A_23 = vector.shape_cast %get3A_22 : vector<1x128xf32> to vector<128xf32>
    %broadcast_in_dim3A = vector.shape_cast %get3A_23 : vector<128xf32> to vector<1x128xf32>
    %add3A = vector.broadcast %broadcast_in_dim3A : vector<1x128xf32> to vector<256x128xf32>
    %add3A_24 = arith.addf %mul3A_19, %add3A : vector<256x128xf32>
    %max3A_25 = arith.constant 0.000000e+00 : f32
    %max3A_26 = vector.broadcast %max3A_25 : f32 to vector<256x128xf32>
    %max3A_27 = arith.maximumf %add3A_24, %max3A_26 : vector<256x128xf32>
    %mul3A_28 = vector.broadcast %reshape3A_15 : vector<256x1xf32> to vector<256x128xf32>
    %mul3A_29 = arith.mulf %max3A_27, %mul3A_28 : vector<256x128xf32>
    %get3A_30 = arith.constant 0 : index
    %get3A_31 = arith.constant 0 : index
    %get3A_32 = vector.load %arg2[%get3A_30, %get3A_31] : memref<256x128xf32, #tpu.memory_space<vmem>>, vector<256x128xf32>
    %mul3A_33 = vector.broadcast %reshape3A : vector<256x1xf32> to vector<256x128xf32>
    %mul3A_34 = arith.mulf %get3A_32, %mul3A_33 : vector<256x128xf32>
    %get3A_35 = arith.constant 0 : index
    %get3A_36 = arith.constant 128 : index
    %get3A_37 = vector.load %arg4[%get3A_35, %get3A_36] : memref<1x256xf32, #tpu.memory_space<vmem>>, vector<1x128xf32>
    %get3A_38 = vector.shape_cast %get3A_37 : vector<1x128xf32> to vector<128xf32>
    %broadcast_in_dim3A_39 = vector.shape_cast %get3A_38 : vector<128xf32> to vector<1x128xf32>
    %add3A_40 = vector.broadcast %broadcast_in_dim3A_39 : vector<1x128xf32> to vector<256x128xf32>
    %add3A_41 = arith.addf %mul3A_34, %add3A_40 : vector<256x128xf32>
    %max3A_42 = arith.constant 0.000000e+00 : f32
    %max3A_43 = vector.broadcast %max3A_42 : f32 to vector<256x128xf32>
    %max3A_44 = arith.maximumf %add3A_41, %max3A_43 : vector<256x128xf32>
    %mul3A_45 = vector.broadcast %reshape3A_15 : vector<256x1xf32> to vector<256x128xf32>
    %mul3A_46 = arith.mulf %max3A_44, %mul3A_45 : vector<256x128xf32>
    %get3A_47 = arith.constant 0 : index
    %get3A_48 = arith.constant 0 : index
    %get3A_49 = vector.load %arg5[%get3A_47, %get3A_48] : memref<256x256xf32, #tpu.memory_space<vmem>>, vector<128x256xf32>
    %dot_general3A = arith.constant dense<0.000000e+00> : vector<256x256xf32>
    %dot_general3A_50 = tpu.matmul %mul3A_29, %get3A_49, %dot_general3A {dimension_numbers = #tpu.dot_dimension_numbers<[1], [0], [0], [1], [0, 0, 1, 1], [], []>, transpose_lhs_hint = false} : vector<256x128xf32>, vector<128x256xf32>, vector<256x256xf32> -> vector<256x256xf32>
    %get3A_51 = arith.constant 128 : index
    %get3A_52 = arith.constant 0 : index
    %get3A_53 = vector.load %arg5[%get3A_51, %get3A_52] : memref<256x256xf32, #tpu.memory_space<vmem>>, vector<128x256xf32>
    %dot_general3A_54 = arith.constant dense<0.000000e+00> : vector<256x256xf32>
    %dot_general3A_55 = tpu.matmul %mul3A_46, %get3A_53, %dot_general3A_54 {dimension_numbers = #tpu.dot_dimension_numbers<[1], [0], [0], [1], [0, 0, 1, 1], [], []>, transpose_lhs_hint = false} : vector<256x128xf32>, vector<128x256xf32>, vector<256x256xf32> -> vector<256x256xf32>
    %add3A_56 = arith.addf %dot_general3A_50, %dot_general3A_55 : vector<256x256xf32>
    %slice3A = vector.extract_strided_slice %add3A_56 {offsets = [0, 0], sizes = [256, 128], strides = [1, 1]} : vector<256x256xf32> to vector<256x128xf32>
    %swap3A = arith.constant 0 : index
    %swap3A_57 = arith.constant 0 : index
    %swap3A_58 = vector.load %arg6[%swap3A, %swap3A_57] : memref<256x128xf32, #tpu.memory_space<vmem>>, vector<256x128xf32>
    tpu.vector_store %arg6[%swap3A, %swap3A_57], %slice3A {strides = array<i32>} : memref<256x128xf32, #tpu.memory_space<vmem>>, vector<256x128xf32>,
    %slice3A_59 = vector.extract_strided_slice %add3A_56 {offsets = [0, 128], sizes = [256, 128], strides = [1, 1]} : vector<256x256xf32> to vector<256x128xf32>
    %swap3A_60 = arith.constant 0 : index
    %swap3A_61 = arith.constant 0 : index
    %swap3A_62 = vector.load %arg7[%swap3A_60, %swap3A_61] : memref<256x128xf32, #tpu.memory_space<vmem>>, vector<256x128xf32>
    tpu.vector_store %arg7[%swap3A_60, %swap3A_61], %slice3A_59 {strides = array<i32>} : memref<256x128xf32, #tpu.memory_space<vmem>>, vector<256x128xf32>,
    return
  }
  func.func @transform_0(%arg0: i32) -> (i32, i32) {
    %c0_i32 = arith.constant 0 : i32
    %c0_i32_0 = arith.constant 0 : i32
    return %arg0, %c0_i32 : i32, i32
  }
  func.func @transform_1(%arg0: i32) -> (i32, i32) {
    %c0_i32 = arith.constant 0 : i32
    %c0_i32_0 = arith.constant 0 : i32
    return %arg0, %c0_i32 : i32, i32
  }
  func.func @transform_2(%arg0: i32) -> (i32, i32, i32) {
    %c0_i32 = arith.constant 0 : i32
    %c0_i32_0 = arith.constant 0 : i32
    %c0_i32_1 = arith.constant 0 : i32
    return %c0_i32, %arg0, %c0_i32_0 : i32, i32, i32
  }
  func.func @transform_3(%arg0: i32) -> (i32, i32) {
    %c0_i32 = arith.constant 0 : i32
    %c0_i32_0 = arith.constant 0 : i32
    %c0_i32_1 = arith.constant 0 : i32
    return %c0_i32, %c0_i32_0 : i32, i32
  }
  func.func @transform_4(%arg0: i32) -> (i32, i32) {
    %c0_i32 = arith.constant 0 : i32
    %c0_i32_0 = arith.constant 0 : i32
    %c0_i32_1 = arith.constant 0 : i32
    return %c0_i32, %c0_i32_0 : i32, i32
  }
  func.func @transform_5(%arg0: i32) -> (i32, i32) {
    %c0_i32 = arith.constant 0 : i32
    %c0_i32_0 = arith.constant 0 : i32
    return %arg0, %c0_i32 : i32, i32
  }
  func.func @transform_6(%arg0: i32) -> (i32, i32) {
    %c0_i32 = arith.constant 0 : i32
    %c0_i32_0 = arith.constant 0 : i32
    return %arg0, %c0_i32 : i32, i32
  }
}

module attributes {stable_mosaic.version = 14 : i64} {
  func.func @_d_kernel(%arg0: i32, %arg1: memref<256x128xf32, #tpu.memory_space<vmem>>, %arg2: memref<256x128xf32, #tpu.memory_space<vmem>>, %arg3: memref<2x256x128xf32, #tpu.memory_space<vmem>>, %arg4: memref<1x256xf32, #tpu.memory_space<vmem>>, %arg5: memref<256x128xf32, #tpu.memory_space<vmem>>, %arg6: memref<1x128xf32, #tpu.memory_space<vmem>>, %arg7: memref<1x128xf32, #tpu.memory_space<vmem>>, %arg8: memref<1x256xf32, #tpu.memory_space<vmem>>) attributes {dimension_semantics = [#tpu.dimension_semantics<arbitrary>], iteration_bounds = array<i64: 40>, scalar_prefetch = 0 : i64, scratch_operands = 1 : i64, tpu.core_type = #tpu.core_type<tc>, window_params = [{transform_indices = @transform_0, window_bounds = array<i64: 256, 128>}, {transform_indices = @transform_1, window_bounds = array<i64: 256, 128>}, {transform_indices = @transform_2, window_bounds = array<i64: 2, 256, 128>}, {pipeline_mode = #tpu.pipeline_mode<synchronous>, transform_indices = @transform_3, window_bounds = array<i64: 1, 256>}, {pipeline_mode = #tpu.pipeline_mode<synchronous>, transform_indices = @transform_4, window_bounds = array<i64: 256, 128>}, {pipeline_mode = #tpu.pipeline_mode<synchronous>, transform_indices = @transform_5, window_bounds = array<i64: 1, 128>}, {pipeline_mode = #tpu.pipeline_mode<synchronous>, transform_indices = @transform_6, window_bounds = array<i64: 1, 128>}]} {
    %eq3A = arith.constant 0 : i32
    %eq3A_0 = arith.cmpi eq, %arg0, %eq3A : i32
    %convert_element_type3A = arith.extui %eq3A_0 : i1 to i32
    %cond3A = arith.constant 0 : i32
    %cond3A_1 = arith.cmpi ne, %convert_element_type3A, %cond3A : i32
    scf.if %cond3A_1 {
      %broadcast_in_dim3A_70 = arith.constant 0.000000e+00 : f32
      %broadcast_in_dim3A_71 = vector.broadcast %broadcast_in_dim3A_70 : f32 to vector<1x256xf32>
      %swap3A_72 = arith.constant 0 : index
      %swap3A_73 = arith.constant 0 : index
      %swap3A_74 = vector.load %arg8[%swap3A_72, %swap3A_73] : memref<1x256xf32, #tpu.memory_space<vmem>>, vector<1x256xf32>
      tpu.vector_store %arg8[%swap3A_72, %swap3A_73], %broadcast_in_dim3A_71 {strides = array<i32>} : memref<1x256xf32, #tpu.memory_space<vmem>>, vector<1x256xf32>,
    } else {
    }
    %get3A = arith.constant 1 : index
    %get3A_2 = arith.constant 0 : index
    %get3A_3 = arith.constant 0 : index
    %get3A_4 = vector.load %arg3[%get3A, %get3A_2, %get3A_3] : memref<2x256x128xf32, #tpu.memory_space<vmem>>, vector<1x256x1xf32>
    %get3A_5 = vector.shape_cast %get3A_4 : vector<1x256x1xf32> to vector<256xf32>
    %max3A = arith.constant 1.000000e+00 : f32
    %max3A_6 = vector.broadcast %max3A : f32 to vector<256xf32>
    %max3A_7 = arith.maximumf %get3A_5, %max3A_6 : vector<256xf32>
    %rsqrt3A = math.rsqrt %max3A_7 : vector<256xf32>
    %reshape3A = vector.shape_cast %rsqrt3A : vector<256xf32> to vector<256x1xf32>
    %mul3A = arith.constant 256 : i32
    %mul3A_8 = arith.muli %arg0, %mul3A : i32
    %iota3A = tpu.iota {dimensions = array<i32: 0>} : vector<256x1xi32>
    %add3A = vector.broadcast %mul3A_8 : i32 to vector<256x1xi32>
    %add3A_9 = arith.addi %add3A, %iota3A : vector<256x1xi32>
    %lt3A = arith.constant 10000 : i32
    %lt3A_10 = vector.broadcast %lt3A : i32 to vector<256x1xi32>
    %lt3A_11 = arith.cmpi slt, %add3A_9, %lt3A_10 : vector<256x1xi32>
    %convert_element_type3A_12 = arith.extui %lt3A_11 : vector<256x1xi1> to vector<256x1xi32>
    %convert_element_type3A_13 = arith.sitofp %convert_element_type3A_12 : vector<256x1xi32> to vector<256x1xf32>
    %get3A_14 = arith.constant 0 : index
    %get3A_15 = arith.constant 0 : index
    %get3A_16 = vector.load %arg1[%get3A_14, %get3A_15] : memref<256x128xf32, #tpu.memory_space<vmem>>, vector<256x128xf32>
    %mul3A_17 = vector.broadcast %reshape3A : vector<256x1xf32> to vector<256x128xf32>
    %mul3A_18 = arith.mulf %get3A_16, %mul3A_17 : vector<256x128xf32>
    %get3A_19 = arith.constant 0 : index
    %get3A_20 = arith.constant 0 : index
    %get3A_21 = vector.load %arg4[%get3A_19, %get3A_20] : memref<1x256xf32, #tpu.memory_space<vmem>>, vector<1x128xf32>
    %get3A_22 = vector.shape_cast %get3A_21 : vector<1x128xf32> to vector<128xf32>
    %broadcast_in_dim3A = vector.shape_cast %get3A_22 : vector<128xf32> to vector<1x128xf32>
    %add3A_23 = vector.broadcast %broadcast_in_dim3A : vector<1x128xf32> to vector<256x128xf32>
    %add3A_24 = arith.addf %mul3A_18, %add3A_23 : vector<256x128xf32>
    %max3A_25 = arith.constant 0.000000e+00 : f32
    %max3A_26 = vector.broadcast %max3A_25 : f32 to vector<256x128xf32>
    %max3A_27 = arith.maximumf %add3A_24, %max3A_26 : vector<256x128xf32>
    %mul3A_28 = vector.broadcast %convert_element_type3A_13 : vector<256x1xf32> to vector<256x128xf32>
    %mul3A_29 = arith.mulf %max3A_27, %mul3A_28 : vector<256x128xf32>
    %get3A_30 = arith.constant 0 : index
    %get3A_31 = arith.constant 0 : index
    %get3A_32 = vector.load %arg2[%get3A_30, %get3A_31] : memref<256x128xf32, #tpu.memory_space<vmem>>, vector<256x128xf32>
    %mul3A_33 = vector.broadcast %reshape3A : vector<256x1xf32> to vector<256x128xf32>
    %mul3A_34 = arith.mulf %get3A_32, %mul3A_33 : vector<256x128xf32>
    %get3A_35 = arith.constant 0 : index
    %get3A_36 = arith.constant 128 : index
    %get3A_37 = vector.load %arg4[%get3A_35, %get3A_36] : memref<1x256xf32, #tpu.memory_space<vmem>>, vector<1x128xf32>
    %get3A_38 = vector.shape_cast %get3A_37 : vector<1x128xf32> to vector<128xf32>
    %broadcast_in_dim3A_39 = vector.shape_cast %get3A_38 : vector<128xf32> to vector<1x128xf32>
    %add3A_40 = vector.broadcast %broadcast_in_dim3A_39 : vector<1x128xf32> to vector<256x128xf32>
    %add3A_41 = arith.addf %mul3A_34, %add3A_40 : vector<256x128xf32>
    %max3A_42 = arith.constant 0.000000e+00 : f32
    %max3A_43 = vector.broadcast %max3A_42 : f32 to vector<256x128xf32>
    %max3A_44 = arith.maximumf %add3A_41, %max3A_43 : vector<256x128xf32>
    %mul3A_45 = vector.broadcast %convert_element_type3A_13 : vector<256x1xf32> to vector<256x128xf32>
    %mul3A_46 = arith.mulf %max3A_44, %mul3A_45 : vector<256x128xf32>
    %get3A_47 = arith.constant 0 : index
    %get3A_48 = arith.constant 0 : index
    %get3A_49 = vector.load %arg8[%get3A_47, %get3A_48] : memref<1x256xf32, #tpu.memory_space<vmem>>, vector<1x128xf32>
    %reduce_sum3A = arith.constant dense<0.000000e+00> : vector<128xf32>
    %reduce_sum3A_50 = vector.multi_reduction <add>, %mul3A_29, %reduce_sum3A [0] : vector<256x128xf32> to vector<128xf32>
    %broadcast_in_dim3A_51 = vector.shape_cast %reduce_sum3A_50 : vector<128xf32> to vector<1x128xf32>
    %add3A_52 = arith.addf %get3A_49, %broadcast_in_dim3A_51 : vector<1x128xf32>
    %swap3A = arith.constant 0 : index
    %swap3A_53 = arith.constant 0 : index
    %swap3A_54 = vector.load %arg8[%swap3A, %swap3A_53] : memref<1x256xf32, #tpu.memory_space<vmem>>, vector<1x128xf32>
    tpu.vector_store %arg8[%swap3A, %swap3A_53], %add3A_52 {strides = array<i32>} : memref<1x256xf32, #tpu.memory_space<vmem>>, vector<1x128xf32>,
    %get3A_55 = arith.constant 0 : index
    %get3A_56 = arith.constant 128 : index
    %get3A_57 = vector.load %arg8[%get3A_55, %get3A_56] : memref<1x256xf32, #tpu.memory_space<vmem>>, vector<1x128xf32>
    %reduce_sum3A_58 = arith.constant dense<0.000000e+00> : vector<128xf32>
    %reduce_sum3A_59 = vector.multi_reduction <add>, %mul3A_46, %reduce_sum3A_58 [0] : vector<256x128xf32> to vector<128xf32>
    %broadcast_in_dim3A_60 = vector.shape_cast %reduce_sum3A_59 : vector<128xf32> to vector<1x128xf32>
    %add3A_61 = arith.addf %get3A_57, %broadcast_in_dim3A_60 : vector<1x128xf32>
    %swap3A_62 = arith.constant 0 : index
    %swap3A_63 = arith.constant 128 : index
    %swap3A_64 = vector.load %arg8[%swap3A_62, %swap3A_63] : memref<1x256xf32, #tpu.memory_space<vmem>>, vector<1x128xf32>
    tpu.vector_store %arg8[%swap3A_62, %swap3A_63], %add3A_61 {strides = array<i32>} : memref<1x256xf32, #tpu.memory_space<vmem>>, vector<1x128xf32>,
    %eq3A_65 = arith.constant 39 : i32
    %eq3A_66 = arith.cmpi eq, %arg0, %eq3A_65 : i32
    %convert_element_type3A_67 = arith.extui %eq3A_66 : i1 to i32
    %cond3A_68 = arith.constant 0 : i32
    %cond3A_69 = arith.cmpi ne, %convert_element_type3A_67, %cond3A_68 : i32
    scf.if %cond3A_69 {
      %get3A_70 = arith.constant 0 : index
      %get3A_71 = arith.constant 0 : index
      %get3A_72 = vector.load %arg8[%get3A_70, %get3A_71] : memref<1x256xf32, #tpu.memory_space<vmem>>, vector<1x256xf32>
      %mul3A_73 = arith.constant 9.99999974E-5 : f32
      %mul3A_74 = vector.broadcast %mul3A_73 : f32 to vector<1x256xf32>
      %mul3A_75 = arith.mulf %get3A_72, %mul3A_74 : vector<1x256xf32>
      %get3A_76 = arith.constant 0 : index
      %get3A_77 = arith.constant 0 : index
      %get3A_78 = vector.load %arg5[%get3A_76, %get3A_77] : memref<256x128xf32, #tpu.memory_space<vmem>>, vector<256x128xf32>
      %dot_general3A = arith.constant dense<0.000000e+00> : vector<1x128xf32>
      %dot_general3A_79 = tpu.matmul %mul3A_75, %get3A_78, %dot_general3A {dimension_numbers = #tpu.dot_dimension_numbers<[1], [0], [0], [1], [0, 0, 1, 1], [], []>, transpose_lhs_hint = false} : vector<1x256xf32>, vector<256x128xf32>, vector<1x128xf32> -> vector<1x128xf32>
      %get3A_80 = arith.constant 0 : index
      %get3A_81 = arith.constant 0 : index
      %get3A_82 = vector.load %arg6[%get3A_80, %get3A_81] : memref<1x128xf32, #tpu.memory_space<vmem>>, vector<1x128xf32>
      %add3A_83 = arith.addf %dot_general3A_79, %get3A_82 : vector<1x128xf32>
      %swap3A_84 = arith.constant 0 : index
      %swap3A_85 = arith.constant 0 : index
      %swap3A_86 = vector.load %arg7[%swap3A_84, %swap3A_85] : memref<1x128xf32, #tpu.memory_space<vmem>>, vector<1x128xf32>
      tpu.vector_store %arg7[%swap3A_84, %swap3A_85], %add3A_83 {strides = array<i32>} : memref<1x128xf32, #tpu.memory_space<vmem>>, vector<1x128xf32>,
    } else {
    }
    return
  }
  func.func @transform_0(%arg0: i32) -> (i32, i32) {
    %c0_i32 = arith.constant 0 : i32
    %c0_i32_0 = arith.constant 0 : i32
    return %arg0, %c0_i32 : i32, i32
  }
  func.func @transform_1(%arg0: i32) -> (i32, i32) {
    %c0_i32 = arith.constant 0 : i32
    %c0_i32_0 = arith.constant 0 : i32
    return %arg0, %c0_i32 : i32, i32
  }
  func.func @transform_2(%arg0: i32) -> (i32, i32, i32) {
    %c0_i32 = arith.constant 0 : i32
    %c0_i32_0 = arith.constant 0 : i32
    %c0_i32_1 = arith.constant 0 : i32
    return %c0_i32, %arg0, %c0_i32_0 : i32, i32, i32
  }
  func.func @transform_3(%arg0: i32) -> (i32, i32) {
    %c0_i32 = arith.constant 0 : i32
    %c0_i32_0 = arith.constant 0 : i32
    %c0_i32_1 = arith.constant 0 : i32
    return %c0_i32, %c0_i32_0 : i32, i32
  }
  func.func @transform_4(%arg0: i32) -> (i32, i32) {
    %c0_i32 = arith.constant 0 : i32
    %c0_i32_0 = arith.constant 0 : i32
    %c0_i32_1 = arith.constant 0 : i32
    return %c0_i32, %c0_i32_0 : i32, i32
  }
  func.func @transform_5(%arg0: i32) -> (i32, i32) {
    %c0_i32 = arith.constant 0 : i32
    %c0_i32_0 = arith.constant 0 : i32
    %c0_i32_1 = arith.constant 0 : i32
    return %c0_i32, %c0_i32_0 : i32, i32
  }
  func.func @transform_6(%arg0: i32) -> (i32, i32) {
    %c0_i32 = arith.constant 0 : i32
    %c0_i32_0 = arith.constant 0 : i32
    %c0_i32_1 = arith.constant 0 : i32
    return %c0_i32, %c0_i32_0 : i32, i32
  }
}

</mosaic_0001>

<sc_bundles>
// kernel: kernel.11.cloned.1.call-start
scs
__scs_entry_jumppad:
0x0: {  	(pc) =	sbr.rel $0x88, $3  }
0x1: {  	(tag) =	ssettag $0x0;
	lr =	simm.s32 $0x1  }
0x2: {  	[smem:$0x3F99] =	sst lr;
	_ =	strace $0xD0000000  }
0x3: {  	_ = 	snop  }
0x4: {  	_ = 	snop  }
0x5: {  	_ = 	snop  }
0x6: {  	_ = 	snop  }
0x7: {  	_ = 	snop  }
__scs_overlays_trampoline_lowered:
0x8: {  	[smem:$0x3FA8] =	sst s0  }
0x9: {  	[smem:$0x3FA9] =	sst s1  }
0xa: {  	[smem:$0x3FAA] =	sst s2  }
0xb: {  	[smem:$0x3FAB] =	sst s3  }
0xc: {  	[smem:$0x3FAC] =	sst s4  }
0xd: {  	[smem:$0x3FAD] =	sst s5  }
0xe: {  	[smem:$0x3FAE] =	sst s6  }
0xf: {  	[smem:$0x3FAF] =	sst s7  }
0x10: {  	[smem:$0x3FB0] =	sst s8  }
0x11: {  	[smem:$0x3FB1] =	sst s9;
	s0 =	simm.s32 @!p0 $0x0  }
0x12: {  	s1 =	sld [smem:$0x3F97];
	s0 =	simm.s32 @p0 $0x1  }
0x13: {  	[smem:$0x3FB2] =	sst s0;
	s0 =	simm.s32 @!p1 $0x0  }
0x14: {  	s2 =	sld [smem:$0x3F96];
	s0 =	simm.s32 @p1 $0x1  }
0x15: {  	[smem:$0x3FB3] =	sst s0;
	s0 =	simm.s32 @!p2 $0x0  }
0x16: {  	s3 =	sld [smem:$0x3FDB];
	s0 =	simm.s32 @p2 $0x1  }
0x17: {  	s4 =	simm.s32 $0x1BF5;
	[smem:$0x3FB5] =	sst s0  }
0x18: {  	s0 =	sld [smem:$0x3F98];
	_ =	swait.ge [sflag:s4], $0x0  }
0x19: {  	s7 =	sld [smem:$0x3F99]  }
0x1a: {  	s8 =	sadd.s32 $0xFFFFE003, lr  }
0x1b: {  	s9 =	sadd.s32 $0xFFFFFEF7, lr;
	s5 =	simm.s32 $0xFFFFFFFF;
	p2 =	slt.u32 s8, $0xFFFFF086  }
0x1c: {  	p1 =	slt.u32 s9, $0xF7A;
	s5 =	simm.s32 @!p2 $0x0  }
0x1d: {  	s5 =	simm.s32 @p1 $0x1;
	p0 =	seq.s32 s7, s2  }
0x1e: {  	s7 =	smul.u32 @!p0 $0xF7A, s2;
	p2 =	seq.s32 @!p0 s5, $0x0  }
0x1f: {  	s9 =	smul.u32 $0xF7A, s1;
	s8 =	simm.s32 @!p0 $0x1BF5;
	p2 =	por !p2, p0  }
0x20: {  	[sflag:s8] =	ssyncset.s32 @!p0 $0xFFFFF086;
	s6 =	sadd.s32 @!p0 s3, s7;
	s7 =	simm.s32 @!p0 $0x108  }
0x21: {  	s3 =	sadd.s32 s3, s9;
	s6 =	sadd.s32 @!p0 $0x88, s6;
	s7 =	simm.s32 @p2 $0x1082  }
0x22: {  	[simem:s7], [sflag:s8] =	dma.local @!p0 [hbm:s6], $0xF7A  }
0x23: {  	s9 =	sor.u32 $0xD0000000, s2;
	s6 =	simm.s32 $0x108;
	_ =	swait.ge @!p0 [sflag:s8], $0x0  }
0x24: {  	s3 =	sadd.s32 $0x88, s3;
	s6 =	simm.s32 @!p1 $0x1082;
	[sflag:s4] =	ssyncset.s32 $0xFFFFF086  }
0x25: {  	[simem:s6], [sflag:s4] =	dma.local [hbm:s3], $0xF7A  }
0x26: {  	[smem:$0x3F99] =	sst s1;
	(tag) =	ssettag s2;
	_ =	strace s9  }
0x27: {  	s1 =	sld [smem:$0x3FA9]  }
0x28: {  	s2 =	sld [smem:$0x3FAA]  }
0x29: {  	s4 =	sld [smem:$0x3FAC]  }
0x2a: {  	p0 =	seq.s32 s5, $0x0;
	s5 =	sld [smem:$0x3FAD]  }
0x2b: {  	s6 =	sld [smem:$0x3FAE]  }
0x2c: {  	s7 =	sld [smem:$0x3FAF]  }
0x2d: {  	s3 =	simm.s32 $0x108;
	s8 =	sld [smem:$0x3FB0]  }
0x2e: {  	s3 =	simm.s32 @!p0 $0x1082;
	s9 =	sld [smem:$0x3FB1]  }
0x2f: {  	lr =	sadd.s32 s0, s3;
	s0 =	sld [smem:$0x3FA8]  }
0x30: {  	s3 =	sld [smem:$0x3FAB]  }
0x31: {  	[smem:$0x3FB4] =	sst s10  }
0x32: {  	s10 =	sld [smem:$0x3FB2];
	_ =	sdelay $0x3  }
0x33: {  	p0 =	seq.s32 s10, $0x1;
	s10 =	sld [smem:$0x3FB4];
	_ =	sdelay $0x3  }
0x34: {  	[smem:$0x3FB4] =	sst s10  }
0x35: {  	s10 =	sld [smem:$0x3FB3];
	_ =	sdelay $0x3  }
0x36: {  	p1 =	seq.s32 s10, $0x1;
	s10 =	sld [smem:$0x3FB4];
	_ =	sdelay $0x3  }
0x37: {  	[smem:$0x3FB4] =	sst s10  }
0x38: {  	s10 =	sld [smem:$0x3FB5]  }
0x39: {  	_ = 	snop;
	(pc) =	sbr.ind lr, $3  }
0x3a: {  	_ = 	snop  }
0x3b: {  	_ = 	snop  }
0x3c: {  	p2 =	seq.s32 s10, $0x1;
	s10 =	sld [smem:$0x3FB4]  }
0x3d: {  	_ =	shalt  }
0x3e: {  	_ =	shalt  }
0x3f: {  	_ =	shalt  }
0x40: {  	_ =	shalt  }
0x41: {  	_ =	shalt  }
0x42: {  	_ =	shalt  }
0x43: {  	_ =	shalt  }
0x44: {  	_ =	shalt  }
0x45: {  	_ =	shalt  }
0x46: {  	_ =	shalt  }
0x47: {  	_ =	shalt  }
0x48: {  	_ =	shalt  }
0x49: {  	_ =	shalt  }
0x4a: {  	_ =	shalt  }
0x4b: {  	_ =	shalt  }
0x4c: {  	_ =	shalt  }
0x4d: {  	_ =	shalt  }
0x4e: {  	_ =	shalt  }
0x4f: {  	_ =	shalt  }
0x50: {  	_ =	shalt  }
0x51: {  	_ =	shalt  }
0x52: {  	_ =	shalt  }
0x53: {  	_ =	shalt  }
0x54: {  	_ =	shalt  }
0x55: {  	_ =	shalt  }
0x56: {  	_ =	shalt  }
0x57: {  	_ =	shalt  }
0x58: {  	_ =	shalt  }
0x59: {  	_ =	shalt  }
0x5a: {  	_ =	shalt  }
0x5b: {  	_ =	shalt  }
0x5c: {  	_ =	shalt  }
0x5d: {  	_ =	shalt  }
0x5e: {  	_ =	shalt  }
0x5f: {  	_ =	shalt  }
0x60: {  	_ =	shalt  }
0x61: {  	_ =	shalt  }
0x62: {  	_ =	shalt  }
0x63: {  	_ =	shalt  }
0x64: {  	_ =	shalt  }
0x65: {  	_ =	shalt  }
0x66: {  	_ =	shalt  }
0x67: {  	_ =	shalt  }
0x68: {  	_ =	shalt  }
0x69: {  	_ =	shalt  }
0x6a: {  	_ =	shalt  }
0x6b: {  	_ =	shalt  }
0x6c: {  	_ =	shalt  }
0x6d: {  	_ =	shalt  }
0x6e: {  	_ =	shalt  }
0x6f: {  	_ =	shalt  }
0x70: {  	_ =	shalt  }
0x71: {  	_ =	shalt  }
0x72: {  	_ =	shalt  }
0x73: {  	_ =	shalt  }
0x74: {  	_ =	shalt  }
0x75: {  	_ =	shalt  }
0x76: {  	_ =	shalt  }
0x77: {  	_ =	shalt  }
0x78: {  	_ =	shalt  }
0x79: {  	_ =	shalt  }
0x7a: {  	_ =	shalt  }
0x7b: {  	_ =	shalt  }
0x7c: {  	_ =	shalt  }
0x7d: {  	_ =	shalt  }
0x7e: {  	_ =	shalt  }
0x7f: {  	_ =	shalt  }
0x80: {  	_ =	shalt  }
0x81: {  	_ =	shalt  }
0x82: {  	_ =	shalt  }
0x83: {  	_ =	shalt  }
0x84: {  	_ =	shalt  }
0x85: {  	_ =	shalt  }
0x86: {  	_ =	shalt  }
0x87: {  	_ =	shalt  }
.Lfunc_end0:
.L_simem_size_0:
called_computation.1_lowered:
.L_overlay_start_0:
0x88: {  	s2 =	sld [smem:$0x3FD9]  }
0x89: {  	s3 =	sld [smem:$0x3FFE];
	_ =	sdelay $0x1  }
0x8a: {  	s1 =	srdreg.scid  }
0x8b: {  	s0 =	sand.u32 $0x1, s1  }
0x8c: {  	s16 =	sshll.u32 s0, $0xA;
	s2 =	sadd.s32 s3, s2  }
0x8d: {  	s2 =	sadd.s32 s2, s16  }
0x8e: {  	[smem:$0x3FC0] =	sst s2  }
0x8f: {  	_ = 	snop  }
0x90: {  	(tm) =	ssettm $0x1  }
0x91: {  	s17 =	sld [smem:$0x3FFB];
	_ =	sdelay $0x3  }
0x92: {  	_ =	strace s17  }
0x93: {  	s2 =	sld [smem:$0x3FFC];
	_ =	sdelay $0x3  }
0x94: {  	_ =	strace s2  }
0x95: {  	s2 =	sld [smem:$0x3FFD];
	_ =	sdelay $0x3  }
0x96: {  	_ =	strace s2  }
0x97: {  	_ =	strace $0x8FFFFFFF  }
0x98: {  	s18 =	sld [smem:$0x3FDB];
	_ =	sdelay $0x1  }
0x99: {  	s19 =	simm.s32 $_scs_section_size  }
0x9a: {  	s4 =	simm.s32 $_size__tile_overlayer_lowered;
	s5 =	simm.s32 $_tile_overlayer_lowered  }
0x9b: {  	s22 =	simm.s32 $0x1BFF;
	s21 =	sshll.u32 s5, $0x1;
	s2 =	sadd.s32 s19, s18  }
0x9c: {  	s6 =	simm.s32 $0x0;
	s20 =	sshll.u32 s4, $0x1;
	s4 =	sadd.s32 s21, s2  }
0x9d: {  	[timem:s6], [sflag:s22] =	dma.local [hbm:s4], s20  }
0x9e: {  	_ =	swait.ge [sflag:s22], s20  }
0x9f: {  	s3 =	ssub.s32 $0x0, s20;
	[sflag:s22] =	ssyncset.done $0x0  }
0xa0: {  	[sflag:s22] =	ssyncadd.s32 s3;
	_ =	sdelay $0x1  }
0xa1: {  	s23 =	simm.s32 $0x1B8B  }
0xa2: {  	_ =	swait.ge [sflag:s23], $0x1  }
0xa3: {  	[sflag:s23] =	ssyncset.done $0x0  }
0xa4: {  	s25 =	simm.s32 $0x1B8E;
	s24 =	sld [smem:$0x3FFE];
	[sflag:s23] =	ssyncadd.s32 $0xFFFFFFFF  }
0xa5: {  	s26 =	simm.s32 $execute0_lowered;
	[smem:$0x3FD2] =	sst s25  }
0xa6: {  	s4 =	sshll.u32 s26, $0x1;
	_ =	strace $0x80000049;
	[dreg:$0x1] =	wrdreg $0xFFFFFFFF  }
0xa7: {  	s28 =	simm.s32 $_size_execute0_lowered;
	s2 =	sadd.s32 s2, s4;
	[dreg:$0x0] =	wrdreg $0x0  }
0xa8: {  	s4 =	sshll.u32 s28, $0x1;
	[dreg:$0x2] =	wrdreg s2  }
0xa9: {  	[dreg:$0x3] =	wrdreg s4  }
0xaa: {  	[dreg:$0x4] =	wrdreg $0xC0  }
0xab: {  	_ =	task [dreg:s6], $0x5FFFF  }
0xac: {  	[dreg:$0x1] =	wrdreg $0xFFFFFFFF  }
0xad: {  	[dreg:$0x0] =	wrdreg $0x60  }
0xae: {  	[dreg:$0x2] =	wrdreg s24  }
0xaf: {  	[dreg:$0x3] =	wrdreg $0x90000  }
0xb0: {  	[dreg:$0x4] =	wrdreg $0x9  }
0xb1: {  	_ =	task.clear_ibuf [dreg:s6], $0x5FFFF;
	_ =	strace $0x90000049  }
0xb2: {  	s29 =	simm.s32 $0x9;
	_ =	strace $0x8000004B  }
0xb3: {  	_ =	swait.ge [sflag:s29], $0x1  }
0xb4: {  	[sflag:s29] =	ssyncadd.s32 $0xFFFFFFFF  }
0xb5: {  	_ =	strace $0x9000004B  }
0xb6: {  	_ =	sfence  }
0xb7: {  	s30 =	sld [smem:$0x0];
	_ =	sdelay $0x2  }
0xb8: {  	s31 =	sshll.u32 s1, $0xD;
	s1 =	sshrl.u32 s1, $0x2  }
0xb9: {  	s3 =	sand.u32 $0x4000, s31;
	s1 =	sadd.s32 s1, s30  }
0xba: {  	s0 =	sor.u32 s3, s0;
	s1 =	sshll.u32 s1, $0x11  }
0xbb: {  	s0 =	sor.u32 s1, s0  }
0xbc: {  	s0 =	sadd.s32 $0x8F2B, s0  }
0xbd: {  	[sflag:s0] =	ssyncadd.remote.s32 $0x1  }
0xbe: {  	_ =	sfence.sel $0xFFFF  }
0xbf: {  	[dreg:$0x0] =	wrdreg $0xFFFFFFFF;
	(pc) =	sbr.abs _section_cstart, $3  }
0xc0: {  	[dreg:$0x1] =	wrdreg $0xFFFFFFFF  }
0xc1: {  	_ =	task.clear_ibuf [dreg:s6], $0x2FFFF;
	_ =	strace $0x9FFFFFFF  }
0xc2: {  	(tm) =	ssettm $0x7FFFFFFF  }
0xc3: {  	_ =	shalt  }
tec
execute0_lowered:
.L_overlay_start_1:
0x0: {  	(tag) =	ssettag $0x1  }
0x1: {  	s8 =	rddreg [dreg:$0x0]  }
0x2: {  	s2 =	rddreg [dreg:$0x1]  }
0x3: {  	s0 =	rddreg [dreg:$0x2];
	s3 =	simm.s32 $0x0;
	s1 =	stileid.u32  }
0x4: {  	s7 =	srdreg.scid;
	s23 =	simm.s32 $0x1;
	s24 =	simm.s32 $0x2800  }
0x5: {  	s25 =	simm.s32 $0x80;
	s26 =	simm.s32 $0x0;
	s6 =	smul.u32 $0x500, s1  }
0x6: {  	[smem:$0x7FF] =	sst s3;
	s4 =	sadd.s32 $0x5F400, s8;
	s11 =	smul.u32 $0x280, s1  }
0x7: {  	s5 =	sadd.s32 $0x87400, s8;
	s22 =	sand.u32 $0x1, s7;
	s9 =	smul.u32 $0x50000, s1  }
0x8: {  	s7 =	sadd.s32 $0xAF400, s8;
	s16 =	smul.u32 $0x2800, s1;
	_ =	strace $0x8000004A  }
0x9: {  	s10 =	ssub.s32 $0x2, s22;
	p0 =	sne.s32 s22, $0x0;
	s22 =	simm.s32 $0x5000  }
0xa: {  	s15 =	sadd.s32 s6, s8;
	s6 =	sadd.s32 $0xE400, s8;
	s8 =	sadd.s32 $0xD7400, s8  }
0xb: {  	s12 =	sshrl.u32 s10, $0x1;
	s9 =	sshrl.u32 s9, $0x2;
	s17 =	sadd.s32 $0x80, s11  }
0xc: {  	s18 =	sadd.s32 $0x100, s11;
	s19 =	sadd.s32 $0x180, s11;
	s20 =	sadd.s32 $0x200, s11  }
0xd: {  	s21 =	ssub.s32 s10, s12;
	s9 =	sadd.s32 s9, s2;
	s29 =	sshll.u32 s17, $0x7  }
.Ltmp0:
0xe: {  	s30 =	sshll.u32 s18, $0x7;
	s13 =	sshll.u32 s19, $0x7;
	(pc) =	sbr.rel .LBB2_1-.Ltmp0, $4  }
0xf: {  	s31 =	sshll.u32 s20, $0x7;
	s14 =	sadd.s32 $0x9400, s15;
	s15 =	sadd.s32 $0x4400, s15  }
0x10: {  	s17 =	sshll.u32 s17, $0x4;
	s18 =	sshll.u32 s18, $0x4;
	s19 =	sshll.u32 s19, $0x4  }
0x11: {  	s20 =	sshll.u32 s20, $0x4;
	s10 =	sadd.s32 s29, s2;
	s11 =	sadd.s32 s30, s2  }
0x12: {  	s12 =	sadd.s32 s13, s2;
	s13 =	sadd.s32 s31, s2;
	s21 =	smax.u32 s21, $0x1  }
.LBB2_7:
0x13: {  	s28 =	sshra.s32 s28, $0x2;
	[sflag:s23] =	ssyncadd.s32 $0xFFFFC000  }
0x14: {  	[tilespmem:s22], [sflag:$0x1] =	stream.indirect.gather [hbm4b:s5+s25], $0x80, s28, s25, $0xb8;
	[tilespmem:$0x1D000] =	vst v63  }
0x15: {  	_ =	swait.ge [sflag:s23], $0x4000  }
0x16: {  	[sflag:s23] =	ssyncset.done $0x0  }
0x17: {  	s28 =	sadd.s32 $0x2800, s28;
	[sflag:s23] =	ssyncadd.s32 $0xFFFFC000  }
0x18: {  	[spmem:s2] =	stream.indirect.scatter.add.f32 [tilespmem:s22], [sflag:$0x1], $0x80, s28, s25, $0xb8;
	[tilespmem:$0x1D000] =	vst v63  }
0x19: {  	_ =	swait.ge [sflag:s23], $0x4000  }
0x1a: {  	[sflag:s23] =	ssyncset.done $0x0  }
0x1b: {  	s28 =	smov.u32 s8;
	[sflag:s23] =	ssyncadd.s32 $0xFFFFC000  }
.LBB2_8:
0x1c: {  	[bflag:$0x0] =	sbarrier.arrive $0xFFFF  }
0x1d: {  	[tilespmem:s22], [sflag:$0x1] =	stream.linear.gather [spmem:s9], $0x4000, $0x38;
	[tilespmem:$0x1D000] =	vst v63  }
0x1e: {  	_ =	swait.ge [sflag:s23], $0x4000  }
0x1f: {  	[sflag:s23] =	ssyncset.done $0x0  }
0x20: {  	s29 =	sadd.s32 s28, s16;
	[sflag:s23] =	ssyncadd.s32 $0xFFFFC000  }
0x21: {  	[hbm4b:s29+s3] =	stream.linear.scatter [tilespmem:s22], [sflag:$0x1], $0x4000, $0x38;
	[tilespmem:$0x1D000] =	vst v63  }
0x22: {  	_ =	swait.ge [sflag:s23], $0x4000  }
0x23: {  	[sflag:s23] =	ssyncset.done $0x0  }
0x24: {  	[sflag:s23] =	ssyncadd.s32 $0xFFFFC000  }
0x25: {  	[tilespmem:s22], [sflag:$0x1] =	stream.linear.gather [spmem:s10], $0x4000, $0x38;
	[tilespmem:$0x1D000] =	vst v63  }
0x26: {  	_ =	swait.ge [sflag:s23], $0x4000  }
0x27: {  	[sflag:s23] =	ssyncset.done $0x0  }
0x28: {  	s30 =	sadd.s32 s28, s17;
	[sflag:s23] =	ssyncadd.s32 $0xFFFFC000  }
0x29: {  	[hbm4b:s30+s3] =	stream.linear.scatter [tilespmem:s22], [sflag:$0x1], $0x4000, $0x38;
	[tilespmem:$0x1D000] =	vst v63  }
0x2a: {  	_ =	swait.ge [sflag:s23], $0x4000  }
0x2b: {  	[sflag:s23] =	ssyncset.done $0x0  }
0x2c: {  	[sflag:s23] =	ssyncadd.s32 $0xFFFFC000  }
0x2d: {  	[tilespmem:s22], [sflag:$0x1] =	stream.linear.gather [spmem:s11], $0x4000, $0x38;
	[tilespmem:$0x1D000] =	vst v63  }
0x2e: {  	_ =	swait.ge [sflag:s23], $0x4000  }
0x2f: {  	[sflag:s23] =	ssyncset.done $0x0  }
0x30: {  	s31 =	sadd.s32 s28, s18;
	[sflag:s23] =	ssyncadd.s32 $0xFFFFC000  }
0x31: {  	[hbm4b:s31+s3] =	stream.linear.scatter [tilespmem:s22], [sflag:$0x1], $0x4000, $0x38;
	[tilespmem:$0x1D000] =	vst v63  }
0x32: {  	_ =	swait.ge [sflag:s23], $0x4000  }
0x33: {  	[sflag:s23] =	ssyncset.done $0x0  }
0x34: {  	[sflag:s23] =	ssyncadd.s32 $0xFFFFC000  }
0x35: {  	[tilespmem:s22], [sflag:$0x1] =	stream.linear.gather [spmem:s12], $0x4000, $0x38;
	[tilespmem:$0x1D000] =	vst v63  }
0x36: {  	_ =	swait.ge [sflag:s23], $0x4000  }
0x37: {  	[sflag:s23] =	ssyncset.done $0x0  }
0x38: {  	s30 =	sadd.s32 s28, s19;
	[sflag:s23] =	ssyncadd.s32 $0xFFFFC000  }
0x39: {  	[hbm4b:s30+s3] =	stream.linear.scatter [tilespmem:s22], [sflag:$0x1], $0x4000, $0x38;
	[tilespmem:$0x1D000] =	vst v63  }
0x3a: {  	_ =	swait.ge [sflag:s23], $0x4000  }
0x3b: {  	[sflag:s23] =	ssyncset.done $0x0  }
0x3c: {  	[sflag:s23] =	ssyncadd.s32 $0xFFFFC000  }
0x3d: {  	[tilespmem:s22], [sflag:$0x1] =	stream.linear.gather [spmem:s13], $0x4000, $0x38;
	[tilespmem:$0x1D000] =	vst v63  }
0x3e: {  	s26 =	sadd.s32 $0x1, s26;
	_ =	swait.ge [sflag:s23], $0x4000  }
0x3f: {  	p1 =	sne.s32 s26, s21;
	[sflag:s23] =	ssyncset.done $0x0  }
.Ltmp1:
0x40: {  	s31 =	sadd.s32 s28, s20;
	[sflag:s23] =	ssyncadd.s32 $0xFFFFC000;
	(pc) =	sbr.rel @!p1 .LBB2_9-.Ltmp1, $4  }
0x41: {  	[hbm4b:s31+s3] =	stream.linear.scatter [tilespmem:s22], [sflag:$0x1], $0x4000, $0x38;
	[tilespmem:$0x1D000] =	vst v63  }
0x42: {  	_ =	swait.ge [sflag:s23], $0x4000  }
0x43: {  	[sflag:s23] =	ssyncset.done $0x0  }
0x44: {  	[sflag:s23] =	ssyncadd.s32 $0xFFFFC000  }
.LBB2_1:
0x45: {  	[tilespmem:s22], [sflag:$0x1] =	stream.linear.gather [hbm4b:s6+s3], $0x4000, $0x38;
	[tilespmem:$0x1D000] =	vst v63  }
0x46: {  	_ =	swait.ge [sflag:s23], $0x4000  }
0x47: {  	[sflag:s23] =	ssyncset.done $0x0  }
0x48: {  	[sflag:s23] =	ssyncadd.s32 $0xFFFFC000  }
0x49: {  	[spmem:s9] =	stream.linear.scatter [tilespmem:s22], [sflag:$0x1], $0x4000, $0x38;
	[tilespmem:$0x1D000] =	vst v63  }
0x4a: {  	_ =	swait.ge [sflag:s23], $0x4000  }
0x4b: {  	[sflag:s23] =	ssyncset.done $0x0  }
0x4c: {  	[sflag:s23] =	ssyncadd.s32 $0xFFFFC000  }
0x4d: {  	[spmem:s10] =	stream.linear.scatter [tilespmem:s22], [sflag:$0x1], $0x4000, $0x38;
	[tilespmem:$0x1D000] =	vst v63  }
0x4e: {  	_ =	swait.ge [sflag:s23], $0x4000  }
0x4f: {  	[sflag:s23] =	ssyncset.done $0x0  }
0x50: {  	[sflag:s23] =	ssyncadd.s32 $0xFFFFC000  }
0x51: {  	[spmem:s11] =	stream.linear.scatter [tilespmem:s22], [sflag:$0x1], $0x4000, $0x38;
	[tilespmem:$0x1D000] =	vst v63  }
0x52: {  	_ =	swait.ge [sflag:s23], $0x4000  }
0x53: {  	[sflag:s23] =	ssyncset.done $0x0  }
0x54: {  	[sflag:s23] =	ssyncadd.s32 $0xFFFFC000  }
0x55: {  	[spmem:s12] =	stream.linear.scatter [tilespmem:s22], [sflag:$0x1], $0x4000, $0x38;
	[tilespmem:$0x1D000] =	vst v63  }
0x56: {  	_ =	swait.ge [sflag:s23], $0x4000  }
0x57: {  	[sflag:s23] =	ssyncset.done $0x0  }
0x58: {  	[sflag:s23] =	ssyncadd.s32 $0xFFFFC000  }
0x59: {  	[spmem:s13] =	stream.linear.scatter [tilespmem:s22], [sflag:$0x1], $0x4000, $0x38;
	[tilespmem:$0x1D000] =	vst v63  }
0x5a: {  	_ =	swait.ge [sflag:s23], $0x4000  }
0x5b: {  	[sflag:s23] =	ssyncset.done $0x0  }
0x5c: {  	[sflag:s23] =	ssyncadd.s32 $0xFFFFC000  }
0x5d: {  	[tilespmem:s3], [sflag:$0x1] =	stream.linear.gather [hbm4b:s14+s3], $0x2800, $0x38;
	[tilespmem:$0x1D000] =	vst v63  }
0x5e: {  	_ =	swait.ge [sflag:s23], $0x2800  }
0x5f: {  	[sflag:s23] =	ssyncset.done $0x0  }
0x60: {  	[sflag:s23] =	ssyncadd.s32 $0xFFFFD800  }
0x61: {  	[tilespmem:s24], [sflag:$0x1] =	stream.linear.gather [hbm4b:s15+s3], $0x2800, $0x38;
	[tilespmem:$0x1D000] =	vst v63  }
.Ltmp2:
0x62: {  	_ =	swait.ge [sflag:s23], $0x2800;
	(pc) =	sbr.rel @p0 .LBB2_5-.Ltmp2, $4  }
0x63: {  	[sflag:s23] =	ssyncset.done $0x0  }
0x64: {  	[sflag:s23] =	ssyncadd.s32 $0xFFFFD800  }
0x65: {  	[bflag:$0x0] =	sbarrier.arrive $0xFFFF  }
0x66: {  	s28 =	simm.s32 $0x0  }
0x67: {  	[tilespmem:s22], [sflag:$0x1] =	stream.indirect.gather [hbm4b:s4+s25], $0x80, s28, s25, $0xb8;
	[tilespmem:$0x1D000] =	vst v63  }
0x68: {  	_ =	swait.ge [sflag:s23], $0x4000  }
0x69: {  	[sflag:s23] =	ssyncset.done $0x0  }
0x6a: {  	s28 =	simm.s32 $0x2800;
	[sflag:s23] =	ssyncadd.s32 $0xFFFFC000  }
0x6b: {  	[spmem:s2] =	stream.indirect.scatter.add.f32 [tilespmem:s22], [sflag:$0x1], $0x80, s28, s25, $0xb8;
	[tilespmem:$0x1D000] =	vst v63  }
0x6c: {  	_ =	swait.ge [sflag:s23], $0x4000  }
0x6d: {  	s29 =	simm.s32 $0x400;
	s28 =	simm.s32 $0x200;
	[sflag:s23] =	ssyncset.done $0x0  }
.LBB2_3:
0x6e: {  	s30 =	sshra.s32 s28, $0x2  }
0x6f: {  	[sflag:s23] =	ssyncadd.s32 $0xFFFFC000;
	s28 =	smov.u32 s29;
	s31 =	sadd.s32 $0x200, s29  }
0x70: {  	[tilespmem:s22], [sflag:$0x1] =	stream.indirect.gather [hbm4b:s4+s25], $0x80, s30, s25, $0xb8;
	[tilespmem:$0x1D000] =	vst v63  }
0x71: {  	p1 =	seq.s32 s29, $0x9E00;
	_ =	swait.ge [sflag:s23], $0x4000  }
.Ltmp3:
0x72: {  	[sflag:s23] =	ssyncset.done $0x0;
	(pc) =	sbr.rel @!p1 .LBB2_3-.Ltmp3, $4  }
0x73: {  	s29 =	sadd.s32 $0x2800, s30;
	[sflag:s23] =	ssyncadd.s32 $0xFFFFC000  }
0x74: {  	[spmem:s2] =	stream.indirect.scatter.add.f32 [tilespmem:s22], [sflag:$0x1], $0x80, s29, s25, $0xb8;
	[tilespmem:$0x1D000] =	vst v63  }
0x75: {  	_ =	swait.ge [sflag:s23], $0x4000  }
0x76: {  	s29 =	smov.u32 s31;
	[sflag:s23] =	ssyncset.done $0x0  }
0x77: {  	s28 =	sshra.s32 s28, $0x2;
	[sflag:s23] =	ssyncadd.s32 $0xFFFFC000  }
0x78: {  	[tilespmem:s22], [sflag:$0x1] =	stream.indirect.gather [hbm4b:s4+s25], $0x80, s28, s25, $0xb8;
	[tilespmem:$0x1D000] =	vst v63  }
0x79: {  	_ =	swait.ge [sflag:s23], $0x4000  }
0x7a: {  	[sflag:s23] =	ssyncset.done $0x0  }
.Ltmp4:
0x7b: {  	s28 =	sadd.s32 $0x2800, s28;
	[sflag:s23] =	ssyncadd.s32 $0xFFFFC000;
	(pc) =	sbr.rel .LBB2_8-.Ltmp4, $4  }
0x7c: {  	[spmem:s2] =	stream.indirect.scatter.add.f32 [tilespmem:s22], [sflag:$0x1], $0x80, s28, s25, $0xb8;
	[tilespmem:$0x1D000] =	vst v63  }
0x7d: {  	_ =	swait.ge [sflag:s23], $0x4000  }
0x7e: {  	[sflag:s23] =	ssyncset.done $0x0  }
0x7f: {  	s28 =	smov.u32 s7;
	[sflag:s23] =	ssyncadd.s32 $0xFFFFC000  }
.LBB2_5:
0x80: {  	[tilespmem:s22], [sflag:$0x1] =	stream.indirect.gather [hbm4b:s5+s25], $0x80, s28, s25, $0xb8;
	[tilespmem:$0x1D000] =	vst v63  }
0x81: {  	_ =	swait.ge [sflag:s23], $0x4000  }
0x82: {  	[sflag:s23] =	ssyncset.done $0x0  }
0x83: {  	s28 =	simm.s32 $0x2800;
	[sflag:s23] =	ssyncadd.s32 $0xFFFFC000  }
0x84: {  	[spmem:s2] =	stream.indirect.scatter.add.f32 [tilespmem:s22], [sflag:$0x1], $0x80, s28, s25, $0xb8;
	[tilespmem:$0x1D000] =	vst v63  }
0x85: {  	_ =	swait.ge [sflag:s23], $0x4000  }
0x86: {  	s29 =	simm.s32 $0x400;
	s28 =	simm.s32 $0x200;
	[sflag:s23] =	ssyncset.done $0x0  }
.LBB2_6:
0x87: {  	s30 =	sshra.s32 s28, $0x2  }
0x88: {  	[sflag:s23] =	ssyncadd.s32 $0xFFFFC000;
	s28 =	smov.u32 s29;
	s31 =	sadd.s32 $0x200, s29  }
0x89: {  	[tilespmem:s22], [sflag:$0x1] =	stream.indirect.gather [hbm4b:s5+s25], $0x80, s30, s25, $0xb8;
	[tilespmem:$0x1D000] =	vst v63  }
0x8a: {  	p1 =	sne.s32 s29, $0x9E00;
	_ =	swait.ge [sflag:s23], $0x4000  }
.Ltmp5:
0x8b: {  	[sflag:s23] =	ssyncset.done $0x0;
	(pc) =	sbr.rel @p1 .LBB2_6-.Ltmp5, $4  }
0x8c: {  	s29 =	sadd.s32 $0x2800, s30;
	[sflag:s23] =	ssyncadd.s32 $0xFFFFC000  }
0x8d: {  	[spmem:s2] =	stream.indirect.scatter.add.f32 [tilespmem:s22], [sflag:$0x1], $0x80, s29, s25, $0xb8;
	[tilespmem:$0x1D000] =	vst v63  }
0x8e: {  	_ =	swait.ge [sflag:s23], $0x4000  }
0x8f: {  	s29 =	smov.u32 s31;
	[sflag:s23] =	ssyncset.done $0x0  }
.Ltmp6:
0x90: {  	_ = 	snop;
	(pc) =	sbr.rel .LBB2_7-.Ltmp6, $1  }
0x91: {  	_ =	sdelay $0x3  }
.LBB2_9:
0x92: {  	_ =	sfence.sel $0x180000  }
0x93: {  	[bflag:$0x0] =	sbarrier.arrive $0xFFFF  }
0x94: {  	p0 =	sne.s32 s1, $0x0;
	_ =	strace $0x9000004A  }
0x95: {  	s0 =	sadd.s32 @!p0 $0x100000, s0;
	[bflag:$0x2] =	sbarrier.arrive $0xFFFF  }
0x96: {  	[sflag:s0] =	ssyncadd.tile.s32 @!p0 $0x1;
	_ =	shalt  }
.Lfunc_end2:
_tile_overlayer_lowered:
.L_overlay_start_2:
0x97: {  	(tag) =	ssettag $0x2  }
0x98: {  	s0 =	rddreg [dreg:$0x0];
	s2 =	stileid.u32  }
0x99: {  	s1 =	rddreg [dreg:$0x1];
	p0 =	sne.s32 s2, $0x0  }
0x9a: {  	s3 =	rddreg [dreg:$0x2];
	[bflag:$0x3] =	sbarrier.arrive $0xFFFF;
	s2 =	simm.s32 @!p0 $0x1C01  }
0x9b: {  	[timem:s3], [sflag:s2] =	dma.local @!p0 [hbm:s0], s1  }
0x9c: {  	s0 =	simm.s32 @!p0 $0x1  }
0x9d: {  	_ =	swait.ge @!p0 [sflag:s0], s1  }
0x9e: {  	s1 =	ssub.s32 @!p0 $0x0, s1;
	[sflag:s0] =	ssyncset.done @!p0 $0x0  }
0x9f: {  	[sflag:s0] =	ssyncadd.s32 @!p0 s1  }
0xa0: {  	[bflag:$0x3] =	sbarrier.arrive $0xFFFF  }
0xa1: {  	_ =	shalt  }

// kernel: kernel.14.cloned.1.call-start
scs
__scs_entry_jumppad:
0x0: {  	(pc) =	sbr.rel $0x88, $3  }
0x1: {  	(tag) =	ssettag $0x0;
	lr =	simm.s32 $0x1  }
0x2: {  	[smem:$0x3F99] =	sst lr;
	_ =	strace $0xD0000000  }
0x3: {  	_ = 	snop  }
0x4: {  	_ = 	snop  }
0x5: {  	_ = 	snop  }
0x6: {  	_ = 	snop  }
0x7: {  	_ = 	snop  }
__scs_overlays_trampoline_lowered:
0x8: {  	[smem:$0x3FA8] =	sst s0  }
0x9: {  	[smem:$0x3FA9] =	sst s1  }
0xa: {  	[smem:$0x3FAA] =	sst s2  }
0xb: {  	[smem:$0x3FAB] =	sst s3  }
0xc: {  	[smem:$0x3FAC] =	sst s4  }
0xd: {  	[smem:$0x3FAD] =	sst s5  }
0xe: {  	[smem:$0x3FAE] =	sst s6  }
0xf: {  	[smem:$0x3FAF] =	sst s7  }
0x10: {  	[smem:$0x3FB0] =	sst s8  }
0x11: {  	[smem:$0x3FB1] =	sst s9;
	s0 =	simm.s32 @!p0 $0x0  }
0x12: {  	s1 =	sld [smem:$0x3F97];
	s0 =	simm.s32 @p0 $0x1  }
0x13: {  	[smem:$0x3FB2] =	sst s0;
	s0 =	simm.s32 @!p1 $0x0  }
0x14: {  	s2 =	sld [smem:$0x3F96];
	s0 =	simm.s32 @p1 $0x1  }
0x15: {  	[smem:$0x3FB3] =	sst s0;
	s0 =	simm.s32 @!p2 $0x0  }
0x16: {  	s3 =	sld [smem:$0x3FDB];
	s0 =	simm.s32 @p2 $0x1  }
0x17: {  	s4 =	simm.s32 $0x1BF5;
	[smem:$0x3FB5] =	sst s0  }
0x18: {  	s0 =	sld [smem:$0x3F98];
	_ =	swait.ge [sflag:s4], $0x0  }
0x19: {  	s7 =	sld [smem:$0x3F99]  }
0x1a: {  	s8 =	sadd.s32 $0xFFFFE003, lr  }
0x1b: {  	s9 =	sadd.s32 $0xFFFFFEF7, lr;
	s5 =	simm.s32 $0xFFFFFFFF;
	p2 =	slt.u32 s8, $0xFFFFF086  }
0x1c: {  	p1 =	slt.u32 s9, $0xF7A;
	s5 =	simm.s32 @!p2 $0x0  }
0x1d: {  	s5 =	simm.s32 @p1 $0x1;
	p0 =	seq.s32 s7, s2  }
0x1e: {  	s7 =	smul.u32 @!p0 $0xF7A, s2;
	p2 =	seq.s32 @!p0 s5, $0x0  }
0x1f: {  	s9 =	smul.u32 $0xF7A, s1;
	s8 =	simm.s32 @!p0 $0x1BF5;
	p2 =	por !p2, p0  }
0x20: {  	[sflag:s8] =	ssyncset.s32 @!p0 $0xFFFFF086;
	s6 =	sadd.s32 @!p0 s3, s7;
	s7 =	simm.s32 @!p0 $0x108  }
0x21: {  	s3 =	sadd.s32 s3, s9;
	s6 =	sadd.s32 @!p0 $0x88, s6;
	s7 =	simm.s32 @p2 $0x1082  }
0x22: {  	[simem:s7], [sflag:s8] =	dma.local @!p0 [hbm:s6], $0xF7A  }
0x23: {  	s9 =	sor.u32 $0xD0000000, s2;
	s6 =	simm.s32 $0x108;
	_ =	swait.ge @!p0 [sflag:s8], $0x0  }
0x24: {  	s3 =	sadd.s32 $0x88, s3;
	s6 =	simm.s32 @!p1 $0x1082;
	[sflag:s4] =	ssyncset.s32 $0xFFFFF086  }
0x25: {  	[simem:s6], [sflag:s4] =	dma.local [hbm:s3], $0xF7A  }
0x26: {  	[smem:$0x3F99] =	sst s1;
	(tag) =	ssettag s2;
	_ =	strace s9  }
0x27: {  	s1 =	sld [smem:$0x3FA9]  }
0x28: {  	s2 =	sld [smem:$0x3FAA]  }
0x29: {  	s4 =	sld [smem:$0x3FAC]  }
0x2a: {  	p0 =	seq.s32 s5, $0x0;
	s5 =	sld [smem:$0x3FAD]  }
0x2b: {  	s6 =	sld [smem:$0x3FAE]  }
0x2c: {  	s7 =	sld [smem:$0x3FAF]  }
0x2d: {  	s3 =	simm.s32 $0x108;
	s8 =	sld [smem:$0x3FB0]  }
0x2e: {  	s3 =	simm.s32 @!p0 $0x1082;
	s9 =	sld [smem:$0x3FB1]  }
0x2f: {  	lr =	sadd.s32 s0, s3;
	s0 =	sld [smem:$0x3FA8]  }
0x30: {  	s3 =	sld [smem:$0x3FAB]  }
0x31: {  	[smem:$0x3FB4] =	sst s10  }
0x32: {  	s10 =	sld [smem:$0x3FB2];
	_ =	sdelay $0x3  }
0x33: {  	p0 =	seq.s32 s10, $0x1;
	s10 =	sld [smem:$0x3FB4];
	_ =	sdelay $0x3  }
0x34: {  	[smem:$0x3FB4] =	sst s10  }
0x35: {  	s10 =	sld [smem:$0x3FB3];
	_ =	sdelay $0x3  }
0x36: {  	p1 =	seq.s32 s10, $0x1;
	s10 =	sld [smem:$0x3FB4];
	_ =	sdelay $0x3  }
0x37: {  	[smem:$0x3FB4] =	sst s10  }
0x38: {  	s10 =	sld [smem:$0x3FB5]  }
0x39: {  	_ = 	snop;
	(pc) =	sbr.ind lr, $3  }
0x3a: {  	_ = 	snop  }
0x3b: {  	_ = 	snop  }
0x3c: {  	p2 =	seq.s32 s10, $0x1;
	s10 =	sld [smem:$0x3FB4]  }
0x3d: {  	_ =	shalt  }
0x3e: {  	_ =	shalt  }
0x3f: {  	_ =	shalt  }
0x40: {  	_ =	shalt  }
0x41: {  	_ =	shalt  }
0x42: {  	_ =	shalt  }
0x43: {  	_ =	shalt  }
0x44: {  	_ =	shalt  }
0x45: {  	_ =	shalt  }
0x46: {  	_ =	shalt  }
0x47: {  	_ =	shalt  }
0x48: {  	_ =	shalt  }
0x49: {  	_ =	shalt  }
0x4a: {  	_ =	shalt  }
0x4b: {  	_ =	shalt  }
0x4c: {  	_ =	shalt  }
0x4d: {  	_ =	shalt  }
0x4e: {  	_ =	shalt  }
0x4f: {  	_ =	shalt  }
0x50: {  	_ =	shalt  }
0x51: {  	_ =	shalt  }
0x52: {  	_ =	shalt  }
0x53: {  	_ =	shalt  }
0x54: {  	_ =	shalt  }
0x55: {  	_ =	shalt  }
0x56: {  	_ =	shalt  }
0x57: {  	_ =	shalt  }
0x58: {  	_ =	shalt  }
0x59: {  	_ =	shalt  }
0x5a: {  	_ =	shalt  }
0x5b: {  	_ =	shalt  }
0x5c: {  	_ =	shalt  }
0x5d: {  	_ =	shalt  }
0x5e: {  	_ =	shalt  }
0x5f: {  	_ =	shalt  }
0x60: {  	_ =	shalt  }
0x61: {  	_ =	shalt  }
0x62: {  	_ =	shalt  }
0x63: {  	_ =	shalt  }
0x64: {  	_ =	shalt  }
0x65: {  	_ =	shalt  }
0x66: {  	_ =	shalt  }
0x67: {  	_ =	shalt  }
0x68: {  	_ =	shalt  }
0x69: {  	_ =	shalt  }
0x6a: {  	_ =	shalt  }
0x6b: {  	_ =	shalt  }
0x6c: {  	_ =	shalt  }
0x6d: {  	_ =	shalt  }
0x6e: {  	_ =	shalt  }
0x6f: {  	_ =	shalt  }
0x70: {  	_ =	shalt  }
0x71: {  	_ =	shalt  }
0x72: {  	_ =	shalt  }
0x73: {  	_ =	shalt  }
0x74: {  	_ =	shalt  }
0x75: {  	_ =	shalt  }
0x76: {  	_ =	shalt  }
0x77: {  	_ =	shalt  }
0x78: {  	_ =	shalt  }
0x79: {  	_ =	shalt  }
0x7a: {  	_ =	shalt  }
0x7b: {  	_ =	shalt  }
0x7c: {  	_ =	shalt  }
0x7d: {  	_ =	shalt  }
0x7e: {  	_ =	shalt  }
0x7f: {  	_ =	shalt  }
0x80: {  	_ =	shalt  }
0x81: {  	_ =	shalt  }
0x82: {  	_ =	shalt  }
0x83: {  	_ =	shalt  }
0x84: {  	_ =	shalt  }
0x85: {  	_ =	shalt  }
0x86: {  	_ =	shalt  }
0x87: {  	_ =	shalt  }
.Lfunc_end0:
.L_simem_size_0:
called_computation.2_lowered:
.L_overlay_start_0:
0x88: {  	s2 =	sld [smem:$0x3FD9]  }
0x89: {  	s3 =	sld [smem:$0x3FFE];
	_ =	sdelay $0x1  }
0x8a: {  	s1 =	srdreg.scid  }
0x8b: {  	s0 =	sand.u32 $0x1, s1  }
0x8c: {  	s16 =	sshll.u32 s0, $0xA;
	s2 =	sadd.s32 s3, s2  }
0x8d: {  	s2 =	sadd.s32 s2, s16  }
0x8e: {  	[smem:$0x3FC0] =	sst s2  }
0x8f: {  	_ = 	snop  }
0x90: {  	(tm) =	ssettm $0x1  }
0x91: {  	s17 =	sld [smem:$0x3FFB];
	_ =	sdelay $0x3  }
0x92: {  	_ =	strace s17  }
0x93: {  	s2 =	sld [smem:$0x3FFC];
	_ =	sdelay $0x3  }
0x94: {  	_ =	strace s2  }
0x95: {  	s2 =	sld [smem:$0x3FFD];
	_ =	sdelay $0x3  }
0x96: {  	_ =	strace s2  }
0x97: {  	_ =	strace $0x8FFFFFFF  }
0x98: {  	s18 =	sld [smem:$0x3FDB];
	_ =	sdelay $0x1  }
0x99: {  	s19 =	simm.s32 $_scs_section_size  }
0x9a: {  	s4 =	simm.s32 $_size__tile_overlayer_lowered;
	s5 =	simm.s32 $_tile_overlayer_lowered  }
0x9b: {  	s22 =	simm.s32 $0x1BFF;
	s21 =	sshll.u32 s5, $0x1;
	s2 =	sadd.s32 s19, s18  }
0x9c: {  	s6 =	simm.s32 $0x0;
	s20 =	sshll.u32 s4, $0x1;
	s4 =	sadd.s32 s21, s2  }
0x9d: {  	[timem:s6], [sflag:s22] =	dma.local [hbm:s4], s20  }
0x9e: {  	_ =	swait.ge [sflag:s22], s20  }
0x9f: {  	s3 =	ssub.s32 $0x0, s20;
	[sflag:s22] =	ssyncset.done $0x0  }
0xa0: {  	[sflag:s22] =	ssyncadd.s32 s3;
	_ =	sdelay $0x1  }
0xa1: {  	s23 =	simm.s32 $0x1B8B  }
0xa2: {  	_ =	swait.ge [sflag:s23], $0x1  }
0xa3: {  	[sflag:s23] =	ssyncset.done $0x0  }
0xa4: {  	s25 =	simm.s32 $0x1B8E;
	s24 =	sld [smem:$0x3FFE];
	[sflag:s23] =	ssyncadd.s32 $0xFFFFFFFF  }
0xa5: {  	s26 =	simm.s32 $execute0_lowered;
	[smem:$0x3FD2] =	sst s25  }
0xa6: {  	s4 =	sshll.u32 s26, $0x1;
	_ =	strace $0x8000004C;
	[dreg:$0x1] =	wrdreg $0xFFFFFFFF  }
0xa7: {  	s28 =	simm.s32 $_size_execute0_lowered;
	s2 =	sadd.s32 s2, s4;
	[dreg:$0x0] =	wrdreg $0x0  }
0xa8: {  	s4 =	sshll.u32 s28, $0x1;
	[dreg:$0x2] =	wrdreg s2  }
0xa9: {  	[dreg:$0x3] =	wrdreg s4  }
0xaa: {  	[dreg:$0x4] =	wrdreg $0xC0  }
0xab: {  	_ =	task [dreg:s6], $0x5FFFF  }
0xac: {  	[dreg:$0x1] =	wrdreg $0xFFFFFFFF  }
0xad: {  	[dreg:$0x0] =	wrdreg $0x60  }
0xae: {  	[dreg:$0x2] =	wrdreg s24  }
0xaf: {  	[dreg:$0x3] =	wrdreg $0x90000  }
0xb0: {  	[dreg:$0x4] =	wrdreg $0x9  }
0xb1: {  	_ =	task.clear_ibuf [dreg:s6], $0x5FFFF;
	_ =	strace $0x9000004C  }
0xb2: {  	s29 =	simm.s32 $0x9;
	_ =	strace $0x8000004E  }
0xb3: {  	_ =	swait.ge [sflag:s29], $0x1  }
0xb4: {  	[sflag:s29] =	ssyncadd.s32 $0xFFFFFFFF  }
0xb5: {  	_ =	strace $0x9000004E  }
0xb6: {  	_ =	sfence  }
0xb7: {  	s30 =	sld [smem:$0x0];
	_ =	sdelay $0x2  }
0xb8: {  	s31 =	sshll.u32 s1, $0xD;
	s1 =	sshrl.u32 s1, $0x2  }
0xb9: {  	s3 =	sand.u32 $0x4000, s31;
	s1 =	sadd.s32 s1, s30  }
0xba: {  	s0 =	sor.u32 s3, s0;
	s1 =	sshll.u32 s1, $0x11  }
0xbb: {  	s0 =	sor.u32 s1, s0  }
0xbc: {  	s0 =	sadd.s32 $0x8F2B, s0  }
0xbd: {  	[sflag:s0] =	ssyncadd.remote.s32 $0x1  }
0xbe: {  	_ =	sfence.sel $0xFFFF  }
0xbf: {  	[dreg:$0x0] =	wrdreg $0xFFFFFFFF;
	(pc) =	sbr.abs _section_cstart, $3  }
0xc0: {  	[dreg:$0x1] =	wrdreg $0xFFFFFFFF  }
0xc1: {  	_ =	task.clear_ibuf [dreg:s6], $0x2FFFF;
	_ =	strace $0x9FFFFFFF  }
0xc2: {  	(tm) =	ssettm $0x7FFFFFFF  }
0xc3: {  	_ =	shalt  }
tec
execute0_lowered:
.L_overlay_start_1:
0x0: {  	(tag) =	ssettag $0x1  }
0x1: {  	s8 =	rddreg [dreg:$0x0]  }
0x2: {  	s2 =	rddreg [dreg:$0x1]  }
0x3: {  	s0 =	rddreg [dreg:$0x2];
	s3 =	simm.s32 $0x0;
	s1 =	stileid.u32  }
0x4: {  	s7 =	srdreg.scid;
	s23 =	simm.s32 $0x1;
	s24 =	simm.s32 $0x2800  }
0x5: {  	s25 =	simm.s32 $0x80;
	s26 =	simm.s32 $0x0;
	s6 =	smul.u32 $0x500, s1  }
0x6: {  	[smem:$0x7FF] =	sst s3;
	s4 =	sadd.s32 $0x5F400, s8;
	s11 =	smul.u32 $0x280, s1  }
0x7: {  	s5 =	sadd.s32 $0x87400, s8;
	s22 =	sand.u32 $0x1, s7;
	s9 =	smul.u32 $0x50000, s1  }
0x8: {  	s7 =	sadd.s32 $0xAF400, s8;
	s16 =	smul.u32 $0x2800, s1;
	_ =	strace $0x8000004D  }
0x9: {  	s10 =	ssub.s32 $0x2, s22;
	p0 =	sne.s32 s22, $0x0;
	s22 =	simm.s32 $0x5000  }
0xa: {  	s15 =	sadd.s32 s6, s8;
	s6 =	sadd.s32 $0xE400, s8;
	s8 =	sadd.s32 $0xD7400, s8  }
0xb: {  	s12 =	sshrl.u32 s10, $0x1;
	s9 =	sshrl.u32 s9, $0x2;
	s17 =	sadd.s32 $0x80, s11  }
0xc: {  	s18 =	sadd.s32 $0x100, s11;
	s19 =	sadd.s32 $0x180, s11;
	s20 =	sadd.s32 $0x200, s11  }
0xd: {  	s21 =	ssub.s32 s10, s12;
	s9 =	sadd.s32 s9, s2;
	s29 =	sshll.u32 s17, $0x7  }
.Ltmp0:
0xe: {  	s30 =	sshll.u32 s18, $0x7;
	s13 =	sshll.u32 s19, $0x7;
	(pc) =	sbr.rel .LBB2_1-.Ltmp0, $4  }
0xf: {  	s31 =	sshll.u32 s20, $0x7;
	s14 =	sadd.s32 $0x9400, s15;
	s15 =	sadd.s32 $0x4400, s15  }
0x10: {  	s17 =	sshll.u32 s17, $0x4;
	s18 =	sshll.u32 s18, $0x4;
	s19 =	sshll.u32 s19, $0x4  }
0x11: {  	s20 =	sshll.u32 s20, $0x4;
	s10 =	sadd.s32 s29, s2;
	s11 =	sadd.s32 s30, s2  }
0x12: {  	s12 =	sadd.s32 s13, s2;
	s13 =	sadd.s32 s31, s2;
	s21 =	smax.u32 s21, $0x1  }
.LBB2_7:
0x13: {  	s28 =	sshra.s32 s28, $0x2;
	[sflag:s23] =	ssyncadd.s32 $0xFFFFC000  }
0x14: {  	[tilespmem:s22], [sflag:$0x1] =	stream.indirect.gather [hbm4b:s5+s25], $0x80, s28, s25, $0xb8;
	[tilespmem:$0x1D000] =	vst v63  }
0x15: {  	_ =	swait.ge [sflag:s23], $0x4000  }
0x16: {  	[sflag:s23] =	ssyncset.done $0x0  }
0x17: {  	s28 =	sadd.s32 $0x2800, s28;
	[sflag:s23] =	ssyncadd.s32 $0xFFFFC000  }
0x18: {  	[spmem:s2] =	stream.indirect.scatter.add.f32 [tilespmem:s22], [sflag:$0x1], $0x80, s28, s25, $0xb8;
	[tilespmem:$0x1D000] =	vst v63  }
0x19: {  	_ =	swait.ge [sflag:s23], $0x4000  }
0x1a: {  	[sflag:s23] =	ssyncset.done $0x0  }
0x1b: {  	s28 =	smov.u32 s8;
	[sflag:s23] =	ssyncadd.s32 $0xFFFFC000  }
.LBB2_8:
0x1c: {  	[bflag:$0x0] =	sbarrier.arrive $0xFFFF  }
0x1d: {  	[tilespmem:s22], [sflag:$0x1] =	stream.linear.gather [spmem:s9], $0x4000, $0x38;
	[tilespmem:$0x1D000] =	vst v63  }
0x1e: {  	_ =	swait.ge [sflag:s23], $0x4000  }
0x1f: {  	[sflag:s23] =	ssyncset.done $0x0  }
0x20: {  	s29 =	sadd.s32 s28, s16;
	[sflag:s23] =	ssyncadd.s32 $0xFFFFC000  }
0x21: {  	[hbm4b:s29+s3] =	stream.linear.scatter [tilespmem:s22], [sflag:$0x1], $0x4000, $0x38;
	[tilespmem:$0x1D000] =	vst v63  }
0x22: {  	_ =	swait.ge [sflag:s23], $0x4000  }
0x23: {  	[sflag:s23] =	ssyncset.done $0x0  }
0x24: {  	[sflag:s23] =	ssyncadd.s32 $0xFFFFC000  }
0x25: {  	[tilespmem:s22], [sflag:$0x1] =	stream.linear.gather [spmem:s10], $0x4000, $0x38;
	[tilespmem:$0x1D000] =	vst v63  }
0x26: {  	_ =	swait.ge [sflag:s23], $0x4000  }
0x27: {  	[sflag:s23] =	ssyncset.done $0x0  }
0x28: {  	s30 =	sadd.s32 s28, s17;
	[sflag:s23] =	ssyncadd.s32 $0xFFFFC000  }
0x29: {  	[hbm4b:s30+s3] =	stream.linear.scatter [tilespmem:s22], [sflag:$0x1], $0x4000, $0x38;
	[tilespmem:$0x1D000] =	vst v63  }
0x2a: {  	_ =	swait.ge [sflag:s23], $0x4000  }
0x2b: {  	[sflag:s23] =	ssyncset.done $0x0  }
0x2c: {  	[sflag:s23] =	ssyncadd.s32 $0xFFFFC000  }
0x2d: {  	[tilespmem:s22], [sflag:$0x1] =	stream.linear.gather [spmem:s11], $0x4000, $0x38;
	[tilespmem:$0x1D000] =	vst v63  }
0x2e: {  	_ =	swait.ge [sflag:s23], $0x4000  }
0x2f: {  	[sflag:s23] =	ssyncset.done $0x0  }
0x30: {  	s31 =	sadd.s32 s28, s18;
	[sflag:s23] =	ssyncadd.s32 $0xFFFFC000  }
0x31: {  	[hbm4b:s31+s3] =	stream.linear.scatter [tilespmem:s22], [sflag:$0x1], $0x4000, $0x38;
	[tilespmem:$0x1D000] =	vst v63  }
0x32: {  	_ =	swait.ge [sflag:s23], $0x4000  }
0x33: {  	[sflag:s23] =	ssyncset.done $0x0  }
0x34: {  	[sflag:s23] =	ssyncadd.s32 $0xFFFFC000  }
0x35: {  	[tilespmem:s22], [sflag:$0x1] =	stream.linear.gather [spmem:s12], $0x4000, $0x38;
	[tilespmem:$0x1D000] =	vst v63  }
0x36: {  	_ =	swait.ge [sflag:s23], $0x4000  }
0x37: {  	[sflag:s23] =	ssyncset.done $0x0  }
0x38: {  	s30 =	sadd.s32 s28, s19;
	[sflag:s23] =	ssyncadd.s32 $0xFFFFC000  }
0x39: {  	[hbm4b:s30+s3] =	stream.linear.scatter [tilespmem:s22], [sflag:$0x1], $0x4000, $0x38;
	[tilespmem:$0x1D000] =	vst v63  }
0x3a: {  	_ =	swait.ge [sflag:s23], $0x4000  }
0x3b: {  	[sflag:s23] =	ssyncset.done $0x0  }
0x3c: {  	[sflag:s23] =	ssyncadd.s32 $0xFFFFC000  }
0x3d: {  	[tilespmem:s22], [sflag:$0x1] =	stream.linear.gather [spmem:s13], $0x4000, $0x38;
	[tilespmem:$0x1D000] =	vst v63  }
0x3e: {  	s26 =	sadd.s32 $0x1, s26;
	_ =	swait.ge [sflag:s23], $0x4000  }
0x3f: {  	p1 =	sne.s32 s26, s21;
	[sflag:s23] =	ssyncset.done $0x0  }
.Ltmp1:
0x40: {  	s31 =	sadd.s32 s28, s20;
	[sflag:s23] =	ssyncadd.s32 $0xFFFFC000;
	(pc) =	sbr.rel @!p1 .LBB2_9-.Ltmp1, $4  }
0x41: {  	[hbm4b:s31+s3] =	stream.linear.scatter [tilespmem:s22], [sflag:$0x1], $0x4000, $0x38;
	[tilespmem:$0x1D000] =	vst v63  }
0x42: {  	_ =	swait.ge [sflag:s23], $0x4000  }
0x43: {  	[sflag:s23] =	ssyncset.done $0x0  }
0x44: {  	[sflag:s23] =	ssyncadd.s32 $0xFFFFC000  }
.LBB2_1:
0x45: {  	[tilespmem:s22], [sflag:$0x1] =	stream.linear.gather [hbm4b:s6+s3], $0x4000, $0x38;
	[tilespmem:$0x1D000] =	vst v63  }
0x46: {  	_ =	swait.ge [sflag:s23], $0x4000  }
0x47: {  	[sflag:s23] =	ssyncset.done $0x0  }
0x48: {  	[sflag:s23] =	ssyncadd.s32 $0xFFFFC000  }
0x49: {  	[spmem:s9] =	stream.linear.scatter [tilespmem:s22], [sflag:$0x1], $0x4000, $0x38;
	[tilespmem:$0x1D000] =	vst v63  }
0x4a: {  	_ =	swait.ge [sflag:s23], $0x4000  }
0x4b: {  	[sflag:s23] =	ssyncset.done $0x0  }
0x4c: {  	[sflag:s23] =	ssyncadd.s32 $0xFFFFC000  }
0x4d: {  	[spmem:s10] =	stream.linear.scatter [tilespmem:s22], [sflag:$0x1], $0x4000, $0x38;
	[tilespmem:$0x1D000] =	vst v63  }
0x4e: {  	_ =	swait.ge [sflag:s23], $0x4000  }
0x4f: {  	[sflag:s23] =	ssyncset.done $0x0  }
0x50: {  	[sflag:s23] =	ssyncadd.s32 $0xFFFFC000  }
0x51: {  	[spmem:s11] =	stream.linear.scatter [tilespmem:s22], [sflag:$0x1], $0x4000, $0x38;
	[tilespmem:$0x1D000] =	vst v63  }
0x52: {  	_ =	swait.ge [sflag:s23], $0x4000  }
0x53: {  	[sflag:s23] =	ssyncset.done $0x0  }
0x54: {  	[sflag:s23] =	ssyncadd.s32 $0xFFFFC000  }
0x55: {  	[spmem:s12] =	stream.linear.scatter [tilespmem:s22], [sflag:$0x1], $0x4000, $0x38;
	[tilespmem:$0x1D000] =	vst v63  }
0x56: {  	_ =	swait.ge [sflag:s23], $0x4000  }
0x57: {  	[sflag:s23] =	ssyncset.done $0x0  }
0x58: {  	[sflag:s23] =	ssyncadd.s32 $0xFFFFC000  }
0x59: {  	[spmem:s13] =	stream.linear.scatter [tilespmem:s22], [sflag:$0x1], $0x4000, $0x38;
	[tilespmem:$0x1D000] =	vst v63  }
0x5a: {  	_ =	swait.ge [sflag:s23], $0x4000  }
0x5b: {  	[sflag:s23] =	ssyncset.done $0x0  }
0x5c: {  	[sflag:s23] =	ssyncadd.s32 $0xFFFFC000  }
0x5d: {  	[tilespmem:s3], [sflag:$0x1] =	stream.linear.gather [hbm4b:s14+s3], $0x2800, $0x38;
	[tilespmem:$0x1D000] =	vst v63  }
0x5e: {  	_ =	swait.ge [sflag:s23], $0x2800  }
0x5f: {  	[sflag:s23] =	ssyncset.done $0x0  }
0x60: {  	[sflag:s23] =	ssyncadd.s32 $0xFFFFD800  }
0x61: {  	[tilespmem:s24], [sflag:$0x1] =	stream.linear.gather [hbm4b:s15+s3], $0x2800, $0x38;
	[tilespmem:$0x1D000] =	vst v63  }
.Ltmp2:
0x62: {  	_ =	swait.ge [sflag:s23], $0x2800;
	(pc) =	sbr.rel @p0 .LBB2_5-.Ltmp2, $4  }
0x63: {  	[sflag:s23] =	ssyncset.done $0x0  }
0x64: {  	[sflag:s23] =	ssyncadd.s32 $0xFFFFD800  }
0x65: {  	[bflag:$0x0] =	sbarrier.arrive $0xFFFF  }
0x66: {  	s28 =	simm.s32 $0x0  }
0x67: {  	[tilespmem:s22], [sflag:$0x1] =	stream.indirect.gather [hbm4b:s4+s25], $0x80, s28, s25, $0xb8;
	[tilespmem:$0x1D000] =	vst v63  }
0x68: {  	_ =	swait.ge [sflag:s23], $0x4000  }
0x69: {  	[sflag:s23] =	ssyncset.done $0x0  }
0x6a: {  	s28 =	simm.s32 $0x2800;
	[sflag:s23] =	ssyncadd.s32 $0xFFFFC000  }
0x6b: {  	[spmem:s2] =	stream.indirect.scatter.add.f32 [tilespmem:s22], [sflag:$0x1], $0x80, s28, s25, $0xb8;
	[tilespmem:$0x1D000] =	vst v63  }
0x6c: {  	_ =	swait.ge [sflag:s23], $0x4000  }
0x6d: {  	s29 =	simm.s32 $0x400;
	s28 =	simm.s32 $0x200;
	[sflag:s23] =	ssyncset.done $0x0  }
.LBB2_3:
0x6e: {  	s30 =	sshra.s32 s28, $0x2  }
0x6f: {  	[sflag:s23] =	ssyncadd.s32 $0xFFFFC000;
	s28 =	smov.u32 s29;
	s31 =	sadd.s32 $0x200, s29  }
0x70: {  	[tilespmem:s22], [sflag:$0x1] =	stream.indirect.gather [hbm4b:s4+s25], $0x80, s30, s25, $0xb8;
	[tilespmem:$0x1D000] =	vst v63  }
0x71: {  	p1 =	seq.s32 s29, $0x9E00;
	_ =	swait.ge [sflag:s23], $0x4000  }
.Ltmp3:
0x72: {  	[sflag:s23] =	ssyncset.done $0x0;
	(pc) =	sbr.rel @!p1 .LBB2_3-.Ltmp3, $4  }
0x73: {  	s29 =	sadd.s32 $0x2800, s30;
	[sflag:s23] =	ssyncadd.s32 $0xFFFFC000  }
0x74: {  	[spmem:s2] =	stream.indirect.scatter.add.f32 [tilespmem:s22], [sflag:$0x1], $0x80, s29, s25, $0xb8;
	[tilespmem:$0x1D000] =	vst v63  }
0x75: {  	_ =	swait.ge [sflag:s23], $0x4000  }
0x76: {  	s29 =	smov.u32 s31;
	[sflag:s23] =	ssyncset.done $0x0  }
0x77: {  	s28 =	sshra.s32 s28, $0x2;
	[sflag:s23] =	ssyncadd.s32 $0xFFFFC000  }
0x78: {  	[tilespmem:s22], [sflag:$0x1] =	stream.indirect.gather [hbm4b:s4+s25], $0x80, s28, s25, $0xb8;
	[tilespmem:$0x1D000] =	vst v63  }
0x79: {  	_ =	swait.ge [sflag:s23], $0x4000  }
0x7a: {  	[sflag:s23] =	ssyncset.done $0x0  }
.Ltmp4:
0x7b: {  	s28 =	sadd.s32 $0x2800, s28;
	[sflag:s23] =	ssyncadd.s32 $0xFFFFC000;
	(pc) =	sbr.rel .LBB2_8-.Ltmp4, $4  }
0x7c: {  	[spmem:s2] =	stream.indirect.scatter.add.f32 [tilespmem:s22], [sflag:$0x1], $0x80, s28, s25, $0xb8;
	[tilespmem:$0x1D000] =	vst v63  }
0x7d: {  	_ =	swait.ge [sflag:s23], $0x4000  }
0x7e: {  	[sflag:s23] =	ssyncset.done $0x0  }
0x7f: {  	s28 =	smov.u32 s7;
	[sflag:s23] =	ssyncadd.s32 $0xFFFFC000  }
.LBB2_5:
0x80: {  	[tilespmem:s22], [sflag:$0x1] =	stream.indirect.gather [hbm4b:s5+s25], $0x80, s28, s25, $0xb8;
	[tilespmem:$0x1D000] =	vst v63  }
0x81: {  	_ =	swait.ge [sflag:s23], $0x4000  }
0x82: {  	[sflag:s23] =	ssyncset.done $0x0  }
0x83: {  	s28 =	simm.s32 $0x2800;
	[sflag:s23] =	ssyncadd.s32 $0xFFFFC000  }
0x84: {  	[spmem:s2] =	stream.indirect.scatter.add.f32 [tilespmem:s22], [sflag:$0x1], $0x80, s28, s25, $0xb8;
	[tilespmem:$0x1D000] =	vst v63  }
0x85: {  	_ =	swait.ge [sflag:s23], $0x4000  }
0x86: {  	s29 =	simm.s32 $0x400;
	s28 =	simm.s32 $0x200;
	[sflag:s23] =	ssyncset.done $0x0  }
.LBB2_6:
0x87: {  	s30 =	sshra.s32 s28, $0x2  }
0x88: {  	[sflag:s23] =	ssyncadd.s32 $0xFFFFC000;
	s28 =	smov.u32 s29;
	s31 =	sadd.s32 $0x200, s29  }
0x89: {  	[tilespmem:s22], [sflag:$0x1] =	stream.indirect.gather [hbm4b:s5+s25], $0x80, s30, s25, $0xb8;
	[tilespmem:$0x1D000] =	vst v63  }
0x8a: {  	p1 =	sne.s32 s29, $0x9E00;
	_ =	swait.ge [sflag:s23], $0x4000  }
.Ltmp5:
0x8b: {  	[sflag:s23] =	ssyncset.done $0x0;
	(pc) =	sbr.rel @p1 .LBB2_6-.Ltmp5, $4  }
0x8c: {  	s29 =	sadd.s32 $0x2800, s30;
	[sflag:s23] =	ssyncadd.s32 $0xFFFFC000  }
0x8d: {  	[spmem:s2] =	stream.indirect.scatter.add.f32 [tilespmem:s22], [sflag:$0x1], $0x80, s29, s25, $0xb8;
	[tilespmem:$0x1D000] =	vst v63  }
0x8e: {  	_ =	swait.ge [sflag:s23], $0x4000  }
0x8f: {  	s29 =	smov.u32 s31;
	[sflag:s23] =	ssyncset.done $0x0  }
.Ltmp6:
0x90: {  	_ = 	snop;
	(pc) =	sbr.rel .LBB2_7-.Ltmp6, $1  }
0x91: {  	_ =	sdelay $0x3  }
.LBB2_9:
0x92: {  	_ =	sfence.sel $0x180000  }
0x93: {  	[bflag:$0x0] =	sbarrier.arrive $0xFFFF  }
0x94: {  	p0 =	sne.s32 s1, $0x0;
	_ =	strace $0x9000004D  }
0x95: {  	s0 =	sadd.s32 @!p0 $0x100000, s0;
	[bflag:$0x2] =	sbarrier.arrive $0xFFFF  }
0x96: {  	[sflag:s0] =	ssyncadd.tile.s32 @!p0 $0x1;
	_ =	shalt  }
.Lfunc_end2:
_tile_overlayer_lowered:
.L_overlay_start_2:
0x97: {  	(tag) =	ssettag $0x2  }
0x98: {  	s0 =	rddreg [dreg:$0x0];
	s2 =	stileid.u32  }
0x99: {  	s1 =	rddreg [dreg:$0x1];
	p0 =	sne.s32 s2, $0x0  }
0x9a: {  	s3 =	rddreg [dreg:$0x2];
	[bflag:$0x3] =	sbarrier.arrive $0xFFFF;
	s2 =	simm.s32 @!p0 $0x1C01  }
0x9b: {  	[timem:s3], [sflag:s2] =	dma.local @!p0 [hbm:s0], s1  }
0x9c: {  	s0 =	simm.s32 @!p0 $0x1  }
0x9d: {  	_ =	swait.ge @!p0 [sflag:s0], s1  }
0x9e: {  	s1 =	ssub.s32 @!p0 $0x0, s1;
	[sflag:s0] =	ssyncset.done @!p0 $0x0  }
0x9f: {  	[sflag:s0] =	ssyncadd.s32 @!p0 s1  }
0xa0: {  	[bflag:$0x3] =	sbarrier.arrive $0xFFFF  }
0xa1: {  	_ =	shalt  }

// kernel: kernel.8.cloned.1.call-start
scs
__scs_entry_jumppad:
0x0: {  	(pc) =	sbr.rel $0x88, $3  }
0x1: {  	(tag) =	ssettag $0x0;
	lr =	simm.s32 $0x1  }
0x2: {  	[smem:$0x3F99] =	sst lr;
	_ =	strace $0xD0000000  }
0x3: {  	_ = 	snop  }
0x4: {  	_ = 	snop  }
0x5: {  	_ = 	snop  }
0x6: {  	_ = 	snop  }
0x7: {  	_ = 	snop  }
__scs_overlays_trampoline_lowered:
0x8: {  	[smem:$0x3FA8] =	sst s0  }
0x9: {  	[smem:$0x3FA9] =	sst s1  }
0xa: {  	[smem:$0x3FAA] =	sst s2  }
0xb: {  	[smem:$0x3FAB] =	sst s3  }
0xc: {  	[smem:$0x3FAC] =	sst s4  }
0xd: {  	[smem:$0x3FAD] =	sst s5  }
0xe: {  	[smem:$0x3FAE] =	sst s6  }
0xf: {  	[smem:$0x3FAF] =	sst s7  }
0x10: {  	[smem:$0x3FB0] =	sst s8  }
0x11: {  	[smem:$0x3FB1] =	sst s9;
	s0 =	simm.s32 @!p0 $0x0  }
0x12: {  	s1 =	sld [smem:$0x3F97];
	s0 =	simm.s32 @p0 $0x1  }
0x13: {  	[smem:$0x3FB2] =	sst s0;
	s0 =	simm.s32 @!p1 $0x0  }
0x14: {  	s2 =	sld [smem:$0x3F96];
	s0 =	simm.s32 @p1 $0x1  }
0x15: {  	[smem:$0x3FB3] =	sst s0;
	s0 =	simm.s32 @!p2 $0x0  }
0x16: {  	s3 =	sld [smem:$0x3FDB];
	s0 =	simm.s32 @p2 $0x1  }
0x17: {  	s4 =	simm.s32 $0x1BF5;
	[smem:$0x3FB5] =	sst s0  }
0x18: {  	s0 =	sld [smem:$0x3F98];
	_ =	swait.ge [sflag:s4], $0x0  }
0x19: {  	s7 =	sld [smem:$0x3F99]  }
0x1a: {  	s8 =	sadd.s32 $0xFFFFE003, lr  }
0x1b: {  	s9 =	sadd.s32 $0xFFFFFEF7, lr;
	s5 =	simm.s32 $0xFFFFFFFF;
	p2 =	slt.u32 s8, $0xFFFFF086  }
0x1c: {  	p1 =	slt.u32 s9, $0xF7A;
	s5 =	simm.s32 @!p2 $0x0  }
0x1d: {  	s5 =	simm.s32 @p1 $0x1;
	p0 =	seq.s32 s7, s2  }
0x1e: {  	s7 =	smul.u32 @!p0 $0xF7A, s2;
	p2 =	seq.s32 @!p0 s5, $0x0  }
0x1f: {  	s9 =	smul.u32 $0xF7A, s1;
	s8 =	simm.s32 @!p0 $0x1BF5;
	p2 =	por !p2, p0  }
0x20: {  	[sflag:s8] =	ssyncset.s32 @!p0 $0xFFFFF086;
	s6 =	sadd.s32 @!p0 s3, s7;
	s7 =	simm.s32 @!p0 $0x108  }
0x21: {  	s3 =	sadd.s32 s3, s9;
	s6 =	sadd.s32 @!p0 $0x88, s6;
	s7 =	simm.s32 @p2 $0x1082  }
0x22: {  	[simem:s7], [sflag:s8] =	dma.local @!p0 [hbm:s6], $0xF7A  }
0x23: {  	s9 =	sor.u32 $0xD0000000, s2;
	s6 =	simm.s32 $0x108;
	_ =	swait.ge @!p0 [sflag:s8], $0x0  }
0x24: {  	s3 =	sadd.s32 $0x88, s3;
	s6 =	simm.s32 @!p1 $0x1082;
	[sflag:s4] =	ssyncset.s32 $0xFFFFF086  }
0x25: {  	[simem:s6], [sflag:s4] =	dma.local [hbm:s3], $0xF7A  }
0x26: {  	[smem:$0x3F99] =	sst s1;
	(tag) =	ssettag s2;
	_ =	strace s9  }
0x27: {  	s1 =	sld [smem:$0x3FA9]  }
0x28: {  	s2 =	sld [smem:$0x3FAA]  }
0x29: {  	s4 =	sld [smem:$0x3FAC]  }
0x2a: {  	p0 =	seq.s32 s5, $0x0;
	s5 =	sld [smem:$0x3FAD]  }
0x2b: {  	s6 =	sld [smem:$0x3FAE]  }
0x2c: {  	s7 =	sld [smem:$0x3FAF]  }
0x2d: {  	s3 =	simm.s32 $0x108;
	s8 =	sld [smem:$0x3FB0]  }
0x2e: {  	s3 =	simm.s32 @!p0 $0x1082;
	s9 =	sld [smem:$0x3FB1]  }
0x2f: {  	lr =	sadd.s32 s0, s3;
	s0 =	sld [smem:$0x3FA8]  }
0x30: {  	s3 =	sld [smem:$0x3FAB]  }
0x31: {  	[smem:$0x3FB4] =	sst s10  }
0x32: {  	s10 =	sld [smem:$0x3FB2];
	_ =	sdelay $0x3  }
0x33: {  	p0 =	seq.s32 s10, $0x1;
	s10 =	sld [smem:$0x3FB4];
	_ =	sdelay $0x3  }
0x34: {  	[smem:$0x3FB4] =	sst s10  }
0x35: {  	s10 =	sld [smem:$0x3FB3];
	_ =	sdelay $0x3  }
0x36: {  	p1 =	seq.s32 s10, $0x1;
	s10 =	sld [smem:$0x3FB4];
	_ =	sdelay $0x3  }
0x37: {  	[smem:$0x3FB4] =	sst s10  }
0x38: {  	s10 =	sld [smem:$0x3FB5]  }
0x39: {  	_ = 	snop;
	(pc) =	sbr.ind lr, $3  }
0x3a: {  	_ = 	snop  }
0x3b: {  	_ = 	snop  }
0x3c: {  	p2 =	seq.s32 s10, $0x1;
	s10 =	sld [smem:$0x3FB4]  }
0x3d: {  	_ =	shalt  }
0x3e: {  	_ =	shalt  }
0x3f: {  	_ =	shalt  }
0x40: {  	_ =	shalt  }
0x41: {  	_ =	shalt  }
0x42: {  	_ =	shalt  }
0x43: {  	_ =	shalt  }
0x44: {  	_ =	shalt  }
0x45: {  	_ =	shalt  }
0x46: {  	_ =	shalt  }
0x47: {  	_ =	shalt  }
0x48: {  	_ =	shalt  }
0x49: {  	_ =	shalt  }
0x4a: {  	_ =	shalt  }
0x4b: {  	_ =	shalt  }
0x4c: {  	_ =	shalt  }
0x4d: {  	_ =	shalt  }
0x4e: {  	_ =	shalt  }
0x4f: {  	_ =	shalt  }
0x50: {  	_ =	shalt  }
0x51: {  	_ =	shalt  }
0x52: {  	_ =	shalt  }
0x53: {  	_ =	shalt  }
0x54: {  	_ =	shalt  }
0x55: {  	_ =	shalt  }
0x56: {  	_ =	shalt  }
0x57: {  	_ =	shalt  }
0x58: {  	_ =	shalt  }
0x59: {  	_ =	shalt  }
0x5a: {  	_ =	shalt  }
0x5b: {  	_ =	shalt  }
0x5c: {  	_ =	shalt  }
0x5d: {  	_ =	shalt  }
0x5e: {  	_ =	shalt  }
0x5f: {  	_ =	shalt  }
0x60: {  	_ =	shalt  }
0x61: {  	_ =	shalt  }
0x62: {  	_ =	shalt  }
0x63: {  	_ =	shalt  }
0x64: {  	_ =	shalt  }
0x65: {  	_ =	shalt  }
0x66: {  	_ =	shalt  }
0x67: {  	_ =	shalt  }
0x68: {  	_ =	shalt  }
0x69: {  	_ =	shalt  }
0x6a: {  	_ =	shalt  }
0x6b: {  	_ =	shalt  }
0x6c: {  	_ =	shalt  }
0x6d: {  	_ =	shalt  }
0x6e: {  	_ =	shalt  }
0x6f: {  	_ =	shalt  }
0x70: {  	_ =	shalt  }
0x71: {  	_ =	shalt  }
0x72: {  	_ =	shalt  }
0x73: {  	_ =	shalt  }
0x74: {  	_ =	shalt  }
0x75: {  	_ =	shalt  }
0x76: {  	_ =	shalt  }
0x77: {  	_ =	shalt  }
0x78: {  	_ =	shalt  }
0x79: {  	_ =	shalt  }
0x7a: {  	_ =	shalt  }
0x7b: {  	_ =	shalt  }
0x7c: {  	_ =	shalt  }
0x7d: {  	_ =	shalt  }
0x7e: {  	_ =	shalt  }
0x7f: {  	_ =	shalt  }
0x80: {  	_ =	shalt  }
0x81: {  	_ =	shalt  }
0x82: {  	_ =	shalt  }
0x83: {  	_ =	shalt  }
0x84: {  	_ =	shalt  }
0x85: {  	_ =	shalt  }
0x86: {  	_ =	shalt  }
0x87: {  	_ =	shalt  }
.Lfunc_end0:
.L_simem_size_0:
called_computation_lowered:
.L_overlay_start_0:
0x88: {  	s2 =	sld [smem:$0x3FD9]  }
0x89: {  	s3 =	sld [smem:$0x3FFE];
	_ =	sdelay $0x1  }
0x8a: {  	s1 =	srdreg.scid  }
0x8b: {  	s0 =	sand.u32 $0x1, s1  }
0x8c: {  	s16 =	sshll.u32 s0, $0xA;
	s2 =	sadd.s32 s3, s2  }
0x8d: {  	s2 =	sadd.s32 s2, s16  }
0x8e: {  	[smem:$0x3FC0] =	sst s2  }
0x8f: {  	_ = 	snop  }
0x90: {  	(tm) =	ssettm $0x1  }
0x91: {  	s17 =	sld [smem:$0x3FFB];
	_ =	sdelay $0x3  }
0x92: {  	_ =	strace s17  }
0x93: {  	s2 =	sld [smem:$0x3FFC];
	_ =	sdelay $0x3  }
0x94: {  	_ =	strace s2  }
0x95: {  	s2 =	sld [smem:$0x3FFD];
	_ =	sdelay $0x3  }
0x96: {  	_ =	strace s2  }
0x97: {  	_ =	strace $0x8FFFFFFF  }
0x98: {  	s18 =	sld [smem:$0x3FDB];
	_ =	sdelay $0x1  }
0x99: {  	s19 =	simm.s32 $_scs_section_size  }
0x9a: {  	s4 =	simm.s32 $_size__tile_overlayer_lowered;
	s5 =	simm.s32 $_tile_overlayer_lowered  }
0x9b: {  	s22 =	simm.s32 $0x1BFF;
	s21 =	sshll.u32 s5, $0x1;
	s2 =	sadd.s32 s19, s18  }
0x9c: {  	s6 =	simm.s32 $0x0;
	s20 =	sshll.u32 s4, $0x1;
	s4 =	sadd.s32 s21, s2  }
0x9d: {  	[timem:s6], [sflag:s22] =	dma.local [hbm:s4], s20  }
0x9e: {  	_ =	swait.ge [sflag:s22], s20  }
0x9f: {  	s3 =	ssub.s32 $0x0, s20;
	[sflag:s22] =	ssyncset.done $0x0  }
0xa0: {  	[sflag:s22] =	ssyncadd.s32 s3;
	_ =	sdelay $0x1  }
0xa1: {  	s23 =	simm.s32 $0x1B8B  }
0xa2: {  	_ =	swait.ge [sflag:s23], $0x1  }
0xa3: {  	[sflag:s23] =	ssyncset.done $0x0  }
0xa4: {  	s25 =	simm.s32 $0x1B8E;
	s24 =	sld [smem:$0x3FFE];
	[sflag:s23] =	ssyncadd.s32 $0xFFFFFFFF  }
0xa5: {  	s26 =	simm.s32 $execute0_lowered;
	[smem:$0x3FD2] =	sst s25  }
0xa6: {  	s4 =	sshll.u32 s26, $0x1;
	_ =	strace $0x80000046;
	[dreg:$0x1] =	wrdreg $0xFFFFFFFF  }
0xa7: {  	s28 =	simm.s32 $_size_execute0_lowered;
	s2 =	sadd.s32 s2, s4;
	[dreg:$0x0] =	wrdreg $0x0  }
0xa8: {  	s4 =	sshll.u32 s28, $0x1;
	[dreg:$0x2] =	wrdreg s2  }
0xa9: {  	[dreg:$0x3] =	wrdreg s4  }
0xaa: {  	[dreg:$0x4] =	wrdreg $0xC0  }
0xab: {  	_ =	task [dreg:s6], $0x5FFFF  }
0xac: {  	[dreg:$0x1] =	wrdreg $0xFFFFFFFF  }
0xad: {  	[dreg:$0x0] =	wrdreg $0x60  }
0xae: {  	[dreg:$0x2] =	wrdreg s24  }
0xaf: {  	[dreg:$0x3] =	wrdreg $0x68000  }
0xb0: {  	[dreg:$0x4] =	wrdreg $0x9  }
0xb1: {  	_ =	task.clear_ibuf [dreg:s6], $0x5FFFF;
	_ =	strace $0x90000046  }
0xb2: {  	s29 =	simm.s32 $0x9;
	_ =	strace $0x80000048  }
0xb3: {  	_ =	swait.ge [sflag:s29], $0x1  }
0xb4: {  	[sflag:s29] =	ssyncadd.s32 $0xFFFFFFFF  }
0xb5: {  	_ =	strace $0x90000048  }
0xb6: {  	_ =	sfence  }
0xb7: {  	s30 =	sld [smem:$0x0];
	_ =	sdelay $0x2  }
0xb8: {  	s31 =	sshll.u32 s1, $0xD;
	s1 =	sshrl.u32 s1, $0x2  }
0xb9: {  	s3 =	sand.u32 $0x4000, s31;
	s1 =	sadd.s32 s1, s30  }
0xba: {  	s0 =	sor.u32 s3, s0;
	s1 =	sshll.u32 s1, $0x11  }
0xbb: {  	s0 =	sor.u32 s1, s0  }
0xbc: {  	s0 =	sadd.s32 $0x8F2B, s0  }
0xbd: {  	[sflag:s0] =	ssyncadd.remote.s32 $0x1  }
0xbe: {  	_ =	sfence.sel $0xFFFF  }
0xbf: {  	[dreg:$0x0] =	wrdreg $0xFFFFFFFF;
	(pc) =	sbr.abs _section_cstart, $3  }
0xc0: {  	[dreg:$0x1] =	wrdreg $0xFFFFFFFF  }
0xc1: {  	_ =	task.clear_ibuf [dreg:s6], $0x2FFFF;
	_ =	strace $0x9FFFFFFF  }
0xc2: {  	(tm) =	ssettm $0x7FFFFFFF  }
0xc3: {  	_ =	shalt  }
tec
execute0_lowered:
.L_overlay_start_1:
0x0: {  	(tag) =	ssettag $0x1  }
0x1: {  	s11 =	rddreg [dreg:$0x0]  }
0x2: {  	s1 =	rddreg [dreg:$0x1]  }
0x3: {  	s0 =	rddreg [dreg:$0x2];
	s2 =	simm.s32 $0x0;
	s5 =	srdreg.scid  }
0x4: {  	s3 =	stileid.u32;
	[smem:$0x7FF] =	sst s2  }
0x5: {  	s12 =	sadd.s32 $0x9400, s11;
	s13 =	sadd.s32 $0x4400, s11;
	s8 =	smul.u32 $0x280, s3  }
0x6: {  	s4 =	sadd.s32 $0xEC00, s11;
	s14 =	sand.u32 $0x1, s5;
	s7 =	smul.u32 $0x50000, s3  }
0x7: {  	s5 =	sadd.s32 $0xE400, s11;
	s15 =	sadd.s32 $0xF400, s11;
	s22 =	smul.u32 $0x14000, s3  }
0x8: {  	s30 =	smul.u32 $0x500, s3;
	s23 =	sadd.s32 $0x37400, s11;
	s6 =	ssub.s32 $0x2, s14  }
0x9: {  	_ =	strace $0x80000047;
	p0 =	seq.s32 s14, $0x0;
	s9 =	sshrl.u32 s6, $0x1  }
0xa: {  	s16 =	sadd.s32 $0x80, s8;
	s26 =	sshrl.u32 s7, $0x2;
	s18 =	sadd.s32 $0x100, s8  }
0xb: {  	s19 =	sadd.s32 $0x180, s8;
	s20 =	sadd.s32 $0x200, s8;
	s31 =	sshrl.u32 s22, $0x3  }
0xc: {  	s22 =	smul.u32 $0x2800, s3;
	s13 =	smov.u32 @p0 s12;
	s23 =	smov.u32 @p0 s15  }
0xd: {  	s17 =	ssub.s32 s6, s9;
	s28 =	sshll.u32 s16, $0x7;
	s6 =	sadd.s32 s26, s1  }
0xe: {  	s29 =	sshll.u32 s18, $0x7;
	s10 =	sshll.u32 s19, $0x7;
	s21 =	sshll.u32 s20, $0x7  }
0xf: {  	s16 =	sshll.u32 s16, $0x4;
	s18 =	sshll.u32 s18, $0x4;
	s19 =	sshll.u32 s19, $0x4  }
0x10: {  	s20 =	sshll.u32 s20, $0x4;
	s12 =	sadd.s32 s13, s30;
	s7 =	sadd.s32 s28, s1  }
0x11: {  	s8 =	sadd.s32 s29, s1;
	s9 =	sadd.s32 s10, s1;
	s10 =	sadd.s32 s21, s1  }
0x12: {  	s21 =	sadd.s32 $0x28000, s31;
	s11 =	smax.u32 s17, $0x1;
	s14 =	sadd.s32 s23, s16  }
0x13: {  	s16 =	sadd.s32 s23, s19;
	s17 =	sadd.s32 s23, s20;
	s21 =	smov.u32 @p0 s22  }
0x14: {  	s19 =	simm.s32 $0x1;
	s20 =	simm.s32 $0x80;
	s13 =	sadd.s32 s15, s21  }
0x15: {  	s15 =	sadd.s32 s23, s18;
	s18 =	simm.s32 $0x2800;
	s21 =	simm.s32 $0x0  }
.LBB2_1:
0x16: {  	[tilespmem:s18], [sflag:$0x1] =	stream.linear.gather [hbm4b:s5+s2], $0x4000, $0x38;
	[tilespmem:$0x1A800] =	vst v63  }
0x17: {  	_ =	swait.ge [sflag:s19], $0x4000  }
0x18: {  	[sflag:s19] =	ssyncset.done $0x0  }
0x19: {  	[sflag:s19] =	ssyncadd.s32 $0xFFFFC000  }
0x1a: {  	[spmem:s6] =	stream.linear.scatter [tilespmem:s18], [sflag:$0x1], $0x4000, $0x38;
	[tilespmem:$0x1A800] =	vst v63  }
0x1b: {  	_ =	swait.ge [sflag:s19], $0x4000  }
0x1c: {  	[sflag:s19] =	ssyncset.done $0x0  }
0x1d: {  	[sflag:s19] =	ssyncadd.s32 $0xFFFFC000  }
0x1e: {  	[spmem:s7] =	stream.linear.scatter [tilespmem:s18], [sflag:$0x1], $0x4000, $0x38;
	[tilespmem:$0x1A800] =	vst v63  }
0x1f: {  	_ =	swait.ge [sflag:s19], $0x4000  }
0x20: {  	[sflag:s19] =	ssyncset.done $0x0  }
0x21: {  	[sflag:s19] =	ssyncadd.s32 $0xFFFFC000  }
0x22: {  	[spmem:s8] =	stream.linear.scatter [tilespmem:s18], [sflag:$0x1], $0x4000, $0x38;
	[tilespmem:$0x1A800] =	vst v63  }
0x23: {  	_ =	swait.ge [sflag:s19], $0x4000  }
0x24: {  	[sflag:s19] =	ssyncset.done $0x0  }
0x25: {  	[sflag:s19] =	ssyncadd.s32 $0xFFFFC000  }
0x26: {  	[spmem:s9] =	stream.linear.scatter [tilespmem:s18], [sflag:$0x1], $0x4000, $0x38;
	[tilespmem:$0x1A800] =	vst v63  }
0x27: {  	_ =	swait.ge [sflag:s19], $0x4000  }
0x28: {  	[sflag:s19] =	ssyncset.done $0x0  }
0x29: {  	[sflag:s19] =	ssyncadd.s32 $0xFFFFC000  }
0x2a: {  	[spmem:s10] =	stream.linear.scatter [tilespmem:s18], [sflag:$0x1], $0x4000, $0x38;
	[tilespmem:$0x1A800] =	vst v63  }
0x2b: {  	_ =	swait.ge [sflag:s19], $0x4000  }
0x2c: {  	[sflag:s19] =	ssyncset.done $0x0  }
0x2d: {  	[sflag:s19] =	ssyncadd.s32 $0xFFFFC000  }
0x2e: {  	[tilespmem:s2], [sflag:$0x1] =	stream.linear.gather [hbm4b:s12+s2], $0x2800, $0x38;
	[tilespmem:$0x1A800] =	vst v63  }
0x2f: {  	_ =	swait.ge [sflag:s19], $0x2800  }
0x30: {  	[sflag:s19] =	ssyncset.done $0x0  }
0x31: {  	[sflag:s19] =	ssyncadd.s32 $0xFFFFD800  }
0x32: {  	[tilespmem:s18], [sflag:$0x1] =	stream.linear.gather [hbm4b:s4+s2], $0x4000, $0x38;
	[tilespmem:$0x1A800] =	vst v63  }
0x33: {  	_ =	swait.ge [sflag:s19], $0x4000  }
0x34: {  	[sflag:s19] =	ssyncset.done $0x0  }
0x35: {  	[sflag:s19] =	ssyncadd.s32 $0xFFFFC000  }
0x36: {  	s22 =	simm.s32 $0x0;
	[bflag:$0x0] =	sbarrier.arrive $0xFFFF  }
0x37: {  	[spmem:s1] =	stream.indirect.scatter.add.f32 [tilespmem:s18], [sflag:$0x1], $0x80, s22, s20, $0xb8;
	[tilespmem:$0x1A800] =	vst v63  }
0x38: {  	_ =	swait.ge [sflag:s19], $0x4000  }
0x39: {  	s22 =	simm.s32 $0x200;
	[sflag:s19] =	ssyncset.done $0x0  }
.LBB2_2:
0x3a: {  	s23 =	sshra.s32 s22, $0x2;
	[sflag:s19] =	ssyncadd.s32 $0xFFFFC000;
	p0 =	sne.s32 s22, $0x9E00  }
0x3b: {  	[spmem:s1] =	stream.indirect.scatter.add.f32 [tilespmem:s18], [sflag:$0x1], $0x80, s23, s20, $0xb8;
	[tilespmem:$0x1A800] =	vst v63  }
.Ltmp0:
0x3c: {  	_ = 	snop;
	(pc) =	sbr.rel @p0 .LBB2_2-.Ltmp0, $4  }
0x3d: {  	_ = 	snop  }
0x3e: {  	s22 =	sadd.s32 $0x200, s22  }
0x3f: {  	_ =	swait.ge [sflag:s19], $0x4000  }
0x40: {  	[sflag:s19] =	ssyncset.done $0x0  }
0x41: {  	[sflag:s19] =	ssyncadd.s32 $0xFFFFC000  }
0x42: {  	[bflag:$0x0] =	sbarrier.arrive $0xFFFF  }
0x43: {  	[tilespmem:s18], [sflag:$0x1] =	stream.linear.gather [spmem:s6], $0x4000, $0x38;
	[tilespmem:$0x1A800] =	vst v63  }
0x44: {  	_ =	swait.ge [sflag:s19], $0x4000  }
0x45: {  	[sflag:s19] =	ssyncset.done $0x0  }
0x46: {  	[sflag:s19] =	ssyncadd.s32 $0xFFFFC000  }
0x47: {  	[hbm4b:s13+s2] =	stream.linear.scatter [tilespmem:s18], [sflag:$0x1], $0x4000, $0x38;
	[tilespmem:$0x1A800] =	vst v63  }
0x48: {  	_ =	swait.ge [sflag:s19], $0x4000  }
0x49: {  	[sflag:s19] =	ssyncset.done $0x0  }
0x4a: {  	[sflag:s19] =	ssyncadd.s32 $0xFFFFC000  }
0x4b: {  	[tilespmem:s18], [sflag:$0x1] =	stream.linear.gather [spmem:s7], $0x4000, $0x38;
	[tilespmem:$0x1A800] =	vst v63  }
0x4c: {  	_ =	swait.ge [sflag:s19], $0x4000  }
0x4d: {  	[sflag:s19] =	ssyncset.done $0x0  }
0x4e: {  	[sflag:s19] =	ssyncadd.s32 $0xFFFFC000  }
0x4f: {  	[hbm4b:s14+s2] =	stream.linear.scatter [tilespmem:s18], [sflag:$0x1], $0x4000, $0x38;
	[tilespmem:$0x1A800] =	vst v63  }
0x50: {  	_ =	swait.ge [sflag:s19], $0x4000  }
0x51: {  	[sflag:s19] =	ssyncset.done $0x0  }
0x52: {  	[sflag:s19] =	ssyncadd.s32 $0xFFFFC000  }
0x53: {  	[tilespmem:s18], [sflag:$0x1] =	stream.linear.gather [spmem:s8], $0x4000, $0x38;
	[tilespmem:$0x1A800] =	vst v63  }
0x54: {  	_ =	swait.ge [sflag:s19], $0x4000  }
0x55: {  	[sflag:s19] =	ssyncset.done $0x0  }
0x56: {  	[sflag:s19] =	ssyncadd.s32 $0xFFFFC000  }
0x57: {  	[hbm4b:s15+s2] =	stream.linear.scatter [tilespmem:s18], [sflag:$0x1], $0x4000, $0x38;
	[tilespmem:$0x1A800] =	vst v63  }
0x58: {  	_ =	swait.ge [sflag:s19], $0x4000  }
0x59: {  	[sflag:s19] =	ssyncset.done $0x0  }
0x5a: {  	[sflag:s19] =	ssyncadd.s32 $0xFFFFC000  }
0x5b: {  	[tilespmem:s18], [sflag:$0x1] =	stream.linear.gather [spmem:s9], $0x4000, $0x38;
	[tilespmem:$0x1A800] =	vst v63  }
0x5c: {  	_ =	swait.ge [sflag:s19], $0x4000  }
0x5d: {  	[sflag:s19] =	ssyncset.done $0x0  }
0x5e: {  	[sflag:s19] =	ssyncadd.s32 $0xFFFFC000  }
0x5f: {  	[hbm4b:s16+s2] =	stream.linear.scatter [tilespmem:s18], [sflag:$0x1], $0x4000, $0x38;
	[tilespmem:$0x1A800] =	vst v63  }
0x60: {  	_ =	swait.ge [sflag:s19], $0x4000  }
0x61: {  	[sflag:s19] =	ssyncset.done $0x0  }
0x62: {  	[sflag:s19] =	ssyncadd.s32 $0xFFFFC000  }
0x63: {  	[tilespmem:s18], [sflag:$0x1] =	stream.linear.gather [spmem:s10], $0x4000, $0x38;
	[tilespmem:$0x1A800] =	vst v63  }
0x64: {  	s21 =	sadd.s32 $0x1, s21;
	_ =	swait.ge [sflag:s19], $0x4000  }
0x65: {  	p0 =	sne.s32 s21, s11;
	[sflag:s19] =	ssyncset.done $0x0  }
.Ltmp1:
0x66: {  	[sflag:s19] =	ssyncadd.s32 $0xFFFFC000;
	(pc) =	sbr.rel @p0 .LBB2_1-.Ltmp1, $4  }
0x67: {  	[hbm4b:s17+s2] =	stream.linear.scatter [tilespmem:s18], [sflag:$0x1], $0x4000, $0x38;
	[tilespmem:$0x1A800] =	vst v63  }
0x68: {  	_ =	swait.ge [sflag:s19], $0x4000  }
0x69: {  	[sflag:s19] =	ssyncset.done $0x0  }
0x6a: {  	[sflag:s19] =	ssyncadd.s32 $0xFFFFC000  }
0x6b: {  	_ =	sfence.sel $0x180000  }
0x6c: {  	[bflag:$0x0] =	sbarrier.arrive $0xFFFF  }
0x6d: {  	p0 =	sne.s32 s3, $0x0;
	_ =	strace $0x90000047  }
0x6e: {  	s0 =	sadd.s32 @!p0 $0x100000, s0;
	[bflag:$0x2] =	sbarrier.arrive $0xFFFF  }
0x6f: {  	[sflag:s0] =	ssyncadd.tile.s32 @!p0 $0x1;
	_ =	shalt  }
.Lfunc_end2:
_tile_overlayer_lowered:
.L_overlay_start_2:
0x70: {  	(tag) =	ssettag $0x2  }
0x71: {  	s0 =	rddreg [dreg:$0x0];
	s2 =	stileid.u32  }
0x72: {  	s1 =	rddreg [dreg:$0x1];
	p0 =	sne.s32 s2, $0x0  }
0x73: {  	s3 =	rddreg [dreg:$0x2];
	[bflag:$0x3] =	sbarrier.arrive $0xFFFF;
	s2 =	simm.s32 @!p0 $0x1C01  }
0x74: {  	[timem:s3], [sflag:s2] =	dma.local @!p0 [hbm:s0], s1  }
0x75: {  	s0 =	simm.s32 @!p0 $0x1  }
0x76: {  	_ =	swait.ge @!p0 [sflag:s0], s1  }
0x77: {  	s1 =	ssub.s32 @!p0 $0x0, s1;
	[sflag:s0] =	ssyncset.done @!p0 $0x0  }
0x78: {  	[sflag:s0] =	ssyncadd.s32 @!p0 s1  }
0x79: {  	[bflag:$0x3] =	sbarrier.arrive $0xFFFF  }
0x7a: {  	_ =	shalt  }

</sc_bundles>
